<compile_context>
chip_gen: v7x
topology: tpu7x:2x2x1
jax: 0.10.2.dev20260603
libtpu: 0.0.44.dev20260713+nightly
codegen_flags: <defaults>
</compile_context>

<pallas_src>
import functools

import jax
import jax.numpy as jnp
from jax import lax
from jax.experimental import pallas as pl
from jax.experimental.pallas import tpu as pltpu
from jax.experimental.pallas import tpu_sc as plsc

N_NODES = 10000
N_EDGES = 320000
NC = 2
NS = 16
NW = NC * NS
EB = 128
NB_TOTAL = N_EDGES // EB
EPS = 1e-5

RPT = 624

_SC_MESH = dict(core_axis_name="c", subcore_axis_name="s",
                num_cores=NC, num_subcores=NS)


def _zero_slice(zrow_hbm, sh, s):
    r0 = s * RPT
    pltpu.sync_copy(zrow_hbm.at[pl.ds(0, RPT)], sh.at[pl.ds(r0, RPT)])

    @pl.when(s == NS - 1)
    def _():
        pltpu.sync_copy(zrow_hbm.at[pl.ds(0, 16)], sh.at[pl.ds(NS * RPT, 16)])


def _writeback_slice(sh, out, c, s):
    r0 = s * RPT
    pltpu.sync_copy(sh.at[pl.ds(r0, RPT)], out.at[c, pl.ds(r0, RPT)])

    @pl.when(s == NS - 1)
    def _():
        pltpu.sync_copy(sh.at[pl.ds(NS * RPT, 16)],
                        out.at[c, pl.ds(NS * RPT, 16)])


def _sc_conv1_body(x_hbm, src_hbm, dst_hbm, zrow_hbm, ones_hbm,
                   agg_out, cnt_out,
                   agg_sh, sidx0, sidx1, didx0, didx1,
                   rows0, rows1, gsem0, gsem1, isem0, isem1):
    c = lax.axis_index("c")
    s = lax.axis_index("s")
    w = c * NS + s

    _zero_slice(zrow_hbm, agg_sh, s)
    plsc.subcore_barrier()

    rows = (rows0, rows1)
    gsem = (gsem0, gsem1)
    sidx = (sidx0, sidx1)
    didx = (didx0, didx1)
    isem = (isem0, isem1)
    g0 = 78 * w

    def fire_idx(j, b):
        e0 = (g0 + j) * EB
        pltpu.async_copy(src_hbm.at[pl.ds(e0, EB)], sidx[b], isem[b])
        pltpu.async_copy(dst_hbm.at[pl.ds(e0, EB)], didx[b], isem[b])

    def wait_idx(b):
        pltpu.make_async_copy(src_hbm.at[pl.ds(0, EB)], sidx[b], isem[b]).wait()
        pltpu.make_async_copy(dst_hbm.at[pl.ds(0, EB)], didx[b], isem[b]).wait()

    def fire_gather(b):
        pltpu.async_copy(x_hbm.at[sidx[b]], rows[b], gsem[b])

    def wait_gather(b):
        pltpu.make_async_copy(zrow_hbm.at[pl.ds(0, EB)], rows[b], gsem[b]).wait()

    def scatter(b):
        pltpu.sync_copy(rows[b], agg_sh.at[didx[b]], add=True)

    fire_idx(0, 0)
    wait_idx(0)
    fire_gather(0)
    fire_idx(1, 1)

    def pair(i, carry):
        for b in (0, 1):
            j = 2 * i + b
            wait_idx(1 - b)
            fire_gather(1 - b)
            wait_gather(b)
            scatter(b)
            fire_idx(j + 2, b)
        return carry

    lax.fori_loop(0, 38, pair, 0)
    wait_idx(1)
    fire_gather(1)
    wait_gather(0)
    scatter(0)
    wait_gather(1)
    scatter(1)

    @pl.when(w < 4)
    def _():
        e0 = (78 * NW + w) * EB
        pltpu.sync_copy(src_hbm.at[pl.ds(e0, EB)], sidx0)
        pltpu.sync_copy(dst_hbm.at[pl.ds(e0, EB)], didx0)
        pltpu.async_copy(x_hbm.at[sidx0], rows0, gsem0).wait()
        pltpu.sync_copy(rows0, agg_sh.at[didx0], add=True)

    plsc.subcore_barrier()
    _writeback_slice(agg_sh, agg_out, c, s)

    _zero_slice(zrow_hbm, agg_sh, s)
    pltpu.sync_copy(ones_hbm.at[pl.ds(0, EB)], rows0)
    plsc.subcore_barrier()

    def fire_didx(j, b):
        pltpu.async_copy(dst_hbm.at[pl.ds((g0 + j) * EB, EB)], didx[b], isem[b])

    def wait_didx(b):
        pltpu.make_async_copy(dst_hbm.at[pl.ds(0, EB)], didx[b], isem[b]).wait()

    fire_didx(0, 0)
    fire_didx(1, 1)

    def cpair(i, carry):
        for b in (0, 1):
            j = 2 * i + b
            wait_didx(b)
            pltpu.sync_copy(rows0, agg_sh.at[didx[b]], add=True)
            fire_didx(j + 2, b)
        return carry

    lax.fori_loop(0, 38, cpair, 0)
    wait_didx(0)
    pltpu.sync_copy(rows0, agg_sh.at[didx0], add=True)
    wait_didx(1)
    pltpu.sync_copy(rows0, agg_sh.at[didx1], add=True)

    @pl.when(w < 4)
    def _():
        e0 = (78 * NW + w) * EB
        pltpu.sync_copy(dst_hbm.at[pl.ds(e0, EB)], didx0)
        pltpu.sync_copy(rows0, agg_sh.at[didx0], add=True)

    plsc.subcore_barrier()
    _writeback_slice(agg_sh, cnt_out, c, s)


def _sc_conv2_body(h_hbm, src_hbm, dst_hbm, zrow_hbm,
                   agg_out,
                   agg_sh, sidx0, sidx1, didx0, didx1,
                   rows0, rows1, gsem0, gsem1, isem0, isem1):
    c = lax.axis_index("c")
    s = lax.axis_index("s")

    _zero_slice(zrow_hbm, agg_sh, s)
    plsc.subcore_barrier()

    rows = (rows0, rows1)
    gsem = (gsem0, gsem1)
    sidx = (sidx0, sidx1)
    didx = (didx0, didx1)
    isem = (isem0, isem1)
    base16 = jnp.full((16,), 0, jnp.int32) + c * N_NODES
    g0 = 156 * s

    def add_base(b):
        for k in range(EB // 16):
            sl = pl.ds(k * 16, 16)
            sidx[b][sl] = sidx[b][sl] + base16

    def fire_idx(j, b):
        e0 = (g0 + j) * EB
        pltpu.async_copy(src_hbm.at[pl.ds(e0, EB)], sidx[b], isem[b])
        pltpu.async_copy(dst_hbm.at[pl.ds(e0, EB)], didx[b], isem[b])

    def wait_idx(b):
        pltpu.make_async_copy(src_hbm.at[pl.ds(0, EB)], sidx[b], isem[b]).wait()
        pltpu.make_async_copy(dst_hbm.at[pl.ds(0, EB)], didx[b], isem[b]).wait()

    def fire_gather(b):
        pltpu.async_copy(h_hbm.at[sidx[b]], rows[b], gsem[b])

    def wait_gather(b):
        pltpu.make_async_copy(zrow_hbm.at[pl.ds(0, EB)], rows[b], gsem[b]).wait()

    def scatter(b):
        pltpu.sync_copy(rows[b], agg_sh.at[didx[b]], add=True)

    fire_idx(0, 0)
    wait_idx(0)
    add_base(0)
    fire_gather(0)
    fire_idx(1, 1)

    def pair(i, carry):
        for b in (0, 1):
            j = 2 * i + b
            wait_idx(1 - b)
            add_base(1 - b)
            fire_gather(1 - b)
            wait_gather(b)
            scatter(b)
            fire_idx(j + 2, b)
        return carry

    lax.fori_loop(0, 77, pair, 0)
    wait_idx(1)
    add_base(1)
    fire_gather(1)
    wait_gather(0)
    scatter(0)
    wait_gather(1)
    scatter(1)

    @pl.when(s < 4)
    def _():
        e0 = (156 * NS + s) * EB
        pltpu.sync_copy(src_hbm.at[pl.ds(e0, EB)], sidx0)
        pltpu.sync_copy(dst_hbm.at[pl.ds(e0, EB)], didx0)
        add_base(0)
        pltpu.async_copy(h_hbm.at[sidx0], rows0, gsem0).wait()
        pltpu.sync_copy(rows0, agg_sh.at[didx0], add=True)

    plsc.subcore_barrier()
    _writeback_slice(agg_sh, agg_out, c, s)


_DN = (((1,), (1,)), ((), ()))


def _dot(a, b):
    return lax.dot_general(a, b, _DN, preferred_element_type=jnp.float32)


def _tc1_body(x_ref, p_ref, cntt_ref, wl1_ref, bl1_ref, wr1_ref, g1_ref,
              b1_ref, w1_ref, bw1_ref, w2_ref, bw2_ref, hs_ref):
    cnt = cntt_ref[0][:, 0:1] + cntt_ref[1][:, 0:1]
    mean = (p_ref[0] + p_ref[1]) / jnp.clip(cnt, 1.0)
    pre = _dot(mean, wl1_ref[...]) + bl1_ref[...] + _dot(x_ref[...], wr1_ref[...])
    mu = jnp.mean(pre, axis=-1, keepdims=True)
    var = jnp.mean((pre - mu) ** 2, axis=-1, keepdims=True)
    h = jnp.maximum((pre - mu) * lax.rsqrt(var + EPS) * g1_ref[...] + b1_ref[...], 0.0)
    t = jnp.maximum(_dot(h, w1_ref[...]) + bw1_ref[...], 0.0)
    h2 = jnp.maximum(_dot(t, w2_ref[...]) + bw2_ref[...], 0.0)
    hs_ref[0] = h2[:, :128]
    hs_ref[1] = h2[:, 128:]


def _tc2_body(hs_ref, q_ref, cntt_ref, wl2_ref, bl2_ref, wr2_ref, g2_ref,
              b2_ref, w3_ref, bw3_ref, w4_ref, bw4_ref, o_ref):
    cnt = cntt_ref[0][:, 0:1] + cntt_ref[1][:, 0:1]
    icnt = 1.0 / jnp.clip(cnt, 1.0)
    mean = jnp.concatenate([q_ref[0], q_ref[1]], axis=1) * icnt
    hfull = jnp.concatenate([hs_ref[0], hs_ref[1]], axis=1)
    pre = _dot(mean, wl2_ref[...]) + bl2_ref[...] + _dot(hfull, wr2_ref[...])
    mu = jnp.mean(pre, axis=-1, keepdims=True)
    var = jnp.mean((pre - mu) ** 2, axis=-1, keepdims=True)
    h = jnp.maximum((pre - mu) * lax.rsqrt(var + EPS) * g2_ref[...] + b2_ref[...], 0.0)
    t = jnp.maximum(_dot(h, w3_ref[...]) + bw3_ref[...], 0.0)
    o_ref[...] = _dot(t, w4_ref[...]) + bw4_ref[...]


def _full(shape):
    return pl.BlockSpec(shape, lambda i: tuple(0 for _ in shape))


_AGG_SCRATCH = [
    pltpu.VMEM_SHARED((N_NODES, 128), jnp.float32),
    pltpu.VMEM((EB,), jnp.int32),
    pltpu.VMEM((EB,), jnp.int32),
    pltpu.VMEM((EB,), jnp.int32),
    pltpu.VMEM((EB,), jnp.int32),
    pltpu.VMEM((EB, 128), jnp.float32),
    pltpu.VMEM((EB, 128), jnp.float32),
    pltpu.SemaphoreType.DMA,
    pltpu.SemaphoreType.DMA,
    pltpu.SemaphoreType.DMA,
    pltpu.SemaphoreType.DMA,
]


def _sc_conv1(x, src, dst, zrow, ones_in):
    return pl.kernel(
        _sc_conv1_body,
        out_type=(jax.ShapeDtypeStruct((NC, N_NODES, 128), jnp.float32),
                  jax.ShapeDtypeStruct((NC, N_NODES, 128), jnp.float32)),
        mesh=plsc.VectorSubcoreMesh(**_SC_MESH),
        scratch_types=list(_AGG_SCRATCH),
    )(x, src, dst, zrow, ones_in)


def _sc_conv2(hflat, src, dst, zrow):
    return pl.kernel(
        _sc_conv2_body,
        out_type=jax.ShapeDtypeStruct((NC, N_NODES, 128), jnp.float32),
        mesh=plsc.VectorSubcoreMesh(**_SC_MESH),
        scratch_types=list(_AGG_SCRATCH),
    )(hflat, src, dst, zrow)


def kernel(x, edge_index, Wl1, bl1, Wr1, g1, beta1, W1, bW1, W2, bW2,
           Wl2, bl2, Wr2, g2, beta2, W3, bW3, W4, bW4):
    ei = edge_index.astype(jnp.int32)
    src, dst = ei[0], ei[1]
    zrow = jnp.zeros((RPT, 128), jnp.float32)
    ones_in = jnp.ones((EB, 128), jnp.float32)

    agg1, cntt = _sc_conv1(x, src, dst, zrow, ones_in)

    R = 1000
    grid = (N_NODES // R,)
    b1 = bl1.reshape(1, -1)
    gg1 = g1.reshape(1, -1)
    bb1 = beta1.reshape(1, -1)
    hs = pl.pallas_call(
        _tc1_body,
        grid=grid,
        in_specs=[
            pl.BlockSpec((R, 128), lambda i: (i, 0)),
            pl.BlockSpec((NC, R, 128), lambda i: (0, i, 0)),
            pl.BlockSpec((NC, R, 128), lambda i: (0, i, 0)),
            _full(Wl1.shape), _full(b1.shape), _full(Wr1.shape),
            _full(gg1.shape), _full(bb1.shape),
            _full(W1.shape), _full((1, 512)),
            _full(W2.shape), _full((1, 256)),
        ],
        out_specs=pl.BlockSpec((NC, R, 128), lambda i: (0, i, 0)),
        out_shape=jax.ShapeDtypeStruct((NC, N_NODES, 128), jnp.float32),
    )(x, agg1, cntt, Wl1, b1, Wr1, gg1, bb1,
      W1, bW1.reshape(1, -1), W2, bW2.reshape(1, -1))

    hflat = hs.reshape(NC * N_NODES, 128)
    agg2 = _sc_conv2(hflat, src, dst, zrow)

    out = pl.pallas_call(
        _tc2_body,
        grid=grid,
        in_specs=[
            pl.BlockSpec((NC, R, 128), lambda i: (0, i, 0)),
            pl.BlockSpec((NC, R, 128), lambda i: (0, i, 0)),
            pl.BlockSpec((NC, R, 128), lambda i: (0, i, 0)),
            _full(Wl2.shape), _full((1, 128)), _full(Wr2.shape),
            _full((1, 128)), _full((1, 128)),
            _full(W3.shape), _full((1, 256)),
            _full(W4.shape), _full((1, 128)),
        ],
        out_specs=pl.BlockSpec((R, 128), lambda i: (i, 0)),
        out_shape=jax.ShapeDtypeStruct((N_NODES, 128), jnp.float32),
    )(hs, agg2, cntt, Wl2, bl2.reshape(1, -1), Wr2,
      g2.reshape(1, -1), beta2.reshape(1, -1),
      W3, bW3.reshape(1, -1), W4, bW4.reshape(1, -1))

    return out

# --- scband reference (transcript-rebuilt; emitter-appended) ---
"""Pipeline reference for scband-graph-sage-encoder-17952963297837 (READ-ONLY COPY).

The authoritative reference and input builder live on the scoring server;
editing this copy changes nothing except your own understanding.
"""

import jax, jax.numpy as jnp
import numpy as np

N_NODES = 10000
N_EDGES = 320000
IN_CH = 128
OUT_CH = 128
EPS = 1e-5


def _sage_conv(x, edge_index, Wl, bl, Wr):
    src = edge_index[0]
    dst = edge_index[1]
    msgs = jnp.take(x, src, axis=0)
    agg = jax.ops.segment_sum(msgs, dst, num_segments=N_NODES)
    cnt = jax.ops.segment_sum(jnp.ones((msgs.shape[0],), dtype=x.dtype), dst, num_segments=N_NODES)
    mean = agg / jnp.clip(cnt, 1.0)[:, None]
    return mean @ Wl.T + bl + x @ Wr.T


def _layer_norm(x, g, b):
    mu = jnp.mean(x, axis=-1, keepdims=True)
    var = jnp.var(x, axis=-1, keepdims=True)
    return (x - mu) / jnp.sqrt(var + EPS) * g + b


def setup_inputs(seed: int = 0) -> dict:
    key = jax.random.key(seed)
    ks = jax.random.split(key, 24)
    s = 0.05
    inp = {}
    inp['x'] = jax.random.normal(ks[0], (N_NODES, IN_CH), dtype=jnp.float32)
    inp['edge_index'] = jax.random.randint(ks[1], (2, N_EDGES), 0, N_NODES, dtype=jnp.int64)
    # conv1: 128 -> 256
    inp['Wl1'] = jax.random.normal(ks[2], (256, 128), dtype=jnp.float32) * s
    inp['bl1'] = jnp.zeros((256,), dtype=jnp.float32)
    inp['Wr1'] = jax.random.normal(ks[3], (256, 128), dtype=jnp.float32) * s
    # norm1
    inp['g1'] = jnp.ones((256,), dtype=jnp.float32)
    inp['beta1'] = jnp.zeros((256,), dtype=jnp.float32)
    # linear1: 256 -> 512
    inp['W1'] = jax.random.normal(ks[4], (512, 256), dtype=jnp.float32) * s
    inp['bW1'] = jnp.zeros((512,), dtype=jnp.float32)
    # linear2: 512 -> 256
    inp['W2'] = jax.random.normal(ks[5], (256, 512), dtype=jnp.float32) * s
    inp['bW2'] = jnp.zeros((256,), dtype=jnp.float32)
    # conv2: 256 -> 128
    inp['Wl2'] = jax.random.normal(ks[6], (128, 256), dtype=jnp.float32) * s
    inp['bl2'] = jnp.zeros((128,), dtype=jnp.float32)
    inp['Wr2'] = jax.random.normal(ks[7], (128, 256), dtype=jnp.float32) * s
    # norm2
    inp['g2'] = jnp.ones((128,), dtype=jnp.float32)
    inp['beta2'] = jnp.zeros((128,), dtype=jnp.float32)
    # linear3: 128 -> 256
    inp['W3'] = jax.random.normal(ks[8], (256, 128), dtype=jnp.float32) * s
    inp['bW3'] = jnp.zeros((256,), dtype=jnp.float32)
    # linear4: 256 -> 128
    inp['W4'] = jax.random.normal(ks[9], (128, 256), dtype=jnp.float32) * s
    inp['bW4'] = jnp.zeros((128,), dtype=jnp.float32)
    return inp


def reference(x, edge_index, Wl1, bl1, Wr1, g1, beta1, W1, bW1, W2, bW2, Wl2, bl2, Wr2, g2, beta2, W3, bW3, W4, bW4):
    h = _sage_conv(x, edge_index, Wl1, bl1, Wr1)
    h = jax.nn.relu(_layer_norm(h, g1, beta1))
    h = jax.nn.relu(h @ W1.T + bW1)
    h = jax.nn.relu(h @ W2.T + bW2)
    h = _sage_conv(h, edge_index, Wl2, bl2, Wr2)
    h = jax.nn.relu(_layer_norm(h, g2, beta2))
    h = jax.nn.relu(h @ W3.T + bW3)
    h = h @ W4.T + bW4
    return h

if __name__ == "__main__":
    import jax
    _d = setup_inputs()
    print(jax.jit(kernel)(*tuple(_d.values())))

</pallas_src>

<mosaic_0001>
#map = affine_map<(d0, d1) -> (0, 0)>
#map1 = affine_map<(d0, d1) -> (0)>
#map2 = affine_map<(d0, d1) -> (0, 0, 0)>
module attributes {stable_mosaic.version = 14 : i64} {
  func.func @_sc_conv2_body(%arg0: i32, %arg1: i32, %arg2: memref<20000x128xf32, #tpu.memory_space<hbm>>, %arg3: memref<320000xi32, #tpu.memory_space<hbm>>, %arg4: memref<320000xi32, #tpu.memory_space<hbm>>, %arg5: memref<624x128xf32, #tpu.memory_space<hbm>>, %arg6: memref<2x10000x128xf32, #tpu.memory_space<hbm>>, %arg7: memref<10000x128xf32, #tpu.memory_space<vmem_shared>>, %arg8: memref<128xi32, #tpu.memory_space<vmem>>, %arg9: memref<128xi32, #tpu.memory_space<vmem>>, %arg10: memref<128xi32, #tpu.memory_space<vmem>>, %arg11: memref<128xi32, #tpu.memory_space<vmem>>, %arg12: memref<128x128xf32, #tpu.memory_space<vmem>>, %arg13: memref<128x128xf32, #tpu.memory_space<vmem>>, %arg14: memref<!tpu.dma_semaphore, #tpu.memory_space<semaphore_mem>>, %arg15: memref<!tpu.dma_semaphore, #tpu.memory_space<semaphore_mem>>, %arg16: memref<!tpu.dma_semaphore, #tpu.memory_space<semaphore_mem>>, %arg17: memref<!tpu.dma_semaphore, #tpu.memory_space<semaphore_mem>>) attributes {dimension_semantics = [#tpu.dimension_semantics<core_parallel>, #tpu.dimension_semantics<subcore_parallel>], iteration_bounds = array<i64: 2, 16>, scalar_prefetch = 0 : i64, scratch_operands = 11 : i64, tpu.core_type = #tpu.core_type<sc_vector_subcore>, window_params = [{transform_indices = #map}, {transform_indices = #map1}, {transform_indices = #map1}, {transform_indices = #map}, {transform_indices = #map2}]} {
    %mul3A = arith.constant 624 : i32
    %mul3A_0 = arith.muli %arg1, %mul3A : i32
    "tpu.region"() ({
      %run_scoped3A = tpu.sem_alloc : memref<!tpu.dma_semaphore, #tpu.memory_space<semaphore_mem>>
      %dma_start3A_200 = arith.constant 0 : i32
      %dma_start3A_201 = tpu.memref_slice %arg7[%mul3A_0, %dma_start3A_200] : memref<10000x128xf32, #tpu.memory_space<vmem_shared>> -> memref<624x128xf32, #tpu.memory_space<vmem_shared>>
      %dma_start3A_202 = arith.constant 0 : i32
      %dma_start3A_203 = arith.constant 0 : i32
      %dma_start3A_204 = tpu.memref_slice %arg5[%dma_start3A_202, %dma_start3A_203] : memref<624x128xf32, #tpu.memory_space<hbm>> -> memref<624x128xf32, #tpu.memory_space<hbm>>
      tpu.enqueue_dma source(%dma_start3A_204 : memref<624x128xf32, #tpu.memory_space<hbm>>) target(%dma_start3A_201 : memref<624x128xf32, #tpu.memory_space<vmem_shared>>) target_semaphore(%run_scoped3A : memref<!tpu.dma_semaphore, #tpu.memory_space<semaphore_mem>>)
      %dma_wait3A_205 = arith.constant 0 : i32
      %dma_wait3A_206 = tpu.memref_slice %arg7[%mul3A_0, %dma_wait3A_205] : memref<10000x128xf32, #tpu.memory_space<vmem_shared>> -> memref<624x128xf32, #tpu.memory_space<vmem_shared>>
      %dma_wait3A_207 = arith.constant 0 : i32
      %dma_wait3A_208 = arith.constant 0 : i32
      %dma_wait3A_209 = tpu.memref_slice %arg5[%dma_wait3A_207, %dma_wait3A_208] : memref<624x128xf32, #tpu.memory_space<hbm>> -> memref<624x128xf32, #tpu.memory_space<hbm>>
      tpu.wait_dma2 semaphore(%run_scoped3A : memref<!tpu.dma_semaphore, #tpu.memory_space<semaphore_mem>>) src(%dma_wait3A_209 : memref<624x128xf32, #tpu.memory_space<hbm>>) dst(%dma_wait3A_206 : memref<624x128xf32, #tpu.memory_space<vmem_shared>>)
      tpu.yield
    }) : () -> ()
    %eq3A = arith.constant 15 : i32
    %eq3A_1 = arith.cmpi eq, %arg1, %eq3A : i32
    %convert_element_type3A = arith.extui %eq3A_1 : i1 to i32
    %cond3A = arith.constant 0 : i32
    %cond3A_2 = arith.cmpi ne, %convert_element_type3A, %cond3A : i32
    scf.if %cond3A_2 {
      "tpu.region"() ({
        %run_scoped3A = tpu.sem_alloc : memref<!tpu.dma_semaphore, #tpu.memory_space<semaphore_mem>>
        %dma_start3A_200 = arith.constant 9984 : i32
        %dma_start3A_201 = arith.constant 0 : i32
        %dma_start3A_202 = tpu.memref_slice %arg7[%dma_start3A_200, %dma_start3A_201] : memref<10000x128xf32, #tpu.memory_space<vmem_shared>> -> memref<16x128xf32, #tpu.memory_space<vmem_shared>>
        %dma_start3A_203 = arith.constant 0 : i32
        %dma_start3A_204 = arith.constant 0 : i32
        %dma_start3A_205 = tpu.memref_slice %arg5[%dma_start3A_203, %dma_start3A_204] : memref<624x128xf32, #tpu.memory_space<hbm>> -> memref<16x128xf32, #tpu.memory_space<hbm>>
        tpu.enqueue_dma source(%dma_start3A_205 : memref<16x128xf32, #tpu.memory_space<hbm>>) target(%dma_start3A_202 : memref<16x128xf32, #tpu.memory_space<vmem_shared>>) target_semaphore(%run_scoped3A : memref<!tpu.dma_semaphore, #tpu.memory_space<semaphore_mem>>)
        %dma_wait3A_206 = arith.constant 9984 : i32
        %dma_wait3A_207 = arith.constant 0 : i32
        %dma_wait3A_208 = tpu.memref_slice %arg7[%dma_wait3A_206, %dma_wait3A_207] : memref<10000x128xf32, #tpu.memory_space<vmem_shared>> -> memref<16x128xf32, #tpu.memory_space<vmem_shared>>
        %dma_wait3A_209 = arith.constant 0 : i32
        %dma_wait3A_210 = arith.constant 0 : i32
        %dma_wait3A_211 = tpu.memref_slice %arg5[%dma_wait3A_209, %dma_wait3A_210] : memref<624x128xf32, #tpu.memory_space<hbm>> -> memref<16x128xf32, #tpu.memory_space<hbm>>
        tpu.wait_dma2 semaphore(%run_scoped3A : memref<!tpu.dma_semaphore, #tpu.memory_space<semaphore_mem>>) src(%dma_wait3A_211 : memref<16x128xf32, #tpu.memory_space<hbm>>) dst(%dma_wait3A_208 : memref<16x128xf32, #tpu.memory_space<vmem_shared>>)
        tpu.yield
      }) : () -> ()
    } else {
    }
    %barrier3A = arith.constant 0 : index
    tpu.barrier barrier_id(%barrier3A)
    %broadcast_in_dim3A = arith.constant 0 : i32
    %broadcast_in_dim3A_3 = vector.broadcast %broadcast_in_dim3A : i32 to vector<16xi32>
    %mul3A_4 = arith.constant 10000 : i32
    %mul3A_5 = arith.muli %arg0, %mul3A_4 : i32
    %add3A = vector.broadcast %mul3A_5 : i32 to vector<16xi32>
    %add3A_6 = arith.addi %broadcast_in_dim3A_3, %add3A : vector<16xi32>
    %mul3A_7 = arith.constant 156 : i32
    %mul3A_8 = arith.muli %mul3A_7, %arg1 : i32
    %add3A_9 = arith.constant 0 : i32
    %add3A_10 = arith.addi %mul3A_8, %add3A_9 : i32
    %mul3A_11 = arith.constant 128 : i32
    %mul3A_12 = arith.muli %add3A_10, %mul3A_11 : i32
    %dma_start3A = tpu.memref_slice %arg3[%mul3A_12] : memref<320000xi32, #tpu.memory_space<hbm>> -> memref<128xi32, #tpu.memory_space<hbm>>
    %dma_start3A_13 = tpu.memref_slice %arg3[%mul3A_12] : memref<320000xi32, #tpu.memory_space<hbm>> -> memref<128xi32, #tpu.memory_space<hbm>>
    tpu.enqueue_dma source(%dma_start3A_13 : memref<128xi32, #tpu.memory_space<hbm>>) target(%arg8 : memref<128xi32, #tpu.memory_space<vmem>>) target_semaphore(%arg16 : memref<!tpu.dma_semaphore, #tpu.memory_space<semaphore_mem>>)
    %dma_start3A_14 = tpu.memref_slice %arg4[%mul3A_12] : memref<320000xi32, #tpu.memory_space<hbm>> -> memref<128xi32, #tpu.memory_space<hbm>>
    %dma_start3A_15 = tpu.memref_slice %arg4[%mul3A_12] : memref<320000xi32, #tpu.memory_space<hbm>> -> memref<128xi32, #tpu.memory_space<hbm>>
    tpu.enqueue_dma source(%dma_start3A_15 : memref<128xi32, #tpu.memory_space<hbm>>) target(%arg10 : memref<128xi32, #tpu.memory_space<vmem>>) target_semaphore(%arg16 : memref<!tpu.dma_semaphore, #tpu.memory_space<semaphore_mem>>)
    %dma_wait3A = arith.constant 0 : i32
    %dma_wait3A_16 = tpu.memref_slice %arg3[%dma_wait3A] : memref<320000xi32, #tpu.memory_space<hbm>> -> memref<128xi32, #tpu.memory_space<hbm>>
    %dma_wait3A_17 = arith.constant 0 : i32
    %dma_wait3A_18 = tpu.memref_slice %arg3[%dma_wait3A_17] : memref<320000xi32, #tpu.memory_space<hbm>> -> memref<128xi32, #tpu.memory_space<hbm>>
    tpu.wait_dma2 semaphore(%arg16 : memref<!tpu.dma_semaphore, #tpu.memory_space<semaphore_mem>>) src(%dma_wait3A_18 : memref<128xi32, #tpu.memory_space<hbm>>) dst(%arg8 : memref<128xi32, #tpu.memory_space<vmem>>)
    %dma_wait3A_19 = arith.constant 0 : i32
    %dma_wait3A_20 = tpu.memref_slice %arg4[%dma_wait3A_19] : memref<320000xi32, #tpu.memory_space<hbm>> -> memref<128xi32, #tpu.memory_space<hbm>>
    %dma_wait3A_21 = arith.constant 0 : i32
    %dma_wait3A_22 = tpu.memref_slice %arg4[%dma_wait3A_21] : memref<320000xi32, #tpu.memory_space<hbm>> -> memref<128xi32, #tpu.memory_space<hbm>>
    tpu.wait_dma2 semaphore(%arg16 : memref<!tpu.dma_semaphore, #tpu.memory_space<semaphore_mem>>) src(%dma_wait3A_22 : memref<128xi32, #tpu.memory_space<hbm>>) dst(%arg10 : memref<128xi32, #tpu.memory_space<vmem>>)
    %get3A = arith.constant 0 : index
    %get3A_23 = tpu.vector_load %arg8[%get3A] {strides = array<i32>} : memref<128xi32, #tpu.memory_space<vmem>>, vector<16xi32>,
    %get3A_24 = vector.shape_cast %get3A_23 : vector<16xi32> to vector<16xi32>
    %add3A_25 = arith.addi %get3A_24, %add3A_6 : vector<16xi32>
    %swap3A = arith.constant 0 : index
    %swap3A_26 = tpu.vector_load %arg8[%swap3A] {strides = array<i32>} : memref<128xi32, #tpu.memory_space<vmem>>, vector<16xi32>,
    %swap3A_27 = vector.shape_cast %swap3A_26 : vector<16xi32> to vector<16xi32>
    %swap3A_28 = vector.shape_cast %add3A_25 : vector<16xi32> to vector<16xi32>
    tpu.vector_store %arg8[%swap3A], %swap3A_28 {strides = array<i32>} : memref<128xi32, #tpu.memory_space<vmem>>, vector<16xi32>,
    %get3A_29 = arith.constant 16 : index
    %get3A_30 = tpu.vector_load %arg8[%get3A_29] {strides = array<i32>} : memref<128xi32, #tpu.memory_space<vmem>>, vector<16xi32>,
    %get3A_31 = vector.shape_cast %get3A_30 : vector<16xi32> to vector<16xi32>
    %add3A_32 = arith.addi %get3A_31, %add3A_6 : vector<16xi32>
    %swap3A_33 = arith.constant 16 : index
    %swap3A_34 = tpu.vector_load %arg8[%swap3A_33] {strides = array<i32>} : memref<128xi32, #tpu.memory_space<vmem>>, vector<16xi32>,
    %swap3A_35 = vector.shape_cast %swap3A_34 : vector<16xi32> to vector<16xi32>
    %swap3A_36 = vector.shape_cast %add3A_32 : vector<16xi32> to vector<16xi32>
    tpu.vector_store %arg8[%swap3A_33], %swap3A_36 {strides = array<i32>} : memref<128xi32, #tpu.memory_space<vmem>>, vector<16xi32>,
    %get3A_37 = arith.constant 32 : index
    %get3A_38 = tpu.vector_load %arg8[%get3A_37] {strides = array<i32>} : memref<128xi32, #tpu.memory_space<vmem>>, vector<16xi32>,
    %get3A_39 = vector.shape_cast %get3A_38 : vector<16xi32> to vector<16xi32>
    %add3A_40 = arith.addi %get3A_39, %add3A_6 : vector<16xi32>
    %swap3A_41 = arith.constant 32 : index
    %swap3A_42 = tpu.vector_load %arg8[%swap3A_41] {strides = array<i32>} : memref<128xi32, #tpu.memory_space<vmem>>, vector<16xi32>,
    %swap3A_43 = vector.shape_cast %swap3A_42 : vector<16xi32> to vector<16xi32>
    %swap3A_44 = vector.shape_cast %add3A_40 : vector<16xi32> to vector<16xi32>
    tpu.vector_store %arg8[%swap3A_41], %swap3A_44 {strides = array<i32>} : memref<128xi32, #tpu.memory_space<vmem>>, vector<16xi32>,
    %get3A_45 = arith.constant 48 : index
    %get3A_46 = tpu.vector_load %arg8[%get3A_45] {strides = array<i32>} : memref<128xi32, #tpu.memory_space<vmem>>, vector<16xi32>,
    %get3A_47 = vector.shape_cast %get3A_46 : vector<16xi32> to vector<16xi32>
    %add3A_48 = arith.addi %get3A_47, %add3A_6 : vector<16xi32>
    %swap3A_49 = arith.constant 48 : index
    %swap3A_50 = tpu.vector_load %arg8[%swap3A_49] {strides = array<i32>} : memref<128xi32, #tpu.memory_space<vmem>>, vector<16xi32>,
    %swap3A_51 = vector.shape_cast %swap3A_50 : vector<16xi32> to vector<16xi32>
    %swap3A_52 = vector.shape_cast %add3A_48 : vector<16xi32> to vector<16xi32>
    tpu.vector_store %arg8[%swap3A_49], %swap3A_52 {strides = array<i32>} : memref<128xi32, #tpu.memory_space<vmem>>, vector<16xi32>,
    %get3A_53 = arith.constant 64 : index
    %get3A_54 = tpu.vector_load %arg8[%get3A_53] {strides = array<i32>} : memref<128xi32, #tpu.memory_space<vmem>>, vector<16xi32>,
    %get3A_55 = vector.shape_cast %get3A_54 : vector<16xi32> to vector<16xi32>
    %add3A_56 = arith.addi %get3A_55, %add3A_6 : vector<16xi32>
    %swap3A_57 = arith.constant 64 : index
    %swap3A_58 = tpu.vector_load %arg8[%swap3A_57] {strides = array<i32>} : memref<128xi32, #tpu.memory_space<vmem>>, vector<16xi32>,
    %swap3A_59 = vector.shape_cast %swap3A_58 : vector<16xi32> to vector<16xi32>
    %swap3A_60 = vector.shape_cast %add3A_56 : vector<16xi32> to vector<16xi32>
    tpu.vector_store %arg8[%swap3A_57], %swap3A_60 {strides = array<i32>} : memref<128xi32, #tpu.memory_space<vmem>>, vector<16xi32>,
    %get3A_61 = arith.constant 80 : index
    %get3A_62 = tpu.vector_load %arg8[%get3A_61] {strides = array<i32>} : memref<128xi32, #tpu.memory_space<vmem>>, vector<16xi32>,
    %get3A_63 = vector.shape_cast %get3A_62 : vector<16xi32> to vector<16xi32>
    %add3A_64 = arith.addi %get3A_63, %add3A_6 : vector<16xi32>
    %swap3A_65 = arith.constant 80 : index
    %swap3A_66 = tpu.vector_load %arg8[%swap3A_65] {strides = array<i32>} : memref<128xi32, #tpu.memory_space<vmem>>, vector<16xi32>,
    %swap3A_67 = vector.shape_cast %swap3A_66 : vector<16xi32> to vector<16xi32>
    %swap3A_68 = vector.shape_cast %add3A_64 : vector<16xi32> to vector<16xi32>
    tpu.vector_store %arg8[%swap3A_65], %swap3A_68 {strides = array<i32>} : memref<128xi32, #tpu.memory_space<vmem>>, vector<16xi32>,
    %get3A_69 = arith.constant 96 : index
    %get3A_70 = tpu.vector_load %arg8[%get3A_69] {strides = array<i32>} : memref<128xi32, #tpu.memory_space<vmem>>, vector<16xi32>,
    %get3A_71 = vector.shape_cast %get3A_70 : vector<16xi32> to vector<16xi32>
    %add3A_72 = arith.addi %get3A_71, %add3A_6 : vector<16xi32>
    %swap3A_73 = arith.constant 96 : index
    %swap3A_74 = tpu.vector_load %arg8[%swap3A_73] {strides = array<i32>} : memref<128xi32, #tpu.memory_space<vmem>>, vector<16xi32>,
    %swap3A_75 = vector.shape_cast %swap3A_74 : vector<16xi32> to vector<16xi32>
    %swap3A_76 = vector.shape_cast %add3A_72 : vector<16xi32> to vector<16xi32>
    tpu.vector_store %arg8[%swap3A_73], %swap3A_76 {strides = array<i32>} : memref<128xi32, #tpu.memory_space<vmem>>, vector<16xi32>,
    %get3A_77 = arith.constant 112 : index
    %get3A_78 = tpu.vector_load %arg8[%get3A_77] {strides = array<i32>} : memref<128xi32, #tpu.memory_space<vmem>>, vector<16xi32>,
    %get3A_79 = vector.shape_cast %get3A_78 : vector<16xi32> to vector<16xi32>
    %add3A_80 = arith.addi %get3A_79, %add3A_6 : vector<16xi32>
    %swap3A_81 = arith.constant 112 : index
    %swap3A_82 = tpu.vector_load %arg8[%swap3A_81] {strides = array<i32>} : memref<128xi32, #tpu.memory_space<vmem>>, vector<16xi32>,
    %swap3A_83 = vector.shape_cast %swap3A_82 : vector<16xi32> to vector<16xi32>
    %swap3A_84 = vector.shape_cast %add3A_80 : vector<16xi32> to vector<16xi32>
    tpu.vector_store %arg8[%swap3A_81], %swap3A_84 {strides = array<i32>} : memref<128xi32, #tpu.memory_space<vmem>>, vector<16xi32>,
    %dma_start3A_85 = arith.constant 0 : i32
    %dma_start3A_86 = arith.constant 0 : i32
    %dma_start3A_87 = tpu.memref_slice %arg2[%dma_start3A_85, %dma_start3A_86] : memref<20000x128xf32, #tpu.memory_space<hbm>> -> memref<20000x128xf32, #tpu.memory_space<hbm>>
    tpu.enqueue_indirect_dma source(%dma_start3A_87 : memref<20000x128xf32, #tpu.memory_space<hbm>>) target(%arg12 : memref<128x128xf32, #tpu.memory_space<vmem>>) offsets(%arg8 : memref<128xi32, #tpu.memory_space<vmem>>) semaphore(%arg14 : memref<!tpu.dma_semaphore, #tpu.memory_space<semaphore_mem>>)
    %add3A_88 = arith.constant 1 : i32
    %add3A_89 = arith.addi %mul3A_8, %add3A_88 : i32
    %mul3A_90 = arith.constant 128 : i32
    %mul3A_91 = arith.muli %add3A_89, %mul3A_90 : i32
    %dma_start3A_92 = tpu.memref_slice %arg3[%mul3A_91] : memref<320000xi32, #tpu.memory_space<hbm>> -> memref<128xi32, #tpu.memory_space<hbm>>
    %dma_start3A_93 = tpu.memref_slice %arg3[%mul3A_91] : memref<320000xi32, #tpu.memory_space<hbm>> -> memref<128xi32, #tpu.memory_space<hbm>>
    tpu.enqueue_dma source(%dma_start3A_93 : memref<128xi32, #tpu.memory_space<hbm>>) target(%arg9 : memref<128xi32, #tpu.memory_space<vmem>>) target_semaphore(%arg17 : memref<!tpu.dma_semaphore, #tpu.memory_space<semaphore_mem>>)
    %dma_start3A_94 = tpu.memref_slice %arg4[%mul3A_91] : memref<320000xi32, #tpu.memory_space<hbm>> -> memref<128xi32, #tpu.memory_space<hbm>>
    %dma_start3A_95 = tpu.memref_slice %arg4[%mul3A_91] : memref<320000xi32, #tpu.memory_space<hbm>> -> memref<128xi32, #tpu.memory_space<hbm>>
    tpu.enqueue_dma source(%dma_start3A_95 : memref<128xi32, #tpu.memory_space<hbm>>) target(%arg11 : memref<128xi32, #tpu.memory_space<vmem>>) target_semaphore(%arg17 : memref<!tpu.dma_semaphore, #tpu.memory_space<semaphore_mem>>)
    %scan3A = arith.constant 0 : i32
    %scan3A_96 = arith.constant 0 : i32
    %scan3A_97 = arith.constant 77 : i32
    %scan3A_98 = arith.addi %scan3A_96, %scan3A_97 : i32
    %scan3A_99 = arith.constant 1 : i32
    scf.for %scan3A_200 = %scan3A_96 to %scan3A_98 step %scan3A_99  : i32 {
      %mul3A_201 = arith.constant 2 : i32
      %mul3A_202 = arith.muli %mul3A_201, %scan3A_200 : i32
      %add3A_203 = arith.constant 0 : i32
      %add3A_204 = arith.addi %mul3A_202, %add3A_203 : i32
      %dma_wait3A_205 = arith.constant 0 : i32
      %dma_wait3A_206 = tpu.memref_slice %arg3[%dma_wait3A_205] : memref<320000xi32, #tpu.memory_space<hbm>> -> memref<128xi32, #tpu.memory_space<hbm>>
      %dma_wait3A_207 = arith.constant 0 : i32
      %dma_wait3A_208 = tpu.memref_slice %arg3[%dma_wait3A_207] : memref<320000xi32, #tpu.memory_space<hbm>> -> memref<128xi32, #tpu.memory_space<hbm>>
      tpu.wait_dma2 semaphore(%arg17 : memref<!tpu.dma_semaphore, #tpu.memory_space<semaphore_mem>>) src(%dma_wait3A_208 : memref<128xi32, #tpu.memory_space<hbm>>) dst(%arg9 : memref<128xi32, #tpu.memory_space<vmem>>)
      %dma_wait3A_209 = arith.constant 0 : i32
      %dma_wait3A_210 = tpu.memref_slice %arg4[%dma_wait3A_209] : memref<320000xi32, #tpu.memory_space<hbm>> -> memref<128xi32, #tpu.memory_space<hbm>>
      %dma_wait3A_211 = arith.constant 0 : i32
      %dma_wait3A_212 = tpu.memref_slice %arg4[%dma_wait3A_211] : memref<320000xi32, #tpu.memory_space<hbm>> -> memref<128xi32, #tpu.memory_space<hbm>>
      tpu.wait_dma2 semaphore(%arg17 : memref<!tpu.dma_semaphore, #tpu.memory_space<semaphore_mem>>) src(%dma_wait3A_212 : memref<128xi32, #tpu.memory_space<hbm>>) dst(%arg11 : memref<128xi32, #tpu.memory_space<vmem>>)
      %get3A_213 = arith.constant 0 : index
      %get3A_214 = tpu.vector_load %arg9[%get3A_213] {strides = array<i32>} : memref<128xi32, #tpu.memory_space<vmem>>, vector<16xi32>,
      %get3A_215 = vector.shape_cast %get3A_214 : vector<16xi32> to vector<16xi32>
      %add3A_216 = arith.addi %get3A_215, %add3A_6 : vector<16xi32>
      %swap3A_217 = arith.constant 0 : index
      %swap3A_218 = tpu.vector_load %arg9[%swap3A_217] {strides = array<i32>} : memref<128xi32, #tpu.memory_space<vmem>>, vector<16xi32>,
      %swap3A_219 = vector.shape_cast %swap3A_218 : vector<16xi32> to vector<16xi32>
      %swap3A_220 = vector.shape_cast %add3A_216 : vector<16xi32> to vector<16xi32>
      tpu.vector_store %arg9[%swap3A_217], %swap3A_220 {strides = array<i32>} : memref<128xi32, #tpu.memory_space<vmem>>, vector<16xi32>,
      %get3A_221 = arith.constant 16 : index
      %get3A_222 = tpu.vector_load %arg9[%get3A_221] {strides = array<i32>} : memref<128xi32, #tpu.memory_space<vmem>>, vector<16xi32>,
      %get3A_223 = vector.shape_cast %get3A_222 : vector<16xi32> to vector<16xi32>
      %add3A_224 = arith.addi %get3A_223, %add3A_6 : vector<16xi32>
      %swap3A_225 = arith.constant 16 : index
      %swap3A_226 = tpu.vector_load %arg9[%swap3A_225] {strides = array<i32>} : memref<128xi32, #tpu.memory_space<vmem>>, vector<16xi32>,
      %swap3A_227 = vector.shape_cast %swap3A_226 : vector<16xi32> to vector<16xi32>
      %swap3A_228 = vector.shape_cast %add3A_224 : vector<16xi32> to vector<16xi32>
      tpu.vector_store %arg9[%swap3A_225], %swap3A_228 {strides = array<i32>} : memref<128xi32, #tpu.memory_space<vmem>>, vector<16xi32>,
      %get3A_229 = arith.constant 32 : index
      %get3A_230 = tpu.vector_load %arg9[%get3A_229] {strides = array<i32>} : memref<128xi32, #tpu.memory_space<vmem>>, vector<16xi32>,
      %get3A_231 = vector.shape_cast %get3A_230 : vector<16xi32> to vector<16xi32>
      %add3A_232 = arith.addi %get3A_231, %add3A_6 : vector<16xi32>
      %swap3A_233 = arith.constant 32 : index
      %swap3A_234 = tpu.vector_load %arg9[%swap3A_233] {strides = array<i32>} : memref<128xi32, #tpu.memory_space<vmem>>, vector<16xi32>,
      %swap3A_235 = vector.shape_cast %swap3A_234 : vector<16xi32> to vector<16xi32>
      %swap3A_236 = vector.shape_cast %add3A_232 : vector<16xi32> to vector<16xi32>
      tpu.vector_store %arg9[%swap3A_233], %swap3A_236 {strides = array<i32>} : memref<128xi32, #tpu.memory_space<vmem>>, vector<16xi32>,
      %get3A_237 = arith.constant 48 : index
      %get3A_238 = tpu.vector_load %arg9[%get3A_237] {strides = array<i32>} : memref<128xi32, #tpu.memory_space<vmem>>, vector<16xi32>,
      %get3A_239 = vector.shape_cast %get3A_238 : vector<16xi32> to vector<16xi32>
      %add3A_240 = arith.addi %get3A_239, %add3A_6 : vector<16xi32>
      %swap3A_241 = arith.constant 48 : index
      %swap3A_242 = tpu.vector_load %arg9[%swap3A_241] {strides = array<i32>} : memref<128xi32, #tpu.memory_space<vmem>>, vector<16xi32>,
      %swap3A_243 = vector.shape_cast %swap3A_242 : vector<16xi32> to vector<16xi32>
      %swap3A_244 = vector.shape_cast %add3A_240 : vector<16xi32> to vector<16xi32>
      tpu.vector_store %arg9[%swap3A_241], %swap3A_244 {strides = array<i32>} : memref<128xi32, #tpu.memory_space<vmem>>, vector<16xi32>,
      %get3A_245 = arith.constant 64 : index
      %get3A_246 = tpu.vector_load %arg9[%get3A_245] {strides = array<i32>} : memref<128xi32, #tpu.memory_space<vmem>>, vector<16xi32>,
      %get3A_247 = vector.shape_cast %get3A_246 : vector<16xi32> to vector<16xi32>
      %add3A_248 = arith.addi %get3A_247, %add3A_6 : vector<16xi32>
      %swap3A_249 = arith.constant 64 : index
      %swap3A_250 = tpu.vector_load %arg9[%swap3A_249] {strides = array<i32>} : memref<128xi32, #tpu.memory_space<vmem>>, vector<16xi32>,
      %swap3A_251 = vector.shape_cast %swap3A_250 : vector<16xi32> to vector<16xi32>
      %swap3A_252 = vector.shape_cast %add3A_248 : vector<16xi32> to vector<16xi32>
      tpu.vector_store %arg9[%swap3A_249], %swap3A_252 {strides = array<i32>} : memref<128xi32, #tpu.memory_space<vmem>>, vector<16xi32>,
      %get3A_253 = arith.constant 80 : index
      %get3A_254 = tpu.vector_load %arg9[%get3A_253] {strides = array<i32>} : memref<128xi32, #tpu.memory_space<vmem>>, vector<16xi32>,
      %get3A_255 = vector.shape_cast %get3A_254 : vector<16xi32> to vector<16xi32>
      %add3A_256 = arith.addi %get3A_255, %add3A_6 : vector<16xi32>
      %swap3A_257 = arith.constant 80 : index
      %swap3A_258 = tpu.vector_load %arg9[%swap3A_257] {strides = array<i32>} : memref<128xi32, #tpu.memory_space<vmem>>, vector<16xi32>,
      %swap3A_259 = vector.shape_cast %swap3A_258 : vector<16xi32> to vector<16xi32>
      %swap3A_260 = vector.shape_cast %add3A_256 : vector<16xi32> to vector<16xi32>
      tpu.vector_store %arg9[%swap3A_257], %swap3A_260 {strides = array<i32>} : memref<128xi32, #tpu.memory_space<vmem>>, vector<16xi32>,
      %get3A_261 = arith.constant 96 : index
      %get3A_262 = tpu.vector_load %arg9[%get3A_261] {strides = array<i32>} : memref<128xi32, #tpu.memory_space<vmem>>, vector<16xi32>,
      %get3A_263 = vector.shape_cast %get3A_262 : vector<16xi32> to vector<16xi32>
      %add3A_264 = arith.addi %get3A_263, %add3A_6 : vector<16xi32>
      %swap3A_265 = arith.constant 96 : index
      %swap3A_266 = tpu.vector_load %arg9[%swap3A_265] {strides = array<i32>} : memref<128xi32, #tpu.memory_space<vmem>>, vector<16xi32>,
      %swap3A_267 = vector.shape_cast %swap3A_266 : vector<16xi32> to vector<16xi32>
      %swap3A_268 = vector.shape_cast %add3A_264 : vector<16xi32> to vector<16xi32>
      tpu.vector_store %arg9[%swap3A_265], %swap3A_268 {strides = array<i32>} : memref<128xi32, #tpu.memory_space<vmem>>, vector<16xi32>,
      %get3A_269 = arith.constant 112 : index
      %get3A_270 = tpu.vector_load %arg9[%get3A_269] {strides = array<i32>} : memref<128xi32, #tpu.memory_space<vmem>>, vector<16xi32>,
      %get3A_271 = vector.shape_cast %get3A_270 : vector<16xi32> to vector<16xi32>
      %add3A_272 = arith.addi %get3A_271, %add3A_6 : vector<16xi32>
      %swap3A_273 = arith.constant 112 : index
      %swap3A_274 = tpu.vector_load %arg9[%swap3A_273] {strides = array<i32>} : memref<128xi32, #tpu.memory_space<vmem>>, vector<16xi32>,
      %swap3A_275 = vector.shape_cast %swap3A_274 : vector<16xi32> to vector<16xi32>
      %swap3A_276 = vector.shape_cast %add3A_272 : vector<16xi32> to vector<16xi32>
      tpu.vector_store %arg9[%swap3A_273], %swap3A_276 {strides = array<i32>} : memref<128xi32, #tpu.memory_space<vmem>>, vector<16xi32>,
      %dma_start3A_277 = arith.constant 0 : i32
      %dma_start3A_278 = arith.constant 0 : i32
      %dma_start3A_279 = tpu.memref_slice %arg2[%dma_start3A_277, %dma_start3A_278] : memref<20000x128xf32, #tpu.memory_space<hbm>> -> memref<20000x128xf32, #tpu.memory_space<hbm>>
      tpu.enqueue_indirect_dma source(%dma_start3A_279 : memref<20000x128xf32, #tpu.memory_space<hbm>>) target(%arg13 : memref<128x128xf32, #tpu.memory_space<vmem>>) offsets(%arg9 : memref<128xi32, #tpu.memory_space<vmem>>) semaphore(%arg15 : memref<!tpu.dma_semaphore, #tpu.memory_space<semaphore_mem>>)
      %dma_wait3A_280 = arith.constant 0 : i32
      %dma_wait3A_281 = arith.constant 0 : i32
      %dma_wait3A_282 = tpu.memref_slice %arg5[%dma_wait3A_280, %dma_wait3A_281] : memref<624x128xf32, #tpu.memory_space<hbm>> -> memref<128x128xf32, #tpu.memory_space<hbm>>
      %dma_wait3A_283 = arith.constant 0 : i32
      %dma_wait3A_284 = arith.constant 0 : i32
      %dma_wait3A_285 = tpu.memref_slice %arg5[%dma_wait3A_283, %dma_wait3A_284] : memref<624x128xf32, #tpu.memory_space<hbm>> -> memref<128x128xf32, #tpu.memory_space<hbm>>
      tpu.wait_dma2 semaphore(%arg14 : memref<!tpu.dma_semaphore, #tpu.memory_space<semaphore_mem>>) src(%dma_wait3A_285 : memref<128x128xf32, #tpu.memory_space<hbm>>) dst(%arg12 : memref<128x128xf32, #tpu.memory_space<vmem>>)
      "tpu.region"() ({
        %run_scoped3A = tpu.sem_alloc : memref<!tpu.dma_semaphore, #tpu.memory_space<semaphore_mem>>
        %dma_start3A_389 = arith.constant 0 : i32
        %dma_start3A_390 = arith.constant 0 : i32
        %dma_start3A_391 = tpu.memref_slice %arg7[%dma_start3A_389, %dma_start3A_390] : memref<10000x128xf32, #tpu.memory_space<vmem_shared>> -> memref<10000x128xf32, #tpu.memory_space<vmem_shared>>
        tpu.enqueue_indirect_dma source(%arg12 : memref<128x128xf32, #tpu.memory_space<vmem>>) target(%dma_start3A_391 : memref<10000x128xf32, #tpu.memory_space<vmem_shared>>) offsets(%arg10 : memref<128xi32, #tpu.memory_space<vmem>>) semaphore(%run_scoped3A : memref<!tpu.dma_semaphore, #tpu.memory_space<semaphore_mem>>) {add = true}
        %dma_wait3A_392 = arith.constant 0 : i32
        %dma_wait3A_393 = arith.constant 0 : i32
        %dma_wait3A_394 = tpu.memref_slice %arg7[%dma_wait3A_392, %dma_wait3A_393] : memref<10000x128xf32, #tpu.memory_space<vmem_shared>> -> memref<10000x128xf32, #tpu.memory_space<vmem_shared>>
        tpu.wait_indirect_dma semaphore(%run_scoped3A : memref<!tpu.dma_semaphore, #tpu.memory_space<semaphore_mem>>) src(%arg12 : memref<128x128xf32, #tpu.memory_space<vmem>>) dst(%dma_wait3A_394 : memref<10000x128xf32, #tpu.memory_space<vmem_shared>>)
        tpu.yield
      }) : () -> ()
      %add3A_286 = arith.constant 2 : i32
      %add3A_287 = arith.addi %add3A_204, %add3A_286 : i32
      %add3A_288 = arith.addi %mul3A_8, %add3A_287 : i32
      %mul3A_289 = arith.constant 128 : i32
      %mul3A_290 = arith.muli %add3A_288, %mul3A_289 : i32
      %dma_start3A_291 = tpu.memref_slice %arg3[%mul3A_290] : memref<320000xi32, #tpu.memory_space<hbm>> -> memref<128xi32, #tpu.memory_space<hbm>>
      %dma_start3A_292 = tpu.memref_slice %arg3[%mul3A_290] : memref<320000xi32, #tpu.memory_space<hbm>> -> memref<128xi32, #tpu.memory_space<hbm>>
      tpu.enqueue_dma source(%dma_start3A_292 : memref<128xi32, #tpu.memory_space<hbm>>) target(%arg8 : memref<128xi32, #tpu.memory_space<vmem>>) target_semaphore(%arg16 : memref<!tpu.dma_semaphore, #tpu.memory_space<semaphore_mem>>)
      %dma_start3A_293 = tpu.memref_slice %arg4[%mul3A_290] : memref<320000xi32, #tpu.memory_space<hbm>> -> memref<128xi32, #tpu.memory_space<hbm>>
      %dma_start3A_294 = tpu.memref_slice %arg4[%mul3A_290] : memref<320000xi32, #tpu.memory_space<hbm>> -> memref<128xi32, #tpu.memory_space<hbm>>
      tpu.enqueue_dma source(%dma_start3A_294 : memref<128xi32, #tpu.memory_space<hbm>>) target(%arg10 : memref<128xi32, #tpu.memory_space<vmem>>) target_semaphore(%arg16 : memref<!tpu.dma_semaphore, #tpu.memory_space<semaphore_mem>>)
      %mul3A_295 = arith.constant 2 : i32
      %mul3A_296 = arith.muli %mul3A_295, %scan3A_200 : i32
      %add3A_297 = arith.constant 1 : i32
      %add3A_298 = arith.addi %mul3A_296, %add3A_297 : i32
      %dma_wait3A_299 = arith.constant 0 : i32
      %dma_wait3A_300 = tpu.memref_slice %arg3[%dma_wait3A_299] : memref<320000xi32, #tpu.memory_space<hbm>> -> memref<128xi32, #tpu.memory_space<hbm>>
      %dma_wait3A_301 = arith.constant 0 : i32
      %dma_wait3A_302 = tpu.memref_slice %arg3[%dma_wait3A_301] : memref<320000xi32, #tpu.memory_space<hbm>> -> memref<128xi32, #tpu.memory_space<hbm>>
      tpu.wait_dma2 semaphore(%arg16 : memref<!tpu.dma_semaphore, #tpu.memory_space<semaphore_mem>>) src(%dma_wait3A_302 : memref<128xi32, #tpu.memory_space<hbm>>) dst(%arg8 : memref<128xi32, #tpu.memory_space<vmem>>)
      %dma_wait3A_303 = arith.constant 0 : i32
      %dma_wait3A_304 = tpu.memref_slice %arg4[%dma_wait3A_303] : memref<320000xi32, #tpu.memory_space<hbm>> -> memref<128xi32, #tpu.memory_space<hbm>>
      %dma_wait3A_305 = arith.constant 0 : i32
      %dma_wait3A_306 = tpu.memref_slice %arg4[%dma_wait3A_305] : memref<320000xi32, #tpu.memory_space<hbm>> -> memref<128xi32, #tpu.memory_space<hbm>>
      tpu.wait_dma2 semaphore(%arg16 : memref<!tpu.dma_semaphore, #tpu.memory_space<semaphore_mem>>) src(%dma_wait3A_306 : memref<128xi32, #tpu.memory_space<hbm>>) dst(%arg10 : memref<128xi32, #tpu.memory_space<vmem>>)
      %get3A_307 = arith.constant 0 : index
      %get3A_308 = tpu.vector_load %arg8[%get3A_307] {strides = array<i32>} : memref<128xi32, #tpu.memory_space<vmem>>, vector<16xi32>,
      %get3A_309 = vector.shape_cast %get3A_308 : vector<16xi32> to vector<16xi32>
      %add3A_310 = arith.addi %get3A_309, %add3A_6 : vector<16xi32>
      %swap3A_311 = arith.constant 0 : index
      %swap3A_312 = tpu.vector_load %arg8[%swap3A_311] {strides = array<i32>} : memref<128xi32, #tpu.memory_space<vmem>>, vector<16xi32>,
      %swap3A_313 = vector.shape_cast %swap3A_312 : vector<16xi32> to vector<16xi32>
      %swap3A_314 = vector.shape_cast %add3A_310 : vector<16xi32> to vector<16xi32>
      tpu.vector_store %arg8[%swap3A_311], %swap3A_314 {strides = array<i32>} : memref<128xi32, #tpu.memory_space<vmem>>, vector<16xi32>,
      %get3A_315 = arith.constant 16 : index
      %get3A_316 = tpu.vector_load %arg8[%get3A_315] {strides = array<i32>} : memref<128xi32, #tpu.memory_space<vmem>>, vector<16xi32>,
      %get3A_317 = vector.shape_cast %get3A_316 : vector<16xi32> to vector<16xi32>
      %add3A_318 = arith.addi %get3A_317, %add3A_6 : vector<16xi32>
      %swap3A_319 = arith.constant 16 : index
      %swap3A_320 = tpu.vector_load %arg8[%swap3A_319] {strides = array<i32>} : memref<128xi32, #tpu.memory_space<vmem>>, vector<16xi32>,
      %swap3A_321 = vector.shape_cast %swap3A_320 : vector<16xi32> to vector<16xi32>
      %swap3A_322 = vector.shape_cast %add3A_318 : vector<16xi32> to vector<16xi32>
      tpu.vector_store %arg8[%swap3A_319], %swap3A_322 {strides = array<i32>} : memref<128xi32, #tpu.memory_space<vmem>>, vector<16xi32>,
      %get3A_323 = arith.constant 32 : index
      %get3A_324 = tpu.vector_load %arg8[%get3A_323] {strides = array<i32>} : memref<128xi32, #tpu.memory_space<vmem>>, vector<16xi32>,
      %get3A_325 = vector.shape_cast %get3A_324 : vector<16xi32> to vector<16xi32>
      %add3A_326 = arith.addi %get3A_325, %add3A_6 : vector<16xi32>
      %swap3A_327 = arith.constant 32 : index
      %swap3A_328 = tpu.vector_load %arg8[%swap3A_327] {strides = array<i32>} : memref<128xi32, #tpu.memory_space<vmem>>, vector<16xi32>,
      %swap3A_329 = vector.shape_cast %swap3A_328 : vector<16xi32> to vector<16xi32>
      %swap3A_330 = vector.shape_cast %add3A_326 : vector<16xi32> to vector<16xi32>
      tpu.vector_store %arg8[%swap3A_327], %swap3A_330 {strides = array<i32>} : memref<128xi32, #tpu.memory_space<vmem>>, vector<16xi32>,
      %get3A_331 = arith.constant 48 : index
      %get3A_332 = tpu.vector_load %arg8[%get3A_331] {strides = array<i32>} : memref<128xi32, #tpu.memory_space<vmem>>, vector<16xi32>,
      %get3A_333 = vector.shape_cast %get3A_332 : vector<16xi32> to vector<16xi32>
      %add3A_334 = arith.addi %get3A_333, %add3A_6 : vector<16xi32>
      %swap3A_335 = arith.constant 48 : index
      %swap3A_336 = tpu.vector_load %arg8[%swap3A_335] {strides = array<i32>} : memref<128xi32, #tpu.memory_space<vmem>>, vector<16xi32>,
      %swap3A_337 = vector.shape_cast %swap3A_336 : vector<16xi32> to vector<16xi32>
      %swap3A_338 = vector.shape_cast %add3A_334 : vector<16xi32> to vector<16xi32>
      tpu.vector_store %arg8[%swap3A_335], %swap3A_338 {strides = array<i32>} : memref<128xi32, #tpu.memory_space<vmem>>, vector<16xi32>,
      %get3A_339 = arith.constant 64 : index
      %get3A_340 = tpu.vector_load %arg8[%get3A_339] {strides = array<i32>} : memref<128xi32, #tpu.memory_space<vmem>>, vector<16xi32>,
      %get3A_341 = vector.shape_cast %get3A_340 : vector<16xi32> to vector<16xi32>
      %add3A_342 = arith.addi %get3A_341, %add3A_6 : vector<16xi32>
      %swap3A_343 = arith.constant 64 : index
      %swap3A_344 = tpu.vector_load %arg8[%swap3A_343] {strides = array<i32>} : memref<128xi32, #tpu.memory_space<vmem>>, vector<16xi32>,
      %swap3A_345 = vector.shape_cast %swap3A_344 : vector<16xi32> to vector<16xi32>
      %swap3A_346 = vector.shape_cast %add3A_342 : vector<16xi32> to vector<16xi32>
      tpu.vector_store %arg8[%swap3A_343], %swap3A_346 {strides = array<i32>} : memref<128xi32, #tpu.memory_space<vmem>>, vector<16xi32>,
      %get3A_347 = arith.constant 80 : index
      %get3A_348 = tpu.vector_load %arg8[%get3A_347] {strides = array<i32>} : memref<128xi32, #tpu.memory_space<vmem>>, vector<16xi32>,
      %get3A_349 = vector.shape_cast %get3A_348 : vector<16xi32> to vector<16xi32>
      %add3A_350 = arith.addi %get3A_349, %add3A_6 : vector<16xi32>
      %swap3A_351 = arith.constant 80 : index
      %swap3A_352 = tpu.vector_load %arg8[%swap3A_351] {strides = array<i32>} : memref<128xi32, #tpu.memory_space<vmem>>, vector<16xi32>,
      %swap3A_353 = vector.shape_cast %swap3A_352 : vector<16xi32> to vector<16xi32>
      %swap3A_354 = vector.shape_cast %add3A_350 : vector<16xi32> to vector<16xi32>
      tpu.vector_store %arg8[%swap3A_351], %swap3A_354 {strides = array<i32>} : memref<128xi32, #tpu.memory_space<vmem>>, vector<16xi32>,
      %get3A_355 = arith.constant 96 : index
      %get3A_356 = tpu.vector_load %arg8[%get3A_355] {strides = array<i32>} : memref<128xi32, #tpu.memory_space<vmem>>, vector<16xi32>,
      %get3A_357 = vector.shape_cast %get3A_356 : vector<16xi32> to vector<16xi32>
      %add3A_358 = arith.addi %get3A_357, %add3A_6 : vector<16xi32>
      %swap3A_359 = arith.constant 96 : index
      %swap3A_360 = tpu.vector_load %arg8[%swap3A_359] {strides = array<i32>} : memref<128xi32, #tpu.memory_space<vmem>>, vector<16xi32>,
      %swap3A_361 = vector.shape_cast %swap3A_360 : vector<16xi32> to vector<16xi32>
      %swap3A_362 = vector.shape_cast %add3A_358 : vector<16xi32> to vector<16xi32>
      tpu.vector_store %arg8[%swap3A_359], %swap3A_362 {strides = array<i32>} : memref<128xi32, #tpu.memory_space<vmem>>, vector<16xi32>,
      %get3A_363 = arith.constant 112 : index
      %get3A_364 = tpu.vector_load %arg8[%get3A_363] {strides = array<i32>} : memref<128xi32, #tpu.memory_space<vmem>>, vector<16xi32>,
      %get3A_365 = vector.shape_cast %get3A_364 : vector<16xi32> to vector<16xi32>
      %add3A_366 = arith.addi %get3A_365, %add3A_6 : vector<16xi32>
      %swap3A_367 = arith.constant 112 : index
      %swap3A_368 = tpu.vector_load %arg8[%swap3A_367] {strides = array<i32>} : memref<128xi32, #tpu.memory_space<vmem>>, vector<16xi32>,
      %swap3A_369 = vector.shape_cast %swap3A_368 : vector<16xi32> to vector<16xi32>
      %swap3A_370 = vector.shape_cast %add3A_366 : vector<16xi32> to vector<16xi32>
      tpu.vector_store %arg8[%swap3A_367], %swap3A_370 {strides = array<i32>} : memref<128xi32, #tpu.memory_space<vmem>>, vector<16xi32>,
      %dma_start3A_371 = arith.constant 0 : i32
      %dma_start3A_372 = arith.constant 0 : i32
      %dma_start3A_373 = tpu.memref_slice %arg2[%dma_start3A_371, %dma_start3A_372] : memref<20000x128xf32, #tpu.memory_space<hbm>> -> memref<20000x128xf32, #tpu.memory_space<hbm>>
      tpu.enqueue_indirect_dma source(%dma_start3A_373 : memref<20000x128xf32, #tpu.memory_space<hbm>>) target(%arg12 : memref<128x128xf32, #tpu.memory_space<vmem>>) offsets(%arg8 : memref<128xi32, #tpu.memory_space<vmem>>) semaphore(%arg14 : memref<!tpu.dma_semaphore, #tpu.memory_space<semaphore_mem>>)
      %dma_wait3A_374 = arith.constant 0 : i32
      %dma_wait3A_375 = arith.constant 0 : i32
      %dma_wait3A_376 = tpu.memref_slice %arg5[%dma_wait3A_374, %dma_wait3A_375] : memref<624x128xf32, #tpu.memory_space<hbm>> -> memref<128x128xf32, #tpu.memory_space<hbm>>
      %dma_wait3A_377 = arith.constant 0 : i32
      %dma_wait3A_378 = arith.constant 0 : i32
      %dma_wait3A_379 = tpu.memref_slice %arg5[%dma_wait3A_377, %dma_wait3A_378] : memref<624x128xf32, #tpu.memory_space<hbm>> -> memref<128x128xf32, #tpu.memory_space<hbm>>
      tpu.wait_dma2 semaphore(%arg15 : memref<!tpu.dma_semaphore, #tpu.memory_space<semaphore_mem>>) src(%dma_wait3A_379 : memref<128x128xf32, #tpu.memory_space<hbm>>) dst(%arg13 : memref<128x128xf32, #tpu.memory_space<vmem>>)
      "tpu.region"() ({
        %run_scoped3A = tpu.sem_alloc : memref<!tpu.dma_semaphore, #tpu.memory_space<semaphore_mem>>
        %dma_start3A_389 = arith.constant 0 : i32
        %dma_start3A_390 = arith.constant 0 : i32
        %dma_start3A_391 = tpu.memref_slice %arg7[%dma_start3A_389, %dma_start3A_390] : memref<10000x128xf32, #tpu.memory_space<vmem_shared>> -> memref<10000x128xf32, #tpu.memory_space<vmem_shared>>
        tpu.enqueue_indirect_dma source(%arg13 : memref<128x128xf32, #tpu.memory_space<vmem>>) target(%dma_start3A_391 : memref<10000x128xf32, #tpu.memory_space<vmem_shared>>) offsets(%arg11 : memref<128xi32, #tpu.memory_space<vmem>>) semaphore(%run_scoped3A : memref<!tpu.dma_semaphore, #tpu.memory_space<semaphore_mem>>) {add = true}
        %dma_wait3A_392 = arith.constant 0 : i32
        %dma_wait3A_393 = arith.constant 0 : i32
        %dma_wait3A_394 = tpu.memref_slice %arg7[%dma_wait3A_392, %dma_wait3A_393] : memref<10000x128xf32, #tpu.memory_space<vmem_shared>> -> memref<10000x128xf32, #tpu.memory_space<vmem_shared>>
        tpu.wait_indirect_dma semaphore(%run_scoped3A : memref<!tpu.dma_semaphore, #tpu.memory_space<semaphore_mem>>) src(%arg13 : memref<128x128xf32, #tpu.memory_space<vmem>>) dst(%dma_wait3A_394 : memref<10000x128xf32, #tpu.memory_space<vmem_shared>>)
        tpu.yield
      }) : () -> ()
      %add3A_380 = arith.constant 2 : i32
      %add3A_381 = arith.addi %add3A_298, %add3A_380 : i32
      %add3A_382 = arith.addi %mul3A_8, %add3A_381 : i32
      %mul3A_383 = arith.constant 128 : i32
      %mul3A_384 = arith.muli %add3A_382, %mul3A_383 : i32
      %dma_start3A_385 = tpu.memref_slice %arg3[%mul3A_384] : memref<320000xi32, #tpu.memory_space<hbm>> -> memref<128xi32, #tpu.memory_space<hbm>>
      %dma_start3A_386 = tpu.memref_slice %arg3[%mul3A_384] : memref<320000xi32, #tpu.memory_space<hbm>> -> memref<128xi32, #tpu.memory_space<hbm>>
      tpu.enqueue_dma source(%dma_start3A_386 : memref<128xi32, #tpu.memory_space<hbm>>) target(%arg9 : memref<128xi32, #tpu.memory_space<vmem>>) target_semaphore(%arg17 : memref<!tpu.dma_semaphore, #tpu.memory_space<semaphore_mem>>)
      %dma_start3A_387 = tpu.memref_slice %arg4[%mul3A_384] : memref<320000xi32, #tpu.memory_space<hbm>> -> memref<128xi32, #tpu.memory_space<hbm>>
      %dma_start3A_388 = tpu.memref_slice %arg4[%mul3A_384] : memref<320000xi32, #tpu.memory_space<hbm>> -> memref<128xi32, #tpu.memory_space<hbm>>
      tpu.enqueue_dma source(%dma_start3A_388 : memref<128xi32, #tpu.memory_space<hbm>>) target(%arg11 : memref<128xi32, #tpu.memory_space<vmem>>) target_semaphore(%arg17 : memref<!tpu.dma_semaphore, #tpu.memory_space<semaphore_mem>>)
    }
    %scan3A_100 = arith.constant 77 : i32
    %dma_wait3A_101 = arith.constant 0 : i32
    %dma_wait3A_102 = tpu.memref_slice %arg3[%dma_wait3A_101] : memref<320000xi32, #tpu.memory_space<hbm>> -> memref<128xi32, #tpu.memory_space<hbm>>
    %dma_wait3A_103 = arith.constant 0 : i32
    %dma_wait3A_104 = tpu.memref_slice %arg3[%dma_wait3A_103] : memref<320000xi32, #tpu.memory_space<hbm>> -> memref<128xi32, #tpu.memory_space<hbm>>
    tpu.wait_dma2 semaphore(%arg17 : memref<!tpu.dma_semaphore, #tpu.memory_space<semaphore_mem>>) src(%dma_wait3A_104 : memref<128xi32, #tpu.memory_space<hbm>>) dst(%arg9 : memref<128xi32, #tpu.memory_space<vmem>>)
    %dma_wait3A_105 = arith.constant 0 : i32
    %dma_wait3A_106 = tpu.memref_slice %arg4[%dma_wait3A_105] : memref<320000xi32, #tpu.memory_space<hbm>> -> memref<128xi32, #tpu.memory_space<hbm>>
    %dma_wait3A_107 = arith.constant 0 : i32
    %dma_wait3A_108 = tpu.memref_slice %arg4[%dma_wait3A_107] : memref<320000xi32, #tpu.memory_space<hbm>> -> memref<128xi32, #tpu.memory_space<hbm>>
    tpu.wait_dma2 semaphore(%arg17 : memref<!tpu.dma_semaphore, #tpu.memory_space<semaphore_mem>>) src(%dma_wait3A_108 : memref<128xi32, #tpu.memory_space<hbm>>) dst(%arg11 : memref<128xi32, #tpu.memory_space<vmem>>)
    %get3A_109 = arith.constant 0 : index
    %get3A_110 = tpu.vector_load %arg9[%get3A_109] {strides = array<i32>} : memref<128xi32, #tpu.memory_space<vmem>>, vector<16xi32>,
    %get3A_111 = vector.shape_cast %get3A_110 : vector<16xi32> to vector<16xi32>
    %add3A_112 = arith.addi %get3A_111, %add3A_6 : vector<16xi32>
    %swap3A_113 = arith.constant 0 : index
    %swap3A_114 = tpu.vector_load %arg9[%swap3A_113] {strides = array<i32>} : memref<128xi32, #tpu.memory_space<vmem>>, vector<16xi32>,
    %swap3A_115 = vector.shape_cast %swap3A_114 : vector<16xi32> to vector<16xi32>
    %swap3A_116 = vector.shape_cast %add3A_112 : vector<16xi32> to vector<16xi32>
    tpu.vector_store %arg9[%swap3A_113], %swap3A_116 {strides = array<i32>} : memref<128xi32, #tpu.memory_space<vmem>>, vector<16xi32>,
    %get3A_117 = arith.constant 16 : index
    %get3A_118 = tpu.vector_load %arg9[%get3A_117] {strides = array<i32>} : memref<128xi32, #tpu.memory_space<vmem>>, vector<16xi32>,
    %get3A_119 = vector.shape_cast %get3A_118 : vector<16xi32> to vector<16xi32>
    %add3A_120 = arith.addi %get3A_119, %add3A_6 : vector<16xi32>
    %swap3A_121 = arith.constant 16 : index
    %swap3A_122 = tpu.vector_load %arg9[%swap3A_121] {strides = array<i32>} : memref<128xi32, #tpu.memory_space<vmem>>, vector<16xi32>,
    %swap3A_123 = vector.shape_cast %swap3A_122 : vector<16xi32> to vector<16xi32>
    %swap3A_124 = vector.shape_cast %add3A_120 : vector<16xi32> to vector<16xi32>
    tpu.vector_store %arg9[%swap3A_121], %swap3A_124 {strides = array<i32>} : memref<128xi32, #tpu.memory_space<vmem>>, vector<16xi32>,
    %get3A_125 = arith.constant 32 : index
    %get3A_126 = tpu.vector_load %arg9[%get3A_125] {strides = array<i32>} : memref<128xi32, #tpu.memory_space<vmem>>, vector<16xi32>,
    %get3A_127 = vector.shape_cast %get3A_126 : vector<16xi32> to vector<16xi32>
    %add3A_128 = arith.addi %get3A_127, %add3A_6 : vector<16xi32>
    %swap3A_129 = arith.constant 32 : index
    %swap3A_130 = tpu.vector_load %arg9[%swap3A_129] {strides = array<i32>} : memref<128xi32, #tpu.memory_space<vmem>>, vector<16xi32>,
    %swap3A_131 = vector.shape_cast %swap3A_130 : vector<16xi32> to vector<16xi32>
    %swap3A_132 = vector.shape_cast %add3A_128 : vector<16xi32> to vector<16xi32>
    tpu.vector_store %arg9[%swap3A_129], %swap3A_132 {strides = array<i32>} : memref<128xi32, #tpu.memory_space<vmem>>, vector<16xi32>,
    %get3A_133 = arith.constant 48 : index
    %get3A_134 = tpu.vector_load %arg9[%get3A_133] {strides = array<i32>} : memref<128xi32, #tpu.memory_space<vmem>>, vector<16xi32>,
    %get3A_135 = vector.shape_cast %get3A_134 : vector<16xi32> to vector<16xi32>
    %add3A_136 = arith.addi %get3A_135, %add3A_6 : vector<16xi32>
    %swap3A_137 = arith.constant 48 : index
    %swap3A_138 = tpu.vector_load %arg9[%swap3A_137] {strides = array<i32>} : memref<128xi32, #tpu.memory_space<vmem>>, vector<16xi32>,
    %swap3A_139 = vector.shape_cast %swap3A_138 : vector<16xi32> to vector<16xi32>
    %swap3A_140 = vector.shape_cast %add3A_136 : vector<16xi32> to vector<16xi32>
    tpu.vector_store %arg9[%swap3A_137], %swap3A_140 {strides = array<i32>} : memref<128xi32, #tpu.memory_space<vmem>>, vector<16xi32>,
    %get3A_141 = arith.constant 64 : index
    %get3A_142 = tpu.vector_load %arg9[%get3A_141] {strides = array<i32>} : memref<128xi32, #tpu.memory_space<vmem>>, vector<16xi32>,
    %get3A_143 = vector.shape_cast %get3A_142 : vector<16xi32> to vector<16xi32>
    %add3A_144 = arith.addi %get3A_143, %add3A_6 : vector<16xi32>
    %swap3A_145 = arith.constant 64 : index
    %swap3A_146 = tpu.vector_load %arg9[%swap3A_145] {strides = array<i32>} : memref<128xi32, #tpu.memory_space<vmem>>, vector<16xi32>,
    %swap3A_147 = vector.shape_cast %swap3A_146 : vector<16xi32> to vector<16xi32>
    %swap3A_148 = vector.shape_cast %add3A_144 : vector<16xi32> to vector<16xi32>
    tpu.vector_store %arg9[%swap3A_145], %swap3A_148 {strides = array<i32>} : memref<128xi32, #tpu.memory_space<vmem>>, vector<16xi32>,
    %get3A_149 = arith.constant 80 : index
    %get3A_150 = tpu.vector_load %arg9[%get3A_149] {strides = array<i32>} : memref<128xi32, #tpu.memory_space<vmem>>, vector<16xi32>,
    %get3A_151 = vector.shape_cast %get3A_150 : vector<16xi32> to vector<16xi32>
    %add3A_152 = arith.addi %get3A_151, %add3A_6 : vector<16xi32>
    %swap3A_153 = arith.constant 80 : index
    %swap3A_154 = tpu.vector_load %arg9[%swap3A_153] {strides = array<i32>} : memref<128xi32, #tpu.memory_space<vmem>>, vector<16xi32>,
    %swap3A_155 = vector.shape_cast %swap3A_154 : vector<16xi32> to vector<16xi32>
    %swap3A_156 = vector.shape_cast %add3A_152 : vector<16xi32> to vector<16xi32>
    tpu.vector_store %arg9[%swap3A_153], %swap3A_156 {strides = array<i32>} : memref<128xi32, #tpu.memory_space<vmem>>, vector<16xi32>,
    %get3A_157 = arith.constant 96 : index
    %get3A_158 = tpu.vector_load %arg9[%get3A_157] {strides = array<i32>} : memref<128xi32, #tpu.memory_space<vmem>>, vector<16xi32>,
    %get3A_159 = vector.shape_cast %get3A_158 : vector<16xi32> to vector<16xi32>
    %add3A_160 = arith.addi %get3A_159, %add3A_6 : vector<16xi32>
    %swap3A_161 = arith.constant 96 : index
    %swap3A_162 = tpu.vector_load %arg9[%swap3A_161] {strides = array<i32>} : memref<128xi32, #tpu.memory_space<vmem>>, vector<16xi32>,
    %swap3A_163 = vector.shape_cast %swap3A_162 : vector<16xi32> to vector<16xi32>
    %swap3A_164 = vector.shape_cast %add3A_160 : vector<16xi32> to vector<16xi32>
    tpu.vector_store %arg9[%swap3A_161], %swap3A_164 {strides = array<i32>} : memref<128xi32, #tpu.memory_space<vmem>>, vector<16xi32>,
    %get3A_165 = arith.constant 112 : index
    %get3A_166 = tpu.vector_load %arg9[%get3A_165] {strides = array<i32>} : memref<128xi32, #tpu.memory_space<vmem>>, vector<16xi32>,
    %get3A_167 = vector.shape_cast %get3A_166 : vector<16xi32> to vector<16xi32>
    %add3A_168 = arith.addi %get3A_167, %add3A_6 : vector<16xi32>
    %swap3A_169 = arith.constant 112 : index
    %swap3A_170 = tpu.vector_load %arg9[%swap3A_169] {strides = array<i32>} : memref<128xi32, #tpu.memory_space<vmem>>, vector<16xi32>,
    %swap3A_171 = vector.shape_cast %swap3A_170 : vector<16xi32> to vector<16xi32>
    %swap3A_172 = vector.shape_cast %add3A_168 : vector<16xi32> to vector<16xi32>
    tpu.vector_store %arg9[%swap3A_169], %swap3A_172 {strides = array<i32>} : memref<128xi32, #tpu.memory_space<vmem>>, vector<16xi32>,
    %dma_start3A_173 = arith.constant 0 : i32
    %dma_start3A_174 = arith.constant 0 : i32
    %dma_start3A_175 = tpu.memref_slice %arg2[%dma_start3A_173, %dma_start3A_174] : memref<20000x128xf32, #tpu.memory_space<hbm>> -> memref<20000x128xf32, #tpu.memory_space<hbm>>
    tpu.enqueue_indirect_dma source(%dma_start3A_175 : memref<20000x128xf32, #tpu.memory_space<hbm>>) target(%arg13 : memref<128x128xf32, #tpu.memory_space<vmem>>) offsets(%arg9 : memref<128xi32, #tpu.memory_space<vmem>>) semaphore(%arg15 : memref<!tpu.dma_semaphore, #tpu.memory_space<semaphore_mem>>)
    %dma_wait3A_176 = arith.constant 0 : i32
    %dma_wait3A_177 = arith.constant 0 : i32
    %dma_wait3A_178 = tpu.memref_slice %arg5[%dma_wait3A_176, %dma_wait3A_177] : memref<624x128xf32, #tpu.memory_space<hbm>> -> memref<128x128xf32, #tpu.memory_space<hbm>>
    %dma_wait3A_179 = arith.constant 0 : i32
    %dma_wait3A_180 = arith.constant 0 : i32
    %dma_wait3A_181 = tpu.memref_slice %arg5[%dma_wait3A_179, %dma_wait3A_180] : memref<624x128xf32, #tpu.memory_space<hbm>> -> memref<128x128xf32, #tpu.memory_space<hbm>>
    tpu.wait_dma2 semaphore(%arg14 : memref<!tpu.dma_semaphore, #tpu.memory_space<semaphore_mem>>) src(%dma_wait3A_181 : memref<128x128xf32, #tpu.memory_space<hbm>>) dst(%arg12 : memref<128x128xf32, #tpu.memory_space<vmem>>)
    "tpu.region"() ({
      %run_scoped3A = tpu.sem_alloc : memref<!tpu.dma_semaphore, #tpu.memory_space<semaphore_mem>>
      %dma_start3A_200 = arith.constant 0 : i32
      %dma_start3A_201 = arith.constant 0 : i32
      %dma_start3A_202 = tpu.memref_slice %arg7[%dma_start3A_200, %dma_start3A_201] : memref<10000x128xf32, #tpu.memory_space<vmem_shared>> -> memref<10000x128xf32, #tpu.memory_space<vmem_shared>>
      tpu.enqueue_indirect_dma source(%arg12 : memref<128x128xf32, #tpu.memory_space<vmem>>) target(%dma_start3A_202 : memref<10000x128xf32, #tpu.memory_space<vmem_shared>>) offsets(%arg10 : memref<128xi32, #tpu.memory_space<vmem>>) semaphore(%run_scoped3A : memref<!tpu.dma_semaphore, #tpu.memory_space<semaphore_mem>>) {add = true}
      %dma_wait3A_203 = arith.constant 0 : i32
      %dma_wait3A_204 = arith.constant 0 : i32
      %dma_wait3A_205 = tpu.memref_slice %arg7[%dma_wait3A_203, %dma_wait3A_204] : memref<10000x128xf32, #tpu.memory_space<vmem_shared>> -> memref<10000x128xf32, #tpu.memory_space<vmem_shared>>
      tpu.wait_indirect_dma semaphore(%run_scoped3A : memref<!tpu.dma_semaphore, #tpu.memory_space<semaphore_mem>>) src(%arg12 : memref<128x128xf32, #tpu.memory_space<vmem>>) dst(%dma_wait3A_205 : memref<10000x128xf32, #tpu.memory_space<vmem_shared>>)
      tpu.yield
    }) : () -> ()
    %dma_wait3A_182 = arith.constant 0 : i32
    %dma_wait3A_183 = arith.constant 0 : i32
    %dma_wait3A_184 = tpu.memref_slice %arg5[%dma_wait3A_182, %dma_wait3A_183] : memref<624x128xf32, #tpu.memory_space<hbm>> -> memref<128x128xf32, #tpu.memory_space<hbm>>
    %dma_wait3A_185 = arith.constant 0 : i32
    %dma_wait3A_186 = arith.constant 0 : i32
    %dma_wait3A_187 = tpu.memref_slice %arg5[%dma_wait3A_185, %dma_wait3A_186] : memref<624x128xf32, #tpu.memory_space<hbm>> -> memref<128x128xf32, #tpu.memory_space<hbm>>
    tpu.wait_dma2 semaphore(%arg15 : memref<!tpu.dma_semaphore, #tpu.memory_space<semaphore_mem>>) src(%dma_wait3A_187 : memref<128x128xf32, #tpu.memory_space<hbm>>) dst(%arg13 : memref<128x128xf32, #tpu.memory_space<vmem>>)
    "tpu.region"() ({
      %run_scoped3A = tpu.sem_alloc : memref<!tpu.dma_semaphore, #tpu.memory_space<semaphore_mem>>
      %dma_start3A_200 = arith.constant 0 : i32
      %dma_start3A_201 = arith.constant 0 : i32
      %dma_start3A_202 = tpu.memref_slice %arg7[%dma_start3A_200, %dma_start3A_201] : memref<10000x128xf32, #tpu.memory_space<vmem_shared>> -> memref<10000x128xf32, #tpu.memory_space<vmem_shared>>
      tpu.enqueue_indirect_dma source(%arg13 : memref<128x128xf32, #tpu.memory_space<vmem>>) target(%dma_start3A_202 : memref<10000x128xf32, #tpu.memory_space<vmem_shared>>) offsets(%arg11 : memref<128xi32, #tpu.memory_space<vmem>>) semaphore(%run_scoped3A : memref<!tpu.dma_semaphore, #tpu.memory_space<semaphore_mem>>) {add = true}
      %dma_wait3A_203 = arith.constant 0 : i32
      %dma_wait3A_204 = arith.constant 0 : i32
      %dma_wait3A_205 = tpu.memref_slice %arg7[%dma_wait3A_203, %dma_wait3A_204] : memref<10000x128xf32, #tpu.memory_space<vmem_shared>> -> memref<10000x128xf32, #tpu.memory_space<vmem_shared>>
      tpu.wait_indirect_dma semaphore(%run_scoped3A : memref<!tpu.dma_semaphore, #tpu.memory_space<semaphore_mem>>) src(%arg13 : memref<128x128xf32, #tpu.memory_space<vmem>>) dst(%dma_wait3A_205 : memref<10000x128xf32, #tpu.memory_space<vmem_shared>>)
      tpu.yield
    }) : () -> ()
    %lt3A = arith.constant 4 : i32
    %lt3A_188 = arith.cmpi slt, %arg1, %lt3A : i32
    %convert_element_type3A_189 = arith.extui %lt3A_188 : i1 to i32
    %cond3A_190 = arith.constant 0 : i32
    %cond3A_191 = arith.cmpi ne, %convert_element_type3A_189, %cond3A_190 : i32
    scf.if %cond3A_191 {
      %add3A_200 = arith.constant 2496 : i32
      %add3A_201 = arith.addi %add3A_200, %arg1 : i32
      %mul3A_202 = arith.constant 128 : i32
      %mul3A_203 = arith.muli %add3A_201, %mul3A_202 : i32
      "tpu.region"() ({
        %run_scoped3A = tpu.sem_alloc : memref<!tpu.dma_semaphore, #tpu.memory_space<semaphore_mem>>
        %dma_start3A_274 = tpu.memref_slice %arg3[%mul3A_203] : memref<320000xi32, #tpu.memory_space<hbm>> -> memref<128xi32, #tpu.memory_space<hbm>>
        %dma_start3A_275 = tpu.memref_slice %arg3[%mul3A_203] : memref<320000xi32, #tpu.memory_space<hbm>> -> memref<128xi32, #tpu.memory_space<hbm>>
        tpu.enqueue_dma source(%dma_start3A_275 : memref<128xi32, #tpu.memory_space<hbm>>) target(%arg8 : memref<128xi32, #tpu.memory_space<vmem>>) target_semaphore(%run_scoped3A : memref<!tpu.dma_semaphore, #tpu.memory_space<semaphore_mem>>)
        %dma_wait3A_276 = tpu.memref_slice %arg3[%mul3A_203] : memref<320000xi32, #tpu.memory_space<hbm>> -> memref<128xi32, #tpu.memory_space<hbm>>
        %dma_wait3A_277 = tpu.memref_slice %arg3[%mul3A_203] : memref<320000xi32, #tpu.memory_space<hbm>> -> memref<128xi32, #tpu.memory_space<hbm>>
        tpu.wait_dma2 semaphore(%run_scoped3A : memref<!tpu.dma_semaphore, #tpu.memory_space<semaphore_mem>>) src(%dma_wait3A_277 : memref<128xi32, #tpu.memory_space<hbm>>) dst(%arg8 : memref<128xi32, #tpu.memory_space<vmem>>)
        tpu.yield
      }) : () -> ()
      "tpu.region"() ({
        %run_scoped3A = tpu.sem_alloc : memref<!tpu.dma_semaphore, #tpu.memory_space<semaphore_mem>>
        %dma_start3A_274 = tpu.memref_slice %arg4[%mul3A_203] : memref<320000xi32, #tpu.memory_space<hbm>> -> memref<128xi32, #tpu.memory_space<hbm>>
        %dma_start3A_275 = tpu.memref_slice %arg4[%mul3A_203] : memref<320000xi32, #tpu.memory_space<hbm>> -> memref<128xi32, #tpu.memory_space<hbm>>
        tpu.enqueue_dma source(%dma_start3A_275 : memref<128xi32, #tpu.memory_space<hbm>>) target(%arg10 : memref<128xi32, #tpu.memory_space<vmem>>) target_semaphore(%run_scoped3A : memref<!tpu.dma_semaphore, #tpu.memory_space<semaphore_mem>>)
        %dma_wait3A_276 = tpu.memref_slice %arg4[%mul3A_203] : memref<320000xi32, #tpu.memory_space<hbm>> -> memref<128xi32, #tpu.memory_space<hbm>>
        %dma_wait3A_277 = tpu.memref_slice %arg4[%mul3A_203] : memref<320000xi32, #tpu.memory_space<hbm>> -> memref<128xi32, #tpu.memory_space<hbm>>
        tpu.wait_dma2 semaphore(%run_scoped3A : memref<!tpu.dma_semaphore, #tpu.memory_space<semaphore_mem>>) src(%dma_wait3A_277 : memref<128xi32, #tpu.memory_space<hbm>>) dst(%arg10 : memref<128xi32, #tpu.memory_space<vmem>>)
        tpu.yield
      }) : () -> ()
      %get3A_204 = arith.constant 0 : index
      %get3A_205 = tpu.vector_load %arg8[%get3A_204] {strides = array<i32>} : memref<128xi32, #tpu.memory_space<vmem>>, vector<16xi32>,
      %get3A_206 = vector.shape_cast %get3A_205 : vector<16xi32> to vector<16xi32>
      %add3A_207 = arith.addi %get3A_206, %add3A_6 : vector<16xi32>
      %swap3A_208 = arith.constant 0 : index
      %swap3A_209 = tpu.vector_load %arg8[%swap3A_208] {strides = array<i32>} : memref<128xi32, #tpu.memory_space<vmem>>, vector<16xi32>,
      %swap3A_210 = vector.shape_cast %swap3A_209 : vector<16xi32> to vector<16xi32>
      %swap3A_211 = vector.shape_cast %add3A_207 : vector<16xi32> to vector<16xi32>
      tpu.vector_store %arg8[%swap3A_208], %swap3A_211 {strides = array<i32>} : memref<128xi32, #tpu.memory_space<vmem>>, vector<16xi32>,
      %get3A_212 = arith.constant 16 : index
      %get3A_213 = tpu.vector_load %arg8[%get3A_212] {strides = array<i32>} : memref<128xi32, #tpu.memory_space<vmem>>, vector<16xi32>,
      %get3A_214 = vector.shape_cast %get3A_213 : vector<16xi32> to vector<16xi32>
      %add3A_215 = arith.addi %get3A_214, %add3A_6 : vector<16xi32>
      %swap3A_216 = arith.constant 16 : index
      %swap3A_217 = tpu.vector_load %arg8[%swap3A_216] {strides = array<i32>} : memref<128xi32, #tpu.memory_space<vmem>>, vector<16xi32>,
      %swap3A_218 = vector.shape_cast %swap3A_217 : vector<16xi32> to vector<16xi32>
      %swap3A_219 = vector.shape_cast %add3A_215 : vector<16xi32> to vector<16xi32>
      tpu.vector_store %arg8[%swap3A_216], %swap3A_219 {strides = array<i32>} : memref<128xi32, #tpu.memory_space<vmem>>, vector<16xi32>,
      %get3A_220 = arith.constant 32 : index
      %get3A_221 = tpu.vector_load %arg8[%get3A_220] {strides = array<i32>} : memref<128xi32, #tpu.memory_space<vmem>>, vector<16xi32>,
      %get3A_222 = vector.shape_cast %get3A_221 : vector<16xi32> to vector<16xi32>
      %add3A_223 = arith.addi %get3A_222, %add3A_6 : vector<16xi32>
      %swap3A_224 = arith.constant 32 : index
      %swap3A_225 = tpu.vector_load %arg8[%swap3A_224] {strides = array<i32>} : memref<128xi32, #tpu.memory_space<vmem>>, vector<16xi32>,
      %swap3A_226 = vector.shape_cast %swap3A_225 : vector<16xi32> to vector<16xi32>
      %swap3A_227 = vector.shape_cast %add3A_223 : vector<16xi32> to vector<16xi32>
      tpu.vector_store %arg8[%swap3A_224], %swap3A_227 {strides = array<i32>} : memref<128xi32, #tpu.memory_space<vmem>>, vector<16xi32>,
      %get3A_228 = arith.constant 48 : index
      %get3A_229 = tpu.vector_load %arg8[%get3A_228] {strides = array<i32>} : memref<128xi32, #tpu.memory_space<vmem>>, vector<16xi32>,
      %get3A_230 = vector.shape_cast %get3A_229 : vector<16xi32> to vector<16xi32>
      %add3A_231 = arith.addi %get3A_230, %add3A_6 : vector<16xi32>
      %swap3A_232 = arith.constant 48 : index
      %swap3A_233 = tpu.vector_load %arg8[%swap3A_232] {strides = array<i32>} : memref<128xi32, #tpu.memory_space<vmem>>, vector<16xi32>,
      %swap3A_234 = vector.shape_cast %swap3A_233 : vector<16xi32> to vector<16xi32>
      %swap3A_235 = vector.shape_cast %add3A_231 : vector<16xi32> to vector<16xi32>
      tpu.vector_store %arg8[%swap3A_232], %swap3A_235 {strides = array<i32>} : memref<128xi32, #tpu.memory_space<vmem>>, vector<16xi32>,
      %get3A_236 = arith.constant 64 : index
      %get3A_237 = tpu.vector_load %arg8[%get3A_236] {strides = array<i32>} : memref<128xi32, #tpu.memory_space<vmem>>, vector<16xi32>,
      %get3A_238 = vector.shape_cast %get3A_237 : vector<16xi32> to vector<16xi32>
      %add3A_239 = arith.addi %get3A_238, %add3A_6 : vector<16xi32>
      %swap3A_240 = arith.constant 64 : index
      %swap3A_241 = tpu.vector_load %arg8[%swap3A_240] {strides = array<i32>} : memref<128xi32, #tpu.memory_space<vmem>>, vector<16xi32>,
      %swap3A_242 = vector.shape_cast %swap3A_241 : vector<16xi32> to vector<16xi32>
      %swap3A_243 = vector.shape_cast %add3A_239 : vector<16xi32> to vector<16xi32>
      tpu.vector_store %arg8[%swap3A_240], %swap3A_243 {strides = array<i32>} : memref<128xi32, #tpu.memory_space<vmem>>, vector<16xi32>,
      %get3A_244 = arith.constant 80 : index
      %get3A_245 = tpu.vector_load %arg8[%get3A_244] {strides = array<i32>} : memref<128xi32, #tpu.memory_space<vmem>>, vector<16xi32>,
      %get3A_246 = vector.shape_cast %get3A_245 : vector<16xi32> to vector<16xi32>
      %add3A_247 = arith.addi %get3A_246, %add3A_6 : vector<16xi32>
      %swap3A_248 = arith.constant 80 : index
      %swap3A_249 = tpu.vector_load %arg8[%swap3A_248] {strides = array<i32>} : memref<128xi32, #tpu.memory_space<vmem>>, vector<16xi32>,
      %swap3A_250 = vector.shape_cast %swap3A_249 : vector<16xi32> to vector<16xi32>
      %swap3A_251 = vector.shape_cast %add3A_247 : vector<16xi32> to vector<16xi32>
      tpu.vector_store %arg8[%swap3A_248], %swap3A_251 {strides = array<i32>} : memref<128xi32, #tpu.memory_space<vmem>>, vector<16xi32>,
      %get3A_252 = arith.constant 96 : index
      %get3A_253 = tpu.vector_load %arg8[%get3A_252] {strides = array<i32>} : memref<128xi32, #tpu.memory_space<vmem>>, vector<16xi32>,
      %get3A_254 = vector.shape_cast %get3A_253 : vector<16xi32> to vector<16xi32>
      %add3A_255 = arith.addi %get3A_254, %add3A_6 : vector<16xi32>
      %swap3A_256 = arith.constant 96 : index
      %swap3A_257 = tpu.vector_load %arg8[%swap3A_256] {strides = array<i32>} : memref<128xi32, #tpu.memory_space<vmem>>, vector<16xi32>,
      %swap3A_258 = vector.shape_cast %swap3A_257 : vector<16xi32> to vector<16xi32>
      %swap3A_259 = vector.shape_cast %add3A_255 : vector<16xi32> to vector<16xi32>
      tpu.vector_store %arg8[%swap3A_256], %swap3A_259 {strides = array<i32>} : memref<128xi32, #tpu.memory_space<vmem>>, vector<16xi32>,
      %get3A_260 = arith.constant 112 : index
      %get3A_261 = tpu.vector_load %arg8[%get3A_260] {strides = array<i32>} : memref<128xi32, #tpu.memory_space<vmem>>, vector<16xi32>,
      %get3A_262 = vector.shape_cast %get3A_261 : vector<16xi32> to vector<16xi32>
      %add3A_263 = arith.addi %get3A_262, %add3A_6 : vector<16xi32>
      %swap3A_264 = arith.constant 112 : index
      %swap3A_265 = tpu.vector_load %arg8[%swap3A_264] {strides = array<i32>} : memref<128xi32, #tpu.memory_space<vmem>>, vector<16xi32>,
      %swap3A_266 = vector.shape_cast %swap3A_265 : vector<16xi32> to vector<16xi32>
      %swap3A_267 = vector.shape_cast %add3A_263 : vector<16xi32> to vector<16xi32>
      tpu.vector_store %arg8[%swap3A_264], %swap3A_267 {strides = array<i32>} : memref<128xi32, #tpu.memory_space<vmem>>, vector<16xi32>,
      %dma_start3A_268 = arith.constant 0 : i32
      %dma_start3A_269 = arith.constant 0 : i32
      %dma_start3A_270 = tpu.memref_slice %arg2[%dma_start3A_268, %dma_start3A_269] : memref<20000x128xf32, #tpu.memory_space<hbm>> -> memref<20000x128xf32, #tpu.memory_space<hbm>>
      tpu.enqueue_indirect_dma source(%dma_start3A_270 : memref<20000x128xf32, #tpu.memory_space<hbm>>) target(%arg12 : memref<128x128xf32, #tpu.memory_space<vmem>>) offsets(%arg8 : memref<128xi32, #tpu.memory_space<vmem>>) semaphore(%arg14 : memref<!tpu.dma_semaphore, #tpu.memory_space<semaphore_mem>>)
      %dma_wait3A_271 = arith.constant 0 : i32
      %dma_wait3A_272 = arith.constant 0 : i32
      %dma_wait3A_273 = tpu.memref_slice %arg2[%dma_wait3A_271, %dma_wait3A_272] : memref<20000x128xf32, #tpu.memory_space<hbm>> -> memref<20000x128xf32, #tpu.memory_space<hbm>>
      tpu.wait_indirect_dma semaphore(%arg14 : memref<!tpu.dma_semaphore, #tpu.memory_space<semaphore_mem>>) src(%dma_wait3A_273 : memref<20000x128xf32, #tpu.memory_space<hbm>>) dst(%arg12 : memref<128x128xf32, #tpu.memory_space<vmem>>)
      "tpu.region"() ({
        %run_scoped3A = tpu.sem_alloc : memref<!tpu.dma_semaphore, #tpu.memory_space<semaphore_mem>>
        %dma_start3A_274 = arith.constant 0 : i32
        %dma_start3A_275 = arith.constant 0 : i32
        %dma_start3A_276 = tpu.memref_slice %arg7[%dma_start3A_274, %dma_start3A_275] : memref<10000x128xf32, #tpu.memory_space<vmem_shared>> -> memref<10000x128xf32, #tpu.memory_space<vmem_shared>>
        tpu.enqueue_indirect_dma source(%arg12 : memref<128x128xf32, #tpu.memory_space<vmem>>) target(%dma_start3A_276 : memref<10000x128xf32, #tpu.memory_space<vmem_shared>>) offsets(%arg10 : memref<128xi32, #tpu.memory_space<vmem>>) semaphore(%run_scoped3A : memref<!tpu.dma_semaphore, #tpu.memory_space<semaphore_mem>>) {add = true}
        %dma_wait3A_277 = arith.constant 0 : i32
        %dma_wait3A_278 = arith.constant 0 : i32
        %dma_wait3A_279 = tpu.memref_slice %arg7[%dma_wait3A_277, %dma_wait3A_278] : memref<10000x128xf32, #tpu.memory_space<vmem_shared>> -> memref<10000x128xf32, #tpu.memory_space<vmem_shared>>
        tpu.wait_indirect_dma semaphore(%run_scoped3A : memref<!tpu.dma_semaphore, #tpu.memory_space<semaphore_mem>>) src(%arg12 : memref<128x128xf32, #tpu.memory_space<vmem>>) dst(%dma_wait3A_279 : memref<10000x128xf32, #tpu.memory_space<vmem_shared>>)
        tpu.yield
      }) : () -> ()
    } else {
    }
    %barrier3A_192 = arith.constant 0 : index
    tpu.barrier barrier_id(%barrier3A_192)
    %mul3A_193 = arith.constant 624 : i32
    %mul3A_194 = arith.muli %arg1, %mul3A_193 : i32
    "tpu.region"() ({
      %run_scoped3A = tpu.sem_alloc : memref<!tpu.dma_semaphore, #tpu.memory_space<semaphore_mem>>
      %dma_start3A_200 = arith.constant 0 : i32
      %dma_start3A_201 = tpu.memref_slice %arg6[%arg0, %mul3A_194, %dma_start3A_200] : memref<2x10000x128xf32, #tpu.memory_space<hbm>> -> memref<1x624x128xf32, #tpu.memory_space<hbm>>
      %dma_start3A_202 = tpu.memref_squeeze %dma_start3A_201 : memref<1x624x128xf32, #tpu.memory_space<hbm>> -> memref<624x128xf32, #tpu.memory_space<hbm>>
      %dma_start3A_203 = arith.constant 0 : i32
      %dma_start3A_204 = tpu.memref_slice %arg7[%mul3A_194, %dma_start3A_203] : memref<10000x128xf32, #tpu.memory_space<vmem_shared>> -> memref<624x128xf32, #tpu.memory_space<vmem_shared>>
      tpu.enqueue_dma source(%dma_start3A_204 : memref<624x128xf32, #tpu.memory_space<vmem_shared>>) target(%dma_start3A_202 : memref<624x128xf32, #tpu.memory_space<hbm>>) target_semaphore(%run_scoped3A : memref<!tpu.dma_semaphore, #tpu.memory_space<semaphore_mem>>)
      %dma_wait3A_205 = arith.constant 0 : i32
      %dma_wait3A_206 = tpu.memref_slice %arg6[%arg0, %mul3A_194, %dma_wait3A_205] : memref<2x10000x128xf32, #tpu.memory_space<hbm>> -> memref<1x624x128xf32, #tpu.memory_space<hbm>>
      %dma_wait3A_207 = tpu.memref_squeeze %dma_wait3A_206 : memref<1x624x128xf32, #tpu.memory_space<hbm>> -> memref<624x128xf32, #tpu.memory_space<hbm>>
      %dma_wait3A_208 = arith.constant 0 : i32
      %dma_wait3A_209 = tpu.memref_slice %arg7[%mul3A_194, %dma_wait3A_208] : memref<10000x128xf32, #tpu.memory_space<vmem_shared>> -> memref<624x128xf32, #tpu.memory_space<vmem_shared>>
      tpu.wait_dma2 semaphore(%run_scoped3A : memref<!tpu.dma_semaphore, #tpu.memory_space<semaphore_mem>>) src(%dma_wait3A_209 : memref<624x128xf32, #tpu.memory_space<vmem_shared>>) dst(%dma_wait3A_207 : memref<624x128xf32, #tpu.memory_space<hbm>>)
      tpu.yield
    }) : () -> ()
    %eq3A_195 = arith.constant 15 : i32
    %eq3A_196 = arith.cmpi eq, %arg1, %eq3A_195 : i32
    %convert_element_type3A_197 = arith.extui %eq3A_196 : i1 to i32
    %cond3A_198 = arith.constant 0 : i32
    %cond3A_199 = arith.cmpi ne, %convert_element_type3A_197, %cond3A_198 : i32
    scf.if %cond3A_199 {
      "tpu.region"() ({
        %run_scoped3A = tpu.sem_alloc : memref<!tpu.dma_semaphore, #tpu.memory_space<semaphore_mem>>
        %dma_start3A_200 = arith.constant 9984 : i32
        %dma_start3A_201 = arith.constant 0 : i32
        %dma_start3A_202 = tpu.memref_slice %arg6[%arg0, %dma_start3A_200, %dma_start3A_201] : memref<2x10000x128xf32, #tpu.memory_space<hbm>> -> memref<1x16x128xf32, #tpu.memory_space<hbm>>
        %dma_start3A_203 = tpu.memref_squeeze %dma_start3A_202 : memref<1x16x128xf32, #tpu.memory_space<hbm>> -> memref<16x128xf32, #tpu.memory_space<hbm>>
        %dma_start3A_204 = arith.constant 9984 : i32
        %dma_start3A_205 = arith.constant 0 : i32
        %dma_start3A_206 = tpu.memref_slice %arg7[%dma_start3A_204, %dma_start3A_205] : memref<10000x128xf32, #tpu.memory_space<vmem_shared>> -> memref<16x128xf32, #tpu.memory_space<vmem_shared>>
        tpu.enqueue_dma source(%dma_start3A_206 : memref<16x128xf32, #tpu.memory_space<vmem_shared>>) target(%dma_start3A_203 : memref<16x128xf32, #tpu.memory_space<hbm>>) target_semaphore(%run_scoped3A : memref<!tpu.dma_semaphore, #tpu.memory_space<semaphore_mem>>)
        %dma_wait3A_207 = arith.constant 9984 : i32
        %dma_wait3A_208 = arith.constant 0 : i32
        %dma_wait3A_209 = tpu.memref_slice %arg6[%arg0, %dma_wait3A_207, %dma_wait3A_208] : memref<2x10000x128xf32, #tpu.memory_space<hbm>> -> memref<1x16x128xf32, #tpu.memory_space<hbm>>
        %dma_wait3A_210 = tpu.memref_squeeze %dma_wait3A_209 : memref<1x16x128xf32, #tpu.memory_space<hbm>> -> memref<16x128xf32, #tpu.memory_space<hbm>>
        %dma_wait3A_211 = arith.constant 9984 : i32
        %dma_wait3A_212 = arith.constant 0 : i32
        %dma_wait3A_213 = tpu.memref_slice %arg7[%dma_wait3A_211, %dma_wait3A_212] : memref<10000x128xf32, #tpu.memory_space<vmem_shared>> -> memref<16x128xf32, #tpu.memory_space<vmem_shared>>
        tpu.wait_dma2 semaphore(%run_scoped3A : memref<!tpu.dma_semaphore, #tpu.memory_space<semaphore_mem>>) src(%dma_wait3A_213 : memref<16x128xf32, #tpu.memory_space<vmem_shared>>) dst(%dma_wait3A_210 : memref<16x128xf32, #tpu.memory_space<hbm>>)
        tpu.yield
      }) : () -> ()
    } else {
    }
    return
  }
}

#map = affine_map<(d0, d1) -> (0, 0)>
#map1 = affine_map<(d0, d1) -> (0)>
#map2 = affine_map<(d0, d1) -> (0, 0, 0)>
module attributes {stable_mosaic.version = 14 : i64} {
  func.func @_sc_conv1_body(%arg0: i32, %arg1: i32, %arg2: memref<10000x128xf32, #tpu.memory_space<hbm>>, %arg3: memref<320000xi32, #tpu.memory_space<hbm>>, %arg4: memref<320000xi32, #tpu.memory_space<hbm>>, %arg5: memref<624x128xf32, #tpu.memory_space<hbm>>, %arg6: memref<128x128xf32, #tpu.memory_space<hbm>>, %arg7: memref<2x10000x128xf32, #tpu.memory_space<hbm>>, %arg8: memref<2x10000x128xf32, #tpu.memory_space<hbm>>, %arg9: memref<10000x128xf32, #tpu.memory_space<vmem_shared>>, %arg10: memref<128xi32, #tpu.memory_space<vmem>>, %arg11: memref<128xi32, #tpu.memory_space<vmem>>, %arg12: memref<128xi32, #tpu.memory_space<vmem>>, %arg13: memref<128xi32, #tpu.memory_space<vmem>>, %arg14: memref<128x128xf32, #tpu.memory_space<vmem>>, %arg15: memref<128x128xf32, #tpu.memory_space<vmem>>, %arg16: memref<!tpu.dma_semaphore, #tpu.memory_space<semaphore_mem>>, %arg17: memref<!tpu.dma_semaphore, #tpu.memory_space<semaphore_mem>>, %arg18: memref<!tpu.dma_semaphore, #tpu.memory_space<semaphore_mem>>, %arg19: memref<!tpu.dma_semaphore, #tpu.memory_space<semaphore_mem>>) attributes {dimension_semantics = [#tpu.dimension_semantics<core_parallel>, #tpu.dimension_semantics<subcore_parallel>], iteration_bounds = array<i64: 2, 16>, scalar_prefetch = 0 : i64, scratch_operands = 11 : i64, tpu.core_type = #tpu.core_type<sc_vector_subcore>, window_params = [{transform_indices = #map}, {transform_indices = #map1}, {transform_indices = #map1}, {transform_indices = #map}, {transform_indices = #map}, {transform_indices = #map2}, {transform_indices = #map2}]} {
    %mul3A = arith.constant 16 : i32
    %mul3A_0 = arith.muli %arg0, %mul3A : i32
    %add3A = arith.addi %mul3A_0, %arg1 : i32
    %mul3A_1 = arith.constant 624 : i32
    %mul3A_2 = arith.muli %arg1, %mul3A_1 : i32
    "tpu.region"() ({
      %run_scoped3A = tpu.sem_alloc : memref<!tpu.dma_semaphore, #tpu.memory_space<semaphore_mem>>
      %dma_start3A_119 = arith.constant 0 : i32
      %dma_start3A_120 = tpu.memref_slice %arg9[%mul3A_2, %dma_start3A_119] : memref<10000x128xf32, #tpu.memory_space<vmem_shared>> -> memref<624x128xf32, #tpu.memory_space<vmem_shared>>
      %dma_start3A_121 = arith.constant 0 : i32
      %dma_start3A_122 = arith.constant 0 : i32
      %dma_start3A_123 = tpu.memref_slice %arg5[%dma_start3A_121, %dma_start3A_122] : memref<624x128xf32, #tpu.memory_space<hbm>> -> memref<624x128xf32, #tpu.memory_space<hbm>>
      tpu.enqueue_dma source(%dma_start3A_123 : memref<624x128xf32, #tpu.memory_space<hbm>>) target(%dma_start3A_120 : memref<624x128xf32, #tpu.memory_space<vmem_shared>>) target_semaphore(%run_scoped3A : memref<!tpu.dma_semaphore, #tpu.memory_space<semaphore_mem>>)
      %dma_wait3A_124 = arith.constant 0 : i32
      %dma_wait3A_125 = tpu.memref_slice %arg9[%mul3A_2, %dma_wait3A_124] : memref<10000x128xf32, #tpu.memory_space<vmem_shared>> -> memref<624x128xf32, #tpu.memory_space<vmem_shared>>
      %dma_wait3A_126 = arith.constant 0 : i32
      %dma_wait3A_127 = arith.constant 0 : i32
      %dma_wait3A_128 = tpu.memref_slice %arg5[%dma_wait3A_126, %dma_wait3A_127] : memref<624x128xf32, #tpu.memory_space<hbm>> -> memref<624x128xf32, #tpu.memory_space<hbm>>
      tpu.wait_dma2 semaphore(%run_scoped3A : memref<!tpu.dma_semaphore, #tpu.memory_space<semaphore_mem>>) src(%dma_wait3A_128 : memref<624x128xf32, #tpu.memory_space<hbm>>) dst(%dma_wait3A_125 : memref<624x128xf32, #tpu.memory_space<vmem_shared>>)
      tpu.yield
    }) : () -> ()
    %eq3A = arith.constant 15 : i32
    %eq3A_3 = arith.cmpi eq, %arg1, %eq3A : i32
    %convert_element_type3A = arith.extui %eq3A_3 : i1 to i32
    %cond3A = arith.constant 0 : i32
    %cond3A_4 = arith.cmpi ne, %convert_element_type3A, %cond3A : i32
    scf.if %cond3A_4 {
      "tpu.region"() ({
        %run_scoped3A = tpu.sem_alloc : memref<!tpu.dma_semaphore, #tpu.memory_space<semaphore_mem>>
        %dma_start3A_119 = arith.constant 9984 : i32
        %dma_start3A_120 = arith.constant 0 : i32
        %dma_start3A_121 = tpu.memref_slice %arg9[%dma_start3A_119, %dma_start3A_120] : memref<10000x128xf32, #tpu.memory_space<vmem_shared>> -> memref<16x128xf32, #tpu.memory_space<vmem_shared>>
        %dma_start3A_122 = arith.constant 0 : i32
        %dma_start3A_123 = arith.constant 0 : i32
        %dma_start3A_124 = tpu.memref_slice %arg5[%dma_start3A_122, %dma_start3A_123] : memref<624x128xf32, #tpu.memory_space<hbm>> -> memref<16x128xf32, #tpu.memory_space<hbm>>
        tpu.enqueue_dma source(%dma_start3A_124 : memref<16x128xf32, #tpu.memory_space<hbm>>) target(%dma_start3A_121 : memref<16x128xf32, #tpu.memory_space<vmem_shared>>) target_semaphore(%run_scoped3A : memref<!tpu.dma_semaphore, #tpu.memory_space<semaphore_mem>>)
        %dma_wait3A_125 = arith.constant 9984 : i32
        %dma_wait3A_126 = arith.constant 0 : i32
        %dma_wait3A_127 = tpu.memref_slice %arg9[%dma_wait3A_125, %dma_wait3A_126] : memref<10000x128xf32, #tpu.memory_space<vmem_shared>> -> memref<16x128xf32, #tpu.memory_space<vmem_shared>>
        %dma_wait3A_128 = arith.constant 0 : i32
        %dma_wait3A_129 = arith.constant 0 : i32
        %dma_wait3A_130 = tpu.memref_slice %arg5[%dma_wait3A_128, %dma_wait3A_129] : memref<624x128xf32, #tpu.memory_space<hbm>> -> memref<16x128xf32, #tpu.memory_space<hbm>>
        tpu.wait_dma2 semaphore(%run_scoped3A : memref<!tpu.dma_semaphore, #tpu.memory_space<semaphore_mem>>) src(%dma_wait3A_130 : memref<16x128xf32, #tpu.memory_space<hbm>>) dst(%dma_wait3A_127 : memref<16x128xf32, #tpu.memory_space<vmem_shared>>)
        tpu.yield
      }) : () -> ()
    } else {
    }
    %barrier3A = arith.constant 0 : index
    tpu.barrier barrier_id(%barrier3A)
    %mul3A_5 = arith.constant 78 : i32
    %mul3A_6 = arith.muli %mul3A_5, %add3A : i32
    %add3A_7 = arith.constant 0 : i32
    %add3A_8 = arith.addi %mul3A_6, %add3A_7 : i32
    %mul3A_9 = arith.constant 128 : i32
    %mul3A_10 = arith.muli %add3A_8, %mul3A_9 : i32
    %dma_start3A = tpu.memref_slice %arg3[%mul3A_10] : memref<320000xi32, #tpu.memory_space<hbm>> -> memref<128xi32, #tpu.memory_space<hbm>>
    %dma_start3A_11 = tpu.memref_slice %arg3[%mul3A_10] : memref<320000xi32, #tpu.memory_space<hbm>> -> memref<128xi32, #tpu.memory_space<hbm>>
    tpu.enqueue_dma source(%dma_start3A_11 : memref<128xi32, #tpu.memory_space<hbm>>) target(%arg10 : memref<128xi32, #tpu.memory_space<vmem>>) target_semaphore(%arg18 : memref<!tpu.dma_semaphore, #tpu.memory_space<semaphore_mem>>)
    %dma_start3A_12 = tpu.memref_slice %arg4[%mul3A_10] : memref<320000xi32, #tpu.memory_space<hbm>> -> memref<128xi32, #tpu.memory_space<hbm>>
    %dma_start3A_13 = tpu.memref_slice %arg4[%mul3A_10] : memref<320000xi32, #tpu.memory_space<hbm>> -> memref<128xi32, #tpu.memory_space<hbm>>
    tpu.enqueue_dma source(%dma_start3A_13 : memref<128xi32, #tpu.memory_space<hbm>>) target(%arg12 : memref<128xi32, #tpu.memory_space<vmem>>) target_semaphore(%arg18 : memref<!tpu.dma_semaphore, #tpu.memory_space<semaphore_mem>>)
    %dma_wait3A = arith.constant 0 : i32
    %dma_wait3A_14 = tpu.memref_slice %arg3[%dma_wait3A] : memref<320000xi32, #tpu.memory_space<hbm>> -> memref<128xi32, #tpu.memory_space<hbm>>
    %dma_wait3A_15 = arith.constant 0 : i32
    %dma_wait3A_16 = tpu.memref_slice %arg3[%dma_wait3A_15] : memref<320000xi32, #tpu.memory_space<hbm>> -> memref<128xi32, #tpu.memory_space<hbm>>
    tpu.wait_dma2 semaphore(%arg18 : memref<!tpu.dma_semaphore, #tpu.memory_space<semaphore_mem>>) src(%dma_wait3A_16 : memref<128xi32, #tpu.memory_space<hbm>>) dst(%arg10 : memref<128xi32, #tpu.memory_space<vmem>>)
    %dma_wait3A_17 = arith.constant 0 : i32
    %dma_wait3A_18 = tpu.memref_slice %arg4[%dma_wait3A_17] : memref<320000xi32, #tpu.memory_space<hbm>> -> memref<128xi32, #tpu.memory_space<hbm>>
    %dma_wait3A_19 = arith.constant 0 : i32
    %dma_wait3A_20 = tpu.memref_slice %arg4[%dma_wait3A_19] : memref<320000xi32, #tpu.memory_space<hbm>> -> memref<128xi32, #tpu.memory_space<hbm>>
    tpu.wait_dma2 semaphore(%arg18 : memref<!tpu.dma_semaphore, #tpu.memory_space<semaphore_mem>>) src(%dma_wait3A_20 : memref<128xi32, #tpu.memory_space<hbm>>) dst(%arg12 : memref<128xi32, #tpu.memory_space<vmem>>)
    %dma_start3A_21 = arith.constant 0 : i32
    %dma_start3A_22 = arith.constant 0 : i32
    %dma_start3A_23 = tpu.memref_slice %arg2[%dma_start3A_21, %dma_start3A_22] : memref<10000x128xf32, #tpu.memory_space<hbm>> -> memref<10000x128xf32, #tpu.memory_space<hbm>>
    tpu.enqueue_indirect_dma source(%dma_start3A_23 : memref<10000x128xf32, #tpu.memory_space<hbm>>) target(%arg14 : memref<128x128xf32, #tpu.memory_space<vmem>>) offsets(%arg10 : memref<128xi32, #tpu.memory_space<vmem>>) semaphore(%arg16 : memref<!tpu.dma_semaphore, #tpu.memory_space<semaphore_mem>>)
    %add3A_24 = arith.constant 1 : i32
    %add3A_25 = arith.addi %mul3A_6, %add3A_24 : i32
    %mul3A_26 = arith.constant 128 : i32
    %mul3A_27 = arith.muli %add3A_25, %mul3A_26 : i32
    %dma_start3A_28 = tpu.memref_slice %arg3[%mul3A_27] : memref<320000xi32, #tpu.memory_space<hbm>> -> memref<128xi32, #tpu.memory_space<hbm>>
    %dma_start3A_29 = tpu.memref_slice %arg3[%mul3A_27] : memref<320000xi32, #tpu.memory_space<hbm>> -> memref<128xi32, #tpu.memory_space<hbm>>
    tpu.enqueue_dma source(%dma_start3A_29 : memref<128xi32, #tpu.memory_space<hbm>>) target(%arg11 : memref<128xi32, #tpu.memory_space<vmem>>) target_semaphore(%arg19 : memref<!tpu.dma_semaphore, #tpu.memory_space<semaphore_mem>>)
    %dma_start3A_30 = tpu.memref_slice %arg4[%mul3A_27] : memref<320000xi32, #tpu.memory_space<hbm>> -> memref<128xi32, #tpu.memory_space<hbm>>
    %dma_start3A_31 = tpu.memref_slice %arg4[%mul3A_27] : memref<320000xi32, #tpu.memory_space<hbm>> -> memref<128xi32, #tpu.memory_space<hbm>>
    tpu.enqueue_dma source(%dma_start3A_31 : memref<128xi32, #tpu.memory_space<hbm>>) target(%arg13 : memref<128xi32, #tpu.memory_space<vmem>>) target_semaphore(%arg19 : memref<!tpu.dma_semaphore, #tpu.memory_space<semaphore_mem>>)
    %scan3A = arith.constant 0 : i32
    %scan3A_32 = arith.constant 0 : i32
    %scan3A_33 = arith.constant 38 : i32
    %scan3A_34 = arith.addi %scan3A_32, %scan3A_33 : i32
    %scan3A_35 = arith.constant 1 : i32
    scf.for %scan3A_119 = %scan3A_32 to %scan3A_34 step %scan3A_35  : i32 {
      %mul3A_120 = arith.constant 2 : i32
      %mul3A_121 = arith.muli %mul3A_120, %scan3A_119 : i32
      %add3A_122 = arith.constant 0 : i32
      %add3A_123 = arith.addi %mul3A_121, %add3A_122 : i32
      %dma_wait3A_124 = arith.constant 0 : i32
      %dma_wait3A_125 = tpu.memref_slice %arg3[%dma_wait3A_124] : memref<320000xi32, #tpu.memory_space<hbm>> -> memref<128xi32, #tpu.memory_space<hbm>>
      %dma_wait3A_126 = arith.constant 0 : i32
      %dma_wait3A_127 = tpu.memref_slice %arg3[%dma_wait3A_126] : memref<320000xi32, #tpu.memory_space<hbm>> -> memref<128xi32, #tpu.memory_space<hbm>>
      tpu.wait_dma2 semaphore(%arg19 : memref<!tpu.dma_semaphore, #tpu.memory_space<semaphore_mem>>) src(%dma_wait3A_127 : memref<128xi32, #tpu.memory_space<hbm>>) dst(%arg11 : memref<128xi32, #tpu.memory_space<vmem>>)
      %dma_wait3A_128 = arith.constant 0 : i32
      %dma_wait3A_129 = tpu.memref_slice %arg4[%dma_wait3A_128] : memref<320000xi32, #tpu.memory_space<hbm>> -> memref<128xi32, #tpu.memory_space<hbm>>
      %dma_wait3A_130 = arith.constant 0 : i32
      %dma_wait3A_131 = tpu.memref_slice %arg4[%dma_wait3A_130] : memref<320000xi32, #tpu.memory_space<hbm>> -> memref<128xi32, #tpu.memory_space<hbm>>
      tpu.wait_dma2 semaphore(%arg19 : memref<!tpu.dma_semaphore, #tpu.memory_space<semaphore_mem>>) src(%dma_wait3A_131 : memref<128xi32, #tpu.memory_space<hbm>>) dst(%arg13 : memref<128xi32, #tpu.memory_space<vmem>>)
      %dma_start3A_132 = arith.constant 0 : i32
      %dma_start3A_133 = arith.constant 0 : i32
      %dma_start3A_134 = tpu.memref_slice %arg2[%dma_start3A_132, %dma_start3A_133] : memref<10000x128xf32, #tpu.memory_space<hbm>> -> memref<10000x128xf32, #tpu.memory_space<hbm>>
      tpu.enqueue_indirect_dma source(%dma_start3A_134 : memref<10000x128xf32, #tpu.memory_space<hbm>>) target(%arg15 : memref<128x128xf32, #tpu.memory_space<vmem>>) offsets(%arg11 : memref<128xi32, #tpu.memory_space<vmem>>) semaphore(%arg17 : memref<!tpu.dma_semaphore, #tpu.memory_space<semaphore_mem>>)
      %dma_wait3A_135 = arith.constant 0 : i32
      %dma_wait3A_136 = arith.constant 0 : i32
      %dma_wait3A_137 = tpu.memref_slice %arg5[%dma_wait3A_135, %dma_wait3A_136] : memref<624x128xf32, #tpu.memory_space<hbm>> -> memref<128x128xf32, #tpu.memory_space<hbm>>
      %dma_wait3A_138 = arith.constant 0 : i32
      %dma_wait3A_139 = arith.constant 0 : i32
      %dma_wait3A_140 = tpu.memref_slice %arg5[%dma_wait3A_138, %dma_wait3A_139] : memref<624x128xf32, #tpu.memory_space<hbm>> -> memref<128x128xf32, #tpu.memory_space<hbm>>
      tpu.wait_dma2 semaphore(%arg16 : memref<!tpu.dma_semaphore, #tpu.memory_space<semaphore_mem>>) src(%dma_wait3A_140 : memref<128x128xf32, #tpu.memory_space<hbm>>) dst(%arg14 : memref<128x128xf32, #tpu.memory_space<vmem>>)
      "tpu.region"() ({
        %run_scoped3A = tpu.sem_alloc : memref<!tpu.dma_semaphore, #tpu.memory_space<semaphore_mem>>
        %dma_start3A_180 = arith.constant 0 : i32
        %dma_start3A_181 = arith.constant 0 : i32
        %dma_start3A_182 = tpu.memref_slice %arg9[%dma_start3A_180, %dma_start3A_181] : memref<10000x128xf32, #tpu.memory_space<vmem_shared>> -> memref<10000x128xf32, #tpu.memory_space<vmem_shared>>
        tpu.enqueue_indirect_dma source(%arg14 : memref<128x128xf32, #tpu.memory_space<vmem>>) target(%dma_start3A_182 : memref<10000x128xf32, #tpu.memory_space<vmem_shared>>) offsets(%arg12 : memref<128xi32, #tpu.memory_space<vmem>>) semaphore(%run_scoped3A : memref<!tpu.dma_semaphore, #tpu.memory_space<semaphore_mem>>) {add = true}
        %dma_wait3A_183 = arith.constant 0 : i32
        %dma_wait3A_184 = arith.constant 0 : i32
        %dma_wait3A_185 = tpu.memref_slice %arg9[%dma_wait3A_183, %dma_wait3A_184] : memref<10000x128xf32, #tpu.memory_space<vmem_shared>> -> memref<10000x128xf32, #tpu.memory_space<vmem_shared>>
        tpu.wait_indirect_dma semaphore(%run_scoped3A : memref<!tpu.dma_semaphore, #tpu.memory_space<semaphore_mem>>) src(%arg14 : memref<128x128xf32, #tpu.memory_space<vmem>>) dst(%dma_wait3A_185 : memref<10000x128xf32, #tpu.memory_space<vmem_shared>>)
        tpu.yield
      }) : () -> ()
      %add3A_141 = arith.constant 2 : i32
      %add3A_142 = arith.addi %add3A_123, %add3A_141 : i32
      %add3A_143 = arith.addi %mul3A_6, %add3A_142 : i32
      %mul3A_144 = arith.constant 128 : i32
      %mul3A_145 = arith.muli %add3A_143, %mul3A_144 : i32
      %dma_start3A_146 = tpu.memref_slice %arg3[%mul3A_145] : memref<320000xi32, #tpu.memory_space<hbm>> -> memref<128xi32, #tpu.memory_space<hbm>>
      %dma_start3A_147 = tpu.memref_slice %arg3[%mul3A_145] : memref<320000xi32, #tpu.memory_space<hbm>> -> memref<128xi32, #tpu.memory_space<hbm>>
      tpu.enqueue_dma source(%dma_start3A_147 : memref<128xi32, #tpu.memory_space<hbm>>) target(%arg10 : memref<128xi32, #tpu.memory_space<vmem>>) target_semaphore(%arg18 : memref<!tpu.dma_semaphore, #tpu.memory_space<semaphore_mem>>)
      %dma_start3A_148 = tpu.memref_slice %arg4[%mul3A_145] : memref<320000xi32, #tpu.memory_space<hbm>> -> memref<128xi32, #tpu.memory_space<hbm>>
      %dma_start3A_149 = tpu.memref_slice %arg4[%mul3A_145] : memref<320000xi32, #tpu.memory_space<hbm>> -> memref<128xi32, #tpu.memory_space<hbm>>
      tpu.enqueue_dma source(%dma_start3A_149 : memref<128xi32, #tpu.memory_space<hbm>>) target(%arg12 : memref<128xi32, #tpu.memory_space<vmem>>) target_semaphore(%arg18 : memref<!tpu.dma_semaphore, #tpu.memory_space<semaphore_mem>>)
      %mul3A_150 = arith.constant 2 : i32
      %mul3A_151 = arith.muli %mul3A_150, %scan3A_119 : i32
      %add3A_152 = arith.constant 1 : i32
      %add3A_153 = arith.addi %mul3A_151, %add3A_152 : i32
      %dma_wait3A_154 = arith.constant 0 : i32
      %dma_wait3A_155 = tpu.memref_slice %arg3[%dma_wait3A_154] : memref<320000xi32, #tpu.memory_space<hbm>> -> memref<128xi32, #tpu.memory_space<hbm>>
      %dma_wait3A_156 = arith.constant 0 : i32
      %dma_wait3A_157 = tpu.memref_slice %arg3[%dma_wait3A_156] : memref<320000xi32, #tpu.memory_space<hbm>> -> memref<128xi32, #tpu.memory_space<hbm>>
      tpu.wait_dma2 semaphore(%arg18 : memref<!tpu.dma_semaphore, #tpu.memory_space<semaphore_mem>>) src(%dma_wait3A_157 : memref<128xi32, #tpu.memory_space<hbm>>) dst(%arg10 : memref<128xi32, #tpu.memory_space<vmem>>)
      %dma_wait3A_158 = arith.constant 0 : i32
      %dma_wait3A_159 = tpu.memref_slice %arg4[%dma_wait3A_158] : memref<320000xi32, #tpu.memory_space<hbm>> -> memref<128xi32, #tpu.memory_space<hbm>>
      %dma_wait3A_160 = arith.constant 0 : i32
      %dma_wait3A_161 = tpu.memref_slice %arg4[%dma_wait3A_160] : memref<320000xi32, #tpu.memory_space<hbm>> -> memref<128xi32, #tpu.memory_space<hbm>>
      tpu.wait_dma2 semaphore(%arg18 : memref<!tpu.dma_semaphore, #tpu.memory_space<semaphore_mem>>) src(%dma_wait3A_161 : memref<128xi32, #tpu.memory_space<hbm>>) dst(%arg12 : memref<128xi32, #tpu.memory_space<vmem>>)
      %dma_start3A_162 = arith.constant 0 : i32
      %dma_start3A_163 = arith.constant 0 : i32
      %dma_start3A_164 = tpu.memref_slice %arg2[%dma_start3A_162, %dma_start3A_163] : memref<10000x128xf32, #tpu.memory_space<hbm>> -> memref<10000x128xf32, #tpu.memory_space<hbm>>
      tpu.enqueue_indirect_dma source(%dma_start3A_164 : memref<10000x128xf32, #tpu.memory_space<hbm>>) target(%arg14 : memref<128x128xf32, #tpu.memory_space<vmem>>) offsets(%arg10 : memref<128xi32, #tpu.memory_space<vmem>>) semaphore(%arg16 : memref<!tpu.dma_semaphore, #tpu.memory_space<semaphore_mem>>)
      %dma_wait3A_165 = arith.constant 0 : i32
      %dma_wait3A_166 = arith.constant 0 : i32
      %dma_wait3A_167 = tpu.memref_slice %arg5[%dma_wait3A_165, %dma_wait3A_166] : memref<624x128xf32, #tpu.memory_space<hbm>> -> memref<128x128xf32, #tpu.memory_space<hbm>>
      %dma_wait3A_168 = arith.constant 0 : i32
      %dma_wait3A_169 = arith.constant 0 : i32
      %dma_wait3A_170 = tpu.memref_slice %arg5[%dma_wait3A_168, %dma_wait3A_169] : memref<624x128xf32, #tpu.memory_space<hbm>> -> memref<128x128xf32, #tpu.memory_space<hbm>>
      tpu.wait_dma2 semaphore(%arg17 : memref<!tpu.dma_semaphore, #tpu.memory_space<semaphore_mem>>) src(%dma_wait3A_170 : memref<128x128xf32, #tpu.memory_space<hbm>>) dst(%arg15 : memref<128x128xf32, #tpu.memory_space<vmem>>)
      "tpu.region"() ({
        %run_scoped3A = tpu.sem_alloc : memref<!tpu.dma_semaphore, #tpu.memory_space<semaphore_mem>>
        %dma_start3A_180 = arith.constant 0 : i32
        %dma_start3A_181 = arith.constant 0 : i32
        %dma_start3A_182 = tpu.memref_slice %arg9[%dma_start3A_180, %dma_start3A_181] : memref<10000x128xf32, #tpu.memory_space<vmem_shared>> -> memref<10000x128xf32, #tpu.memory_space<vmem_shared>>
        tpu.enqueue_indirect_dma source(%arg15 : memref<128x128xf32, #tpu.memory_space<vmem>>) target(%dma_start3A_182 : memref<10000x128xf32, #tpu.memory_space<vmem_shared>>) offsets(%arg13 : memref<128xi32, #tpu.memory_space<vmem>>) semaphore(%run_scoped3A : memref<!tpu.dma_semaphore, #tpu.memory_space<semaphore_mem>>) {add = true}
        %dma_wait3A_183 = arith.constant 0 : i32
        %dma_wait3A_184 = arith.constant 0 : i32
        %dma_wait3A_185 = tpu.memref_slice %arg9[%dma_wait3A_183, %dma_wait3A_184] : memref<10000x128xf32, #tpu.memory_space<vmem_shared>> -> memref<10000x128xf32, #tpu.memory_space<vmem_shared>>
        tpu.wait_indirect_dma semaphore(%run_scoped3A : memref<!tpu.dma_semaphore, #tpu.memory_space<semaphore_mem>>) src(%arg15 : memref<128x128xf32, #tpu.memory_space<vmem>>) dst(%dma_wait3A_185 : memref<10000x128xf32, #tpu.memory_space<vmem_shared>>)
        tpu.yield
      }) : () -> ()
      %add3A_171 = arith.constant 2 : i32
      %add3A_172 = arith.addi %add3A_153, %add3A_171 : i32
      %add3A_173 = arith.addi %mul3A_6, %add3A_172 : i32
      %mul3A_174 = arith.constant 128 : i32
      %mul3A_175 = arith.muli %add3A_173, %mul3A_174 : i32
      %dma_start3A_176 = tpu.memref_slice %arg3[%mul3A_175] : memref<320000xi32, #tpu.memory_space<hbm>> -> memref<128xi32, #tpu.memory_space<hbm>>
      %dma_start3A_177 = tpu.memref_slice %arg3[%mul3A_175] : memref<320000xi32, #tpu.memory_space<hbm>> -> memref<128xi32, #tpu.memory_space<hbm>>
      tpu.enqueue_dma source(%dma_start3A_177 : memref<128xi32, #tpu.memory_space<hbm>>) target(%arg11 : memref<128xi32, #tpu.memory_space<vmem>>) target_semaphore(%arg19 : memref<!tpu.dma_semaphore, #tpu.memory_space<semaphore_mem>>)
      %dma_start3A_178 = tpu.memref_slice %arg4[%mul3A_175] : memref<320000xi32, #tpu.memory_space<hbm>> -> memref<128xi32, #tpu.memory_space<hbm>>
      %dma_start3A_179 = tpu.memref_slice %arg4[%mul3A_175] : memref<320000xi32, #tpu.memory_space<hbm>> -> memref<128xi32, #tpu.memory_space<hbm>>
      tpu.enqueue_dma source(%dma_start3A_179 : memref<128xi32, #tpu.memory_space<hbm>>) target(%arg13 : memref<128xi32, #tpu.memory_space<vmem>>) target_semaphore(%arg19 : memref<!tpu.dma_semaphore, #tpu.memory_space<semaphore_mem>>)
    }
    %scan3A_36 = arith.constant 38 : i32
    %dma_wait3A_37 = arith.constant 0 : i32
    %dma_wait3A_38 = tpu.memref_slice %arg3[%dma_wait3A_37] : memref<320000xi32, #tpu.memory_space<hbm>> -> memref<128xi32, #tpu.memory_space<hbm>>
    %dma_wait3A_39 = arith.constant 0 : i32
    %dma_wait3A_40 = tpu.memref_slice %arg3[%dma_wait3A_39] : memref<320000xi32, #tpu.memory_space<hbm>> -> memref<128xi32, #tpu.memory_space<hbm>>
    tpu.wait_dma2 semaphore(%arg19 : memref<!tpu.dma_semaphore, #tpu.memory_space<semaphore_mem>>) src(%dma_wait3A_40 : memref<128xi32, #tpu.memory_space<hbm>>) dst(%arg11 : memref<128xi32, #tpu.memory_space<vmem>>)
    %dma_wait3A_41 = arith.constant 0 : i32
    %dma_wait3A_42 = tpu.memref_slice %arg4[%dma_wait3A_41] : memref<320000xi32, #tpu.memory_space<hbm>> -> memref<128xi32, #tpu.memory_space<hbm>>
    %dma_wait3A_43 = arith.constant 0 : i32
    %dma_wait3A_44 = tpu.memref_slice %arg4[%dma_wait3A_43] : memref<320000xi32, #tpu.memory_space<hbm>> -> memref<128xi32, #tpu.memory_space<hbm>>
    tpu.wait_dma2 semaphore(%arg19 : memref<!tpu.dma_semaphore, #tpu.memory_space<semaphore_mem>>) src(%dma_wait3A_44 : memref<128xi32, #tpu.memory_space<hbm>>) dst(%arg13 : memref<128xi32, #tpu.memory_space<vmem>>)
    %dma_start3A_45 = arith.constant 0 : i32
    %dma_start3A_46 = arith.constant 0 : i32
    %dma_start3A_47 = tpu.memref_slice %arg2[%dma_start3A_45, %dma_start3A_46] : memref<10000x128xf32, #tpu.memory_space<hbm>> -> memref<10000x128xf32, #tpu.memory_space<hbm>>
    tpu.enqueue_indirect_dma source(%dma_start3A_47 : memref<10000x128xf32, #tpu.memory_space<hbm>>) target(%arg15 : memref<128x128xf32, #tpu.memory_space<vmem>>) offsets(%arg11 : memref<128xi32, #tpu.memory_space<vmem>>) semaphore(%arg17 : memref<!tpu.dma_semaphore, #tpu.memory_space<semaphore_mem>>)
    %dma_wait3A_48 = arith.constant 0 : i32
    %dma_wait3A_49 = arith.constant 0 : i32
    %dma_wait3A_50 = tpu.memref_slice %arg5[%dma_wait3A_48, %dma_wait3A_49] : memref<624x128xf32, #tpu.memory_space<hbm>> -> memref<128x128xf32, #tpu.memory_space<hbm>>
    %dma_wait3A_51 = arith.constant 0 : i32
    %dma_wait3A_52 = arith.constant 0 : i32
    %dma_wait3A_53 = tpu.memref_slice %arg5[%dma_wait3A_51, %dma_wait3A_52] : memref<624x128xf32, #tpu.memory_space<hbm>> -> memref<128x128xf32, #tpu.memory_space<hbm>>
    tpu.wait_dma2 semaphore(%arg16 : memref<!tpu.dma_semaphore, #tpu.memory_space<semaphore_mem>>) src(%dma_wait3A_53 : memref<128x128xf32, #tpu.memory_space<hbm>>) dst(%arg14 : memref<128x128xf32, #tpu.memory_space<vmem>>)
    "tpu.region"() ({
      %run_scoped3A = tpu.sem_alloc : memref<!tpu.dma_semaphore, #tpu.memory_space<semaphore_mem>>
      %dma_start3A_119 = arith.constant 0 : i32
      %dma_start3A_120 = arith.constant 0 : i32
      %dma_start3A_121 = tpu.memref_slice %arg9[%dma_start3A_119, %dma_start3A_120] : memref<10000x128xf32, #tpu.memory_space<vmem_shared>> -> memref<10000x128xf32, #tpu.memory_space<vmem_shared>>
      tpu.enqueue_indirect_dma source(%arg14 : memref<128x128xf32, #tpu.memory_space<vmem>>) target(%dma_start3A_121 : memref<10000x128xf32, #tpu.memory_space<vmem_shared>>) offsets(%arg12 : memref<128xi32, #tpu.memory_space<vmem>>) semaphore(%run_scoped3A : memref<!tpu.dma_semaphore, #tpu.memory_space<semaphore_mem>>) {add = true}
      %dma_wait3A_122 = arith.constant 0 : i32
      %dma_wait3A_123 = arith.constant 0 : i32
      %dma_wait3A_124 = tpu.memref_slice %arg9[%dma_wait3A_122, %dma_wait3A_123] : memref<10000x128xf32, #tpu.memory_space<vmem_shared>> -> memref<10000x128xf32, #tpu.memory_space<vmem_shared>>
      tpu.wait_indirect_dma semaphore(%run_scoped3A : memref<!tpu.dma_semaphore, #tpu.memory_space<semaphore_mem>>) src(%arg14 : memref<128x128xf32, #tpu.memory_space<vmem>>) dst(%dma_wait3A_124 : memref<10000x128xf32, #tpu.memory_space<vmem_shared>>)
      tpu.yield
    }) : () -> ()
    %dma_wait3A_54 = arith.constant 0 : i32
    %dma_wait3A_55 = arith.constant 0 : i32
    %dma_wait3A_56 = tpu.memref_slice %arg5[%dma_wait3A_54, %dma_wait3A_55] : memref<624x128xf32, #tpu.memory_space<hbm>> -> memref<128x128xf32, #tpu.memory_space<hbm>>
    %dma_wait3A_57 = arith.constant 0 : i32
    %dma_wait3A_58 = arith.constant 0 : i32
    %dma_wait3A_59 = tpu.memref_slice %arg5[%dma_wait3A_57, %dma_wait3A_58] : memref<624x128xf32, #tpu.memory_space<hbm>> -> memref<128x128xf32, #tpu.memory_space<hbm>>
    tpu.wait_dma2 semaphore(%arg17 : memref<!tpu.dma_semaphore, #tpu.memory_space<semaphore_mem>>) src(%dma_wait3A_59 : memref<128x128xf32, #tpu.memory_space<hbm>>) dst(%arg15 : memref<128x128xf32, #tpu.memory_space<vmem>>)
    "tpu.region"() ({
      %run_scoped3A = tpu.sem_alloc : memref<!tpu.dma_semaphore, #tpu.memory_space<semaphore_mem>>
      %dma_start3A_119 = arith.constant 0 : i32
      %dma_start3A_120 = arith.constant 0 : i32
      %dma_start3A_121 = tpu.memref_slice %arg9[%dma_start3A_119, %dma_start3A_120] : memref<10000x128xf32, #tpu.memory_space<vmem_shared>> -> memref<10000x128xf32, #tpu.memory_space<vmem_shared>>
      tpu.enqueue_indirect_dma source(%arg15 : memref<128x128xf32, #tpu.memory_space<vmem>>) target(%dma_start3A_121 : memref<10000x128xf32, #tpu.memory_space<vmem_shared>>) offsets(%arg13 : memref<128xi32, #tpu.memory_space<vmem>>) semaphore(%run_scoped3A : memref<!tpu.dma_semaphore, #tpu.memory_space<semaphore_mem>>) {add = true}
      %dma_wait3A_122 = arith.constant 0 : i32
      %dma_wait3A_123 = arith.constant 0 : i32
      %dma_wait3A_124 = tpu.memref_slice %arg9[%dma_wait3A_122, %dma_wait3A_123] : memref<10000x128xf32, #tpu.memory_space<vmem_shared>> -> memref<10000x128xf32, #tpu.memory_space<vmem_shared>>
      tpu.wait_indirect_dma semaphore(%run_scoped3A : memref<!tpu.dma_semaphore, #tpu.memory_space<semaphore_mem>>) src(%arg15 : memref<128x128xf32, #tpu.memory_space<vmem>>) dst(%dma_wait3A_124 : memref<10000x128xf32, #tpu.memory_space<vmem_shared>>)
      tpu.yield
    }) : () -> ()
    %lt3A = arith.constant 4 : i32
    %lt3A_60 = arith.cmpi slt, %add3A, %lt3A : i32
    %convert_element_type3A_61 = arith.extui %lt3A_60 : i1 to i32
    %cond3A_62 = arith.constant 0 : i32
    %cond3A_63 = arith.cmpi ne, %convert_element_type3A_61, %cond3A_62 : i32
    scf.if %cond3A_63 {
      %add3A_119 = arith.constant 2496 : i32
      %add3A_120 = arith.addi %add3A_119, %add3A : i32
      %mul3A_121 = arith.constant 128 : i32
      %mul3A_122 = arith.muli %add3A_120, %mul3A_121 : i32
      "tpu.region"() ({
        %run_scoped3A = tpu.sem_alloc : memref<!tpu.dma_semaphore, #tpu.memory_space<semaphore_mem>>
        %dma_start3A_129 = tpu.memref_slice %arg3[%mul3A_122] : memref<320000xi32, #tpu.memory_space<hbm>> -> memref<128xi32, #tpu.memory_space<hbm>>
        %dma_start3A_130 = tpu.memref_slice %arg3[%mul3A_122] : memref<320000xi32, #tpu.memory_space<hbm>> -> memref<128xi32, #tpu.memory_space<hbm>>
        tpu.enqueue_dma source(%dma_start3A_130 : memref<128xi32, #tpu.memory_space<hbm>>) target(%arg10 : memref<128xi32, #tpu.memory_space<vmem>>) target_semaphore(%run_scoped3A : memref<!tpu.dma_semaphore, #tpu.memory_space<semaphore_mem>>)
        %dma_wait3A_131 = tpu.memref_slice %arg3[%mul3A_122] : memref<320000xi32, #tpu.memory_space<hbm>> -> memref<128xi32, #tpu.memory_space<hbm>>
        %dma_wait3A_132 = tpu.memref_slice %arg3[%mul3A_122] : memref<320000xi32, #tpu.memory_space<hbm>> -> memref<128xi32, #tpu.memory_space<hbm>>
        tpu.wait_dma2 semaphore(%run_scoped3A : memref<!tpu.dma_semaphore, #tpu.memory_space<semaphore_mem>>) src(%dma_wait3A_132 : memref<128xi32, #tpu.memory_space<hbm>>) dst(%arg10 : memref<128xi32, #tpu.memory_space<vmem>>)
        tpu.yield
      }) : () -> ()
      "tpu.region"() ({
        %run_scoped3A = tpu.sem_alloc : memref<!tpu.dma_semaphore, #tpu.memory_space<semaphore_mem>>
        %dma_start3A_129 = tpu.memref_slice %arg4[%mul3A_122] : memref<320000xi32, #tpu.memory_space<hbm>> -> memref<128xi32, #tpu.memory_space<hbm>>
        %dma_start3A_130 = tpu.memref_slice %arg4[%mul3A_122] : memref<320000xi32, #tpu.memory_space<hbm>> -> memref<128xi32, #tpu.memory_space<hbm>>
        tpu.enqueue_dma source(%dma_start3A_130 : memref<128xi32, #tpu.memory_space<hbm>>) target(%arg12 : memref<128xi32, #tpu.memory_space<vmem>>) target_semaphore(%run_scoped3A : memref<!tpu.dma_semaphore, #tpu.memory_space<semaphore_mem>>)
        %dma_wait3A_131 = tpu.memref_slice %arg4[%mul3A_122] : memref<320000xi32, #tpu.memory_space<hbm>> -> memref<128xi32, #tpu.memory_space<hbm>>
        %dma_wait3A_132 = tpu.memref_slice %arg4[%mul3A_122] : memref<320000xi32, #tpu.memory_space<hbm>> -> memref<128xi32, #tpu.memory_space<hbm>>
        tpu.wait_dma2 semaphore(%run_scoped3A : memref<!tpu.dma_semaphore, #tpu.memory_space<semaphore_mem>>) src(%dma_wait3A_132 : memref<128xi32, #tpu.memory_space<hbm>>) dst(%arg12 : memref<128xi32, #tpu.memory_space<vmem>>)
        tpu.yield
      }) : () -> ()
      %dma_start3A_123 = arith.constant 0 : i32
      %dma_start3A_124 = arith.constant 0 : i32
      %dma_start3A_125 = tpu.memref_slice %arg2[%dma_start3A_123, %dma_start3A_124] : memref<10000x128xf32, #tpu.memory_space<hbm>> -> memref<10000x128xf32, #tpu.memory_space<hbm>>
      tpu.enqueue_indirect_dma source(%dma_start3A_125 : memref<10000x128xf32, #tpu.memory_space<hbm>>) target(%arg14 : memref<128x128xf32, #tpu.memory_space<vmem>>) offsets(%arg10 : memref<128xi32, #tpu.memory_space<vmem>>) semaphore(%arg16 : memref<!tpu.dma_semaphore, #tpu.memory_space<semaphore_mem>>)
      %dma_wait3A_126 = arith.constant 0 : i32
      %dma_wait3A_127 = arith.constant 0 : i32
      %dma_wait3A_128 = tpu.memref_slice %arg2[%dma_wait3A_126, %dma_wait3A_127] : memref<10000x128xf32, #tpu.memory_space<hbm>> -> memref<10000x128xf32, #tpu.memory_space<hbm>>
      tpu.wait_indirect_dma semaphore(%arg16 : memref<!tpu.dma_semaphore, #tpu.memory_space<semaphore_mem>>) src(%dma_wait3A_128 : memref<10000x128xf32, #tpu.memory_space<hbm>>) dst(%arg14 : memref<128x128xf32, #tpu.memory_space<vmem>>)
      "tpu.region"() ({
        %run_scoped3A = tpu.sem_alloc : memref<!tpu.dma_semaphore, #tpu.memory_space<semaphore_mem>>
        %dma_start3A_129 = arith.constant 0 : i32
        %dma_start3A_130 = arith.constant 0 : i32
        %dma_start3A_131 = tpu.memref_slice %arg9[%dma_start3A_129, %dma_start3A_130] : memref<10000x128xf32, #tpu.memory_space<vmem_shared>> -> memref<10000x128xf32, #tpu.memory_space<vmem_shared>>
        tpu.enqueue_indirect_dma source(%arg14 : memref<128x128xf32, #tpu.memory_space<vmem>>) target(%dma_start3A_131 : memref<10000x128xf32, #tpu.memory_space<vmem_shared>>) offsets(%arg12 : memref<128xi32, #tpu.memory_space<vmem>>) semaphore(%run_scoped3A : memref<!tpu.dma_semaphore, #tpu.memory_space<semaphore_mem>>) {add = true}
        %dma_wait3A_132 = arith.constant 0 : i32
        %dma_wait3A_133 = arith.constant 0 : i32
        %dma_wait3A_134 = tpu.memref_slice %arg9[%dma_wait3A_132, %dma_wait3A_133] : memref<10000x128xf32, #tpu.memory_space<vmem_shared>> -> memref<10000x128xf32, #tpu.memory_space<vmem_shared>>
        tpu.wait_indirect_dma semaphore(%run_scoped3A : memref<!tpu.dma_semaphore, #tpu.memory_space<semaphore_mem>>) src(%arg14 : memref<128x128xf32, #tpu.memory_space<vmem>>) dst(%dma_wait3A_134 : memref<10000x128xf32, #tpu.memory_space<vmem_shared>>)
        tpu.yield
      }) : () -> ()
    } else {
    }
    %barrier3A_64 = arith.constant 0 : index
    tpu.barrier barrier_id(%barrier3A_64)
    %mul3A_65 = arith.constant 624 : i32
    %mul3A_66 = arith.muli %arg1, %mul3A_65 : i32
    "tpu.region"() ({
      %run_scoped3A = tpu.sem_alloc : memref<!tpu.dma_semaphore, #tpu.memory_space<semaphore_mem>>
      %dma_start3A_119 = arith.constant 0 : i32
      %dma_start3A_120 = tpu.memref_slice %arg7[%arg0, %mul3A_66, %dma_start3A_119] : memref<2x10000x128xf32, #tpu.memory_space<hbm>> -> memref<1x624x128xf32, #tpu.memory_space<hbm>>
      %dma_start3A_121 = tpu.memref_squeeze %dma_start3A_120 : memref<1x624x128xf32, #tpu.memory_space<hbm>> -> memref<624x128xf32, #tpu.memory_space<hbm>>
      %dma_start3A_122 = arith.constant 0 : i32
      %dma_start3A_123 = tpu.memref_slice %arg9[%mul3A_66, %dma_start3A_122] : memref<10000x128xf32, #tpu.memory_space<vmem_shared>> -> memref<624x128xf32, #tpu.memory_space<vmem_shared>>
      tpu.enqueue_dma source(%dma_start3A_123 : memref<624x128xf32, #tpu.memory_space<vmem_shared>>) target(%dma_start3A_121 : memref<624x128xf32, #tpu.memory_space<hbm>>) target_semaphore(%run_scoped3A : memref<!tpu.dma_semaphore, #tpu.memory_space<semaphore_mem>>)
      %dma_wait3A_124 = arith.constant 0 : i32
      %dma_wait3A_125 = tpu.memref_slice %arg7[%arg0, %mul3A_66, %dma_wait3A_124] : memref<2x10000x128xf32, #tpu.memory_space<hbm>> -> memref<1x624x128xf32, #tpu.memory_space<hbm>>
      %dma_wait3A_126 = tpu.memref_squeeze %dma_wait3A_125 : memref<1x624x128xf32, #tpu.memory_space<hbm>> -> memref<624x128xf32, #tpu.memory_space<hbm>>
      %dma_wait3A_127 = arith.constant 0 : i32
      %dma_wait3A_128 = tpu.memref_slice %arg9[%mul3A_66, %dma_wait3A_127] : memref<10000x128xf32, #tpu.memory_space<vmem_shared>> -> memref<624x128xf32, #tpu.memory_space<vmem_shared>>
      tpu.wait_dma2 semaphore(%run_scoped3A : memref<!tpu.dma_semaphore, #tpu.memory_space<semaphore_mem>>) src(%dma_wait3A_128 : memref<624x128xf32, #tpu.memory_space<vmem_shared>>) dst(%dma_wait3A_126 : memref<624x128xf32, #tpu.memory_space<hbm>>)
      tpu.yield
    }) : () -> ()
    %eq3A_67 = arith.constant 15 : i32
    %eq3A_68 = arith.cmpi eq, %arg1, %eq3A_67 : i32
    %convert_element_type3A_69 = arith.extui %eq3A_68 : i1 to i32
    %cond3A_70 = arith.constant 0 : i32
    %cond3A_71 = arith.cmpi ne, %convert_element_type3A_69, %cond3A_70 : i32
    scf.if %cond3A_71 {
      "tpu.region"() ({
        %run_scoped3A = tpu.sem_alloc : memref<!tpu.dma_semaphore, #tpu.memory_space<semaphore_mem>>
        %dma_start3A_119 = arith.constant 9984 : i32
        %dma_start3A_120 = arith.constant 0 : i32
        %dma_start3A_121 = tpu.memref_slice %arg7[%arg0, %dma_start3A_119, %dma_start3A_120] : memref<2x10000x128xf32, #tpu.memory_space<hbm>> -> memref<1x16x128xf32, #tpu.memory_space<hbm>>
        %dma_start3A_122 = tpu.memref_squeeze %dma_start3A_121 : memref<1x16x128xf32, #tpu.memory_space<hbm>> -> memref<16x128xf32, #tpu.memory_space<hbm>>
        %dma_start3A_123 = arith.constant 9984 : i32
        %dma_start3A_124 = arith.constant 0 : i32
        %dma_start3A_125 = tpu.memref_slice %arg9[%dma_start3A_123, %dma_start3A_124] : memref<10000x128xf32, #tpu.memory_space<vmem_shared>> -> memref<16x128xf32, #tpu.memory_space<vmem_shared>>
        tpu.enqueue_dma source(%dma_start3A_125 : memref<16x128xf32, #tpu.memory_space<vmem_shared>>) target(%dma_start3A_122 : memref<16x128xf32, #tpu.memory_space<hbm>>) target_semaphore(%run_scoped3A : memref<!tpu.dma_semaphore, #tpu.memory_space<semaphore_mem>>)
        %dma_wait3A_126 = arith.constant 9984 : i32
        %dma_wait3A_127 = arith.constant 0 : i32
        %dma_wait3A_128 = tpu.memref_slice %arg7[%arg0, %dma_wait3A_126, %dma_wait3A_127] : memref<2x10000x128xf32, #tpu.memory_space<hbm>> -> memref<1x16x128xf32, #tpu.memory_space<hbm>>
        %dma_wait3A_129 = tpu.memref_squeeze %dma_wait3A_128 : memref<1x16x128xf32, #tpu.memory_space<hbm>> -> memref<16x128xf32, #tpu.memory_space<hbm>>
        %dma_wait3A_130 = arith.constant 9984 : i32
        %dma_wait3A_131 = arith.constant 0 : i32
        %dma_wait3A_132 = tpu.memref_slice %arg9[%dma_wait3A_130, %dma_wait3A_131] : memref<10000x128xf32, #tpu.memory_space<vmem_shared>> -> memref<16x128xf32, #tpu.memory_space<vmem_shared>>
        tpu.wait_dma2 semaphore(%run_scoped3A : memref<!tpu.dma_semaphore, #tpu.memory_space<semaphore_mem>>) src(%dma_wait3A_132 : memref<16x128xf32, #tpu.memory_space<vmem_shared>>) dst(%dma_wait3A_129 : memref<16x128xf32, #tpu.memory_space<hbm>>)
        tpu.yield
      }) : () -> ()
    } else {
    }
    %mul3A_72 = arith.constant 624 : i32
    %mul3A_73 = arith.muli %arg1, %mul3A_72 : i32
    "tpu.region"() ({
      %run_scoped3A = tpu.sem_alloc : memref<!tpu.dma_semaphore, #tpu.memory_space<semaphore_mem>>
      %dma_start3A_119 = arith.constant 0 : i32
      %dma_start3A_120 = tpu.memref_slice %arg9[%mul3A_73, %dma_start3A_119] : memref<10000x128xf32, #tpu.memory_space<vmem_shared>> -> memref<624x128xf32, #tpu.memory_space<vmem_shared>>
      %dma_start3A_121 = arith.constant 0 : i32
      %dma_start3A_122 = arith.constant 0 : i32
      %dma_start3A_123 = tpu.memref_slice %arg5[%dma_start3A_121, %dma_start3A_122] : memref<624x128xf32, #tpu.memory_space<hbm>> -> memref<624x128xf32, #tpu.memory_space<hbm>>
      tpu.enqueue_dma source(%dma_start3A_123 : memref<624x128xf32, #tpu.memory_space<hbm>>) target(%dma_start3A_120 : memref<624x128xf32, #tpu.memory_space<vmem_shared>>) target_semaphore(%run_scoped3A : memref<!tpu.dma_semaphore, #tpu.memory_space<semaphore_mem>>)
      %dma_wait3A_124 = arith.constant 0 : i32
      %dma_wait3A_125 = tpu.memref_slice %arg9[%mul3A_73, %dma_wait3A_124] : memref<10000x128xf32, #tpu.memory_space<vmem_shared>> -> memref<624x128xf32, #tpu.memory_space<vmem_shared>>
      %dma_wait3A_126 = arith.constant 0 : i32
      %dma_wait3A_127 = arith.constant 0 : i32
      %dma_wait3A_128 = tpu.memref_slice %arg5[%dma_wait3A_126, %dma_wait3A_127] : memref<624x128xf32, #tpu.memory_space<hbm>> -> memref<624x128xf32, #tpu.memory_space<hbm>>
      tpu.wait_dma2 semaphore(%run_scoped3A : memref<!tpu.dma_semaphore, #tpu.memory_space<semaphore_mem>>) src(%dma_wait3A_128 : memref<624x128xf32, #tpu.memory_space<hbm>>) dst(%dma_wait3A_125 : memref<624x128xf32, #tpu.memory_space<vmem_shared>>)
      tpu.yield
    }) : () -> ()
    %eq3A_74 = arith.constant 15 : i32
    %eq3A_75 = arith.cmpi eq, %arg1, %eq3A_74 : i32
    %convert_element_type3A_76 = arith.extui %eq3A_75 : i1 to i32
    %cond3A_77 = arith.constant 0 : i32
    %cond3A_78 = arith.cmpi ne, %convert_element_type3A_76, %cond3A_77 : i32
    scf.if %cond3A_78 {
      "tpu.region"() ({
        %run_scoped3A = tpu.sem_alloc : memref<!tpu.dma_semaphore, #tpu.memory_space<semaphore_mem>>
        %dma_start3A_119 = arith.constant 9984 : i32
        %dma_start3A_120 = arith.constant 0 : i32
        %dma_start3A_121 = tpu.memref_slice %arg9[%dma_start3A_119, %dma_start3A_120] : memref<10000x128xf32, #tpu.memory_space<vmem_shared>> -> memref<16x128xf32, #tpu.memory_space<vmem_shared>>
        %dma_start3A_122 = arith.constant 0 : i32
        %dma_start3A_123 = arith.constant 0 : i32
        %dma_start3A_124 = tpu.memref_slice %arg5[%dma_start3A_122, %dma_start3A_123] : memref<624x128xf32, #tpu.memory_space<hbm>> -> memref<16x128xf32, #tpu.memory_space<hbm>>
        tpu.enqueue_dma source(%dma_start3A_124 : memref<16x128xf32, #tpu.memory_space<hbm>>) target(%dma_start3A_121 : memref<16x128xf32, #tpu.memory_space<vmem_shared>>) target_semaphore(%run_scoped3A : memref<!tpu.dma_semaphore, #tpu.memory_space<semaphore_mem>>)
        %dma_wait3A_125 = arith.constant 9984 : i32
        %dma_wait3A_126 = arith.constant 0 : i32
        %dma_wait3A_127 = tpu.memref_slice %arg9[%dma_wait3A_125, %dma_wait3A_126] : memref<10000x128xf32, #tpu.memory_space<vmem_shared>> -> memref<16x128xf32, #tpu.memory_space<vmem_shared>>
        %dma_wait3A_128 = arith.constant 0 : i32
        %dma_wait3A_129 = arith.constant 0 : i32
        %dma_wait3A_130 = tpu.memref_slice %arg5[%dma_wait3A_128, %dma_wait3A_129] : memref<624x128xf32, #tpu.memory_space<hbm>> -> memref<16x128xf32, #tpu.memory_space<hbm>>
        tpu.wait_dma2 semaphore(%run_scoped3A : memref<!tpu.dma_semaphore, #tpu.memory_space<semaphore_mem>>) src(%dma_wait3A_130 : memref<16x128xf32, #tpu.memory_space<hbm>>) dst(%dma_wait3A_127 : memref<16x128xf32, #tpu.memory_space<vmem_shared>>)
        tpu.yield
      }) : () -> ()
    } else {
    }
    "tpu.region"() ({
      %run_scoped3A = tpu.sem_alloc : memref<!tpu.dma_semaphore, #tpu.memory_space<semaphore_mem>>
      %dma_start3A_119 = arith.constant 0 : i32
      %dma_start3A_120 = arith.constant 0 : i32
      %dma_start3A_121 = tpu.memref_slice %arg6[%dma_start3A_119, %dma_start3A_120] : memref<128x128xf32, #tpu.memory_space<hbm>> -> memref<128x128xf32, #tpu.memory_space<hbm>>
      %dma_start3A_122 = arith.constant 0 : i32
      %dma_start3A_123 = arith.constant 0 : i32
      %dma_start3A_124 = tpu.memref_slice %arg6[%dma_start3A_122, %dma_start3A_123] : memref<128x128xf32, #tpu.memory_space<hbm>> -> memref<128x128xf32, #tpu.memory_space<hbm>>
      tpu.enqueue_dma source(%dma_start3A_124 : memref<128x128xf32, #tpu.memory_space<hbm>>) target(%arg14 : memref<128x128xf32, #tpu.memory_space<vmem>>) target_semaphore(%run_scoped3A : memref<!tpu.dma_semaphore, #tpu.memory_space<semaphore_mem>>)
      %dma_wait3A_125 = arith.constant 0 : i32
      %dma_wait3A_126 = arith.constant 0 : i32
      %dma_wait3A_127 = tpu.memref_slice %arg6[%dma_wait3A_125, %dma_wait3A_126] : memref<128x128xf32, #tpu.memory_space<hbm>> -> memref<128x128xf32, #tpu.memory_space<hbm>>
      %dma_wait3A_128 = arith.constant 0 : i32
      %dma_wait3A_129 = arith.constant 0 : i32
      %dma_wait3A_130 = tpu.memref_slice %arg6[%dma_wait3A_128, %dma_wait3A_129] : memref<128x128xf32, #tpu.memory_space<hbm>> -> memref<128x128xf32, #tpu.memory_space<hbm>>
      tpu.wait_dma2 semaphore(%run_scoped3A : memref<!tpu.dma_semaphore, #tpu.memory_space<semaphore_mem>>) src(%dma_wait3A_130 : memref<128x128xf32, #tpu.memory_space<hbm>>) dst(%arg14 : memref<128x128xf32, #tpu.memory_space<vmem>>)
      tpu.yield
    }) : () -> ()
    %barrier3A_79 = arith.constant 0 : index
    tpu.barrier barrier_id(%barrier3A_79)
    %add3A_80 = arith.constant 0 : i32
    %add3A_81 = arith.addi %mul3A_6, %add3A_80 : i32
    %mul3A_82 = arith.constant 128 : i32
    %mul3A_83 = arith.muli %add3A_81, %mul3A_82 : i32
    %dma_start3A_84 = tpu.memref_slice %arg4[%mul3A_83] : memref<320000xi32, #tpu.memory_space<hbm>> -> memref<128xi32, #tpu.memory_space<hbm>>
    %dma_start3A_85 = tpu.memref_slice %arg4[%mul3A_83] : memref<320000xi32, #tpu.memory_space<hbm>> -> memref<128xi32, #tpu.memory_space<hbm>>
    tpu.enqueue_dma source(%dma_start3A_85 : memref<128xi32, #tpu.memory_space<hbm>>) target(%arg12 : memref<128xi32, #tpu.memory_space<vmem>>) target_semaphore(%arg18 : memref<!tpu.dma_semaphore, #tpu.memory_space<semaphore_mem>>)
    %add3A_86 = arith.constant 1 : i32
    %add3A_87 = arith.addi %mul3A_6, %add3A_86 : i32
    %mul3A_88 = arith.constant 128 : i32
    %mul3A_89 = arith.muli %add3A_87, %mul3A_88 : i32
    %dma_start3A_90 = tpu.memref_slice %arg4[%mul3A_89] : memref<320000xi32, #tpu.memory_space<hbm>> -> memref<128xi32, #tpu.memory_space<hbm>>
    %dma_start3A_91 = tpu.memref_slice %arg4[%mul3A_89] : memref<320000xi32, #tpu.memory_space<hbm>> -> memref<128xi32, #tpu.memory_space<hbm>>
    tpu.enqueue_dma source(%dma_start3A_91 : memref<128xi32, #tpu.memory_space<hbm>>) target(%arg13 : memref<128xi32, #tpu.memory_space<vmem>>) target_semaphore(%arg19 : memref<!tpu.dma_semaphore, #tpu.memory_space<semaphore_mem>>)
    %scan3A_92 = arith.constant 0 : i32
    %scan3A_93 = arith.constant 0 : i32
    %scan3A_94 = arith.constant 38 : i32
    %scan3A_95 = arith.addi %scan3A_93, %scan3A_94 : i32
    %scan3A_96 = arith.constant 1 : i32
    scf.for %scan3A_119 = %scan3A_93 to %scan3A_95 step %scan3A_96  : i32 {
      %mul3A_120 = arith.constant 2 : i32
      %mul3A_121 = arith.muli %mul3A_120, %scan3A_119 : i32
      %add3A_122 = arith.constant 0 : i32
      %add3A_123 = arith.addi %mul3A_121, %add3A_122 : i32
      %dma_wait3A_124 = arith.constant 0 : i32
      %dma_wait3A_125 = tpu.memref_slice %arg4[%dma_wait3A_124] : memref<320000xi32, #tpu.memory_space<hbm>> -> memref<128xi32, #tpu.memory_space<hbm>>
      %dma_wait3A_126 = arith.constant 0 : i32
      %dma_wait3A_127 = tpu.memref_slice %arg4[%dma_wait3A_126] : memref<320000xi32, #tpu.memory_space<hbm>> -> memref<128xi32, #tpu.memory_space<hbm>>
      tpu.wait_dma2 semaphore(%arg18 : memref<!tpu.dma_semaphore, #tpu.memory_space<semaphore_mem>>) src(%dma_wait3A_127 : memref<128xi32, #tpu.memory_space<hbm>>) dst(%arg12 : memref<128xi32, #tpu.memory_space<vmem>>)
      "tpu.region"() ({
        %run_scoped3A = tpu.sem_alloc : memref<!tpu.dma_semaphore, #tpu.memory_space<semaphore_mem>>
        %dma_start3A_150 = arith.constant 0 : i32
        %dma_start3A_151 = arith.constant 0 : i32
        %dma_start3A_152 = tpu.memref_slice %arg9[%dma_start3A_150, %dma_start3A_151] : memref<10000x128xf32, #tpu.memory_space<vmem_shared>> -> memref<10000x128xf32, #tpu.memory_space<vmem_shared>>
        tpu.enqueue_indirect_dma source(%arg14 : memref<128x128xf32, #tpu.memory_space<vmem>>) target(%dma_start3A_152 : memref<10000x128xf32, #tpu.memory_space<vmem_shared>>) offsets(%arg12 : memref<128xi32, #tpu.memory_space<vmem>>) semaphore(%run_scoped3A : memref<!tpu.dma_semaphore, #tpu.memory_space<semaphore_mem>>) {add = true}
        %dma_wait3A_153 = arith.constant 0 : i32
        %dma_wait3A_154 = arith.constant 0 : i32
        %dma_wait3A_155 = tpu.memref_slice %arg9[%dma_wait3A_153, %dma_wait3A_154] : memref<10000x128xf32, #tpu.memory_space<vmem_shared>> -> memref<10000x128xf32, #tpu.memory_space<vmem_shared>>
        tpu.wait_indirect_dma semaphore(%run_scoped3A : memref<!tpu.dma_semaphore, #tpu.memory_space<semaphore_mem>>) src(%arg14 : memref<128x128xf32, #tpu.memory_space<vmem>>) dst(%dma_wait3A_155 : memref<10000x128xf32, #tpu.memory_space<vmem_shared>>)
        tpu.yield
      }) : () -> ()
      %add3A_128 = arith.constant 2 : i32
      %add3A_129 = arith.addi %add3A_123, %add3A_128 : i32
      %add3A_130 = arith.addi %mul3A_6, %add3A_129 : i32
      %mul3A_131 = arith.constant 128 : i32
      %mul3A_132 = arith.muli %add3A_130, %mul3A_131 : i32
      %dma_start3A_133 = tpu.memref_slice %arg4[%mul3A_132] : memref<320000xi32, #tpu.memory_space<hbm>> -> memref<128xi32, #tpu.memory_space<hbm>>
      %dma_start3A_134 = tpu.memref_slice %arg4[%mul3A_132] : memref<320000xi32, #tpu.memory_space<hbm>> -> memref<128xi32, #tpu.memory_space<hbm>>
      tpu.enqueue_dma source(%dma_start3A_134 : memref<128xi32, #tpu.memory_space<hbm>>) target(%arg12 : memref<128xi32, #tpu.memory_space<vmem>>) target_semaphore(%arg18 : memref<!tpu.dma_semaphore, #tpu.memory_space<semaphore_mem>>)
      %mul3A_135 = arith.constant 2 : i32
      %mul3A_136 = arith.muli %mul3A_135, %scan3A_119 : i32
      %add3A_137 = arith.constant 1 : i32
      %add3A_138 = arith.addi %mul3A_136, %add3A_137 : i32
      %dma_wait3A_139 = arith.constant 0 : i32
      %dma_wait3A_140 = tpu.memref_slice %arg4[%dma_wait3A_139] : memref<320000xi32, #tpu.memory_space<hbm>> -> memref<128xi32, #tpu.memory_space<hbm>>
      %dma_wait3A_141 = arith.constant 0 : i32
      %dma_wait3A_142 = tpu.memref_slice %arg4[%dma_wait3A_141] : memref<320000xi32, #tpu.memory_space<hbm>> -> memref<128xi32, #tpu.memory_space<hbm>>
      tpu.wait_dma2 semaphore(%arg19 : memref<!tpu.dma_semaphore, #tpu.memory_space<semaphore_mem>>) src(%dma_wait3A_142 : memref<128xi32, #tpu.memory_space<hbm>>) dst(%arg13 : memref<128xi32, #tpu.memory_space<vmem>>)
      "tpu.region"() ({
        %run_scoped3A = tpu.sem_alloc : memref<!tpu.dma_semaphore, #tpu.memory_space<semaphore_mem>>
        %dma_start3A_150 = arith.constant 0 : i32
        %dma_start3A_151 = arith.constant 0 : i32
        %dma_start3A_152 = tpu.memref_slice %arg9[%dma_start3A_150, %dma_start3A_151] : memref<10000x128xf32, #tpu.memory_space<vmem_shared>> -> memref<10000x128xf32, #tpu.memory_space<vmem_shared>>
        tpu.enqueue_indirect_dma source(%arg14 : memref<128x128xf32, #tpu.memory_space<vmem>>) target(%dma_start3A_152 : memref<10000x128xf32, #tpu.memory_space<vmem_shared>>) offsets(%arg13 : memref<128xi32, #tpu.memory_space<vmem>>) semaphore(%run_scoped3A : memref<!tpu.dma_semaphore, #tpu.memory_space<semaphore_mem>>) {add = true}
        %dma_wait3A_153 = arith.constant 0 : i32
        %dma_wait3A_154 = arith.constant 0 : i32
        %dma_wait3A_155 = tpu.memref_slice %arg9[%dma_wait3A_153, %dma_wait3A_154] : memref<10000x128xf32, #tpu.memory_space<vmem_shared>> -> memref<10000x128xf32, #tpu.memory_space<vmem_shared>>
        tpu.wait_indirect_dma semaphore(%run_scoped3A : memref<!tpu.dma_semaphore, #tpu.memory_space<semaphore_mem>>) src(%arg14 : memref<128x128xf32, #tpu.memory_space<vmem>>) dst(%dma_wait3A_155 : memref<10000x128xf32, #tpu.memory_space<vmem_shared>>)
        tpu.yield
      }) : () -> ()
      %add3A_143 = arith.constant 2 : i32
      %add3A_144 = arith.addi %add3A_138, %add3A_143 : i32
      %add3A_145 = arith.addi %mul3A_6, %add3A_144 : i32
      %mul3A_146 = arith.constant 128 : i32
      %mul3A_147 = arith.muli %add3A_145, %mul3A_146 : i32
      %dma_start3A_148 = tpu.memref_slice %arg4[%mul3A_147] : memref<320000xi32, #tpu.memory_space<hbm>> -> memref<128xi32, #tpu.memory_space<hbm>>
      %dma_start3A_149 = tpu.memref_slice %arg4[%mul3A_147] : memref<320000xi32, #tpu.memory_space<hbm>> -> memref<128xi32, #tpu.memory_space<hbm>>
      tpu.enqueue_dma source(%dma_start3A_149 : memref<128xi32, #tpu.memory_space<hbm>>) target(%arg13 : memref<128xi32, #tpu.memory_space<vmem>>) target_semaphore(%arg19 : memref<!tpu.dma_semaphore, #tpu.memory_space<semaphore_mem>>)
    }
    %scan3A_97 = arith.constant 38 : i32
    %dma_wait3A_98 = arith.constant 0 : i32
    %dma_wait3A_99 = tpu.memref_slice %arg4[%dma_wait3A_98] : memref<320000xi32, #tpu.memory_space<hbm>> -> memref<128xi32, #tpu.memory_space<hbm>>
    %dma_wait3A_100 = arith.constant 0 : i32
    %dma_wait3A_101 = tpu.memref_slice %arg4[%dma_wait3A_100] : memref<320000xi32, #tpu.memory_space<hbm>> -> memref<128xi32, #tpu.memory_space<hbm>>
    tpu.wait_dma2 semaphore(%arg18 : memref<!tpu.dma_semaphore, #tpu.memory_space<semaphore_mem>>) src(%dma_wait3A_101 : memref<128xi32, #tpu.memory_space<hbm>>) dst(%arg12 : memref<128xi32, #tpu.memory_space<vmem>>)
    "tpu.region"() ({
      %run_scoped3A = tpu.sem_alloc : memref<!tpu.dma_semaphore, #tpu.memory_space<semaphore_mem>>
      %dma_start3A_119 = arith.constant 0 : i32
      %dma_start3A_120 = arith.constant 0 : i32
      %dma_start3A_121 = tpu.memref_slice %arg9[%dma_start3A_119, %dma_start3A_120] : memref<10000x128xf32, #tpu.memory_space<vmem_shared>> -> memref<10000x128xf32, #tpu.memory_space<vmem_shared>>
      tpu.enqueue_indirect_dma source(%arg14 : memref<128x128xf32, #tpu.memory_space<vmem>>) target(%dma_start3A_121 : memref<10000x128xf32, #tpu.memory_space<vmem_shared>>) offsets(%arg12 : memref<128xi32, #tpu.memory_space<vmem>>) semaphore(%run_scoped3A : memref<!tpu.dma_semaphore, #tpu.memory_space<semaphore_mem>>) {add = true}
      %dma_wait3A_122 = arith.constant 0 : i32
      %dma_wait3A_123 = arith.constant 0 : i32
      %dma_wait3A_124 = tpu.memref_slice %arg9[%dma_wait3A_122, %dma_wait3A_123] : memref<10000x128xf32, #tpu.memory_space<vmem_shared>> -> memref<10000x128xf32, #tpu.memory_space<vmem_shared>>
      tpu.wait_indirect_dma semaphore(%run_scoped3A : memref<!tpu.dma_semaphore, #tpu.memory_space<semaphore_mem>>) src(%arg14 : memref<128x128xf32, #tpu.memory_space<vmem>>) dst(%dma_wait3A_124 : memref<10000x128xf32, #tpu.memory_space<vmem_shared>>)
      tpu.yield
    }) : () -> ()
    %dma_wait3A_102 = arith.constant 0 : i32
    %dma_wait3A_103 = tpu.memref_slice %arg4[%dma_wait3A_102] : memref<320000xi32, #tpu.memory_space<hbm>> -> memref<128xi32, #tpu.memory_space<hbm>>
    %dma_wait3A_104 = arith.constant 0 : i32
    %dma_wait3A_105 = tpu.memref_slice %arg4[%dma_wait3A_104] : memref<320000xi32, #tpu.memory_space<hbm>> -> memref<128xi32, #tpu.memory_space<hbm>>
    tpu.wait_dma2 semaphore(%arg19 : memref<!tpu.dma_semaphore, #tpu.memory_space<semaphore_mem>>) src(%dma_wait3A_105 : memref<128xi32, #tpu.memory_space<hbm>>) dst(%arg13 : memref<128xi32, #tpu.memory_space<vmem>>)
    "tpu.region"() ({
      %run_scoped3A = tpu.sem_alloc : memref<!tpu.dma_semaphore, #tpu.memory_space<semaphore_mem>>
      %dma_start3A_119 = arith.constant 0 : i32
      %dma_start3A_120 = arith.constant 0 : i32
      %dma_start3A_121 = tpu.memref_slice %arg9[%dma_start3A_119, %dma_start3A_120] : memref<10000x128xf32, #tpu.memory_space<vmem_shared>> -> memref<10000x128xf32, #tpu.memory_space<vmem_shared>>
      tpu.enqueue_indirect_dma source(%arg14 : memref<128x128xf32, #tpu.memory_space<vmem>>) target(%dma_start3A_121 : memref<10000x128xf32, #tpu.memory_space<vmem_shared>>) offsets(%arg13 : memref<128xi32, #tpu.memory_space<vmem>>) semaphore(%run_scoped3A : memref<!tpu.dma_semaphore, #tpu.memory_space<semaphore_mem>>) {add = true}
      %dma_wait3A_122 = arith.constant 0 : i32
      %dma_wait3A_123 = arith.constant 0 : i32
      %dma_wait3A_124 = tpu.memref_slice %arg9[%dma_wait3A_122, %dma_wait3A_123] : memref<10000x128xf32, #tpu.memory_space<vmem_shared>> -> memref<10000x128xf32, #tpu.memory_space<vmem_shared>>
      tpu.wait_indirect_dma semaphore(%run_scoped3A : memref<!tpu.dma_semaphore, #tpu.memory_space<semaphore_mem>>) src(%arg14 : memref<128x128xf32, #tpu.memory_space<vmem>>) dst(%dma_wait3A_124 : memref<10000x128xf32, #tpu.memory_space<vmem_shared>>)
      tpu.yield
    }) : () -> ()
    %lt3A_106 = arith.constant 4 : i32
    %lt3A_107 = arith.cmpi slt, %add3A, %lt3A_106 : i32
    %convert_element_type3A_108 = arith.extui %lt3A_107 : i1 to i32
    %cond3A_109 = arith.constant 0 : i32
    %cond3A_110 = arith.cmpi ne, %convert_element_type3A_108, %cond3A_109 : i32
    scf.if %cond3A_110 {
      %add3A_119 = arith.constant 2496 : i32
      %add3A_120 = arith.addi %add3A_119, %add3A : i32
      %mul3A_121 = arith.constant 128 : i32
      %mul3A_122 = arith.muli %add3A_120, %mul3A_121 : i32
      "tpu.region"() ({
        %run_scoped3A = tpu.sem_alloc : memref<!tpu.dma_semaphore, #tpu.memory_space<semaphore_mem>>
        %dma_start3A_123 = tpu.memref_slice %arg4[%mul3A_122] : memref<320000xi32, #tpu.memory_space<hbm>> -> memref<128xi32, #tpu.memory_space<hbm>>
        %dma_start3A_124 = tpu.memref_slice %arg4[%mul3A_122] : memref<320000xi32, #tpu.memory_space<hbm>> -> memref<128xi32, #tpu.memory_space<hbm>>
        tpu.enqueue_dma source(%dma_start3A_124 : memref<128xi32, #tpu.memory_space<hbm>>) target(%arg12 : memref<128xi32, #tpu.memory_space<vmem>>) target_semaphore(%run_scoped3A : memref<!tpu.dma_semaphore, #tpu.memory_space<semaphore_mem>>)
        %dma_wait3A_125 = tpu.memref_slice %arg4[%mul3A_122] : memref<320000xi32, #tpu.memory_space<hbm>> -> memref<128xi32, #tpu.memory_space<hbm>>
        %dma_wait3A_126 = tpu.memref_slice %arg4[%mul3A_122] : memref<320000xi32, #tpu.memory_space<hbm>> -> memref<128xi32, #tpu.memory_space<hbm>>
        tpu.wait_dma2 semaphore(%run_scoped3A : memref<!tpu.dma_semaphore, #tpu.memory_space<semaphore_mem>>) src(%dma_wait3A_126 : memref<128xi32, #tpu.memory_space<hbm>>) dst(%arg12 : memref<128xi32, #tpu.memory_space<vmem>>)
        tpu.yield
      }) : () -> ()
      "tpu.region"() ({
        %run_scoped3A = tpu.sem_alloc : memref<!tpu.dma_semaphore, #tpu.memory_space<semaphore_mem>>
        %dma_start3A_123 = arith.constant 0 : i32
        %dma_start3A_124 = arith.constant 0 : i32
        %dma_start3A_125 = tpu.memref_slice %arg9[%dma_start3A_123, %dma_start3A_124] : memref<10000x128xf32, #tpu.memory_space<vmem_shared>> -> memref<10000x128xf32, #tpu.memory_space<vmem_shared>>
        tpu.enqueue_indirect_dma source(%arg14 : memref<128x128xf32, #tpu.memory_space<vmem>>) target(%dma_start3A_125 : memref<10000x128xf32, #tpu.memory_space<vmem_shared>>) offsets(%arg12 : memref<128xi32, #tpu.memory_space<vmem>>) semaphore(%run_scoped3A : memref<!tpu.dma_semaphore, #tpu.memory_space<semaphore_mem>>) {add = true}
        %dma_wait3A_126 = arith.constant 0 : i32
        %dma_wait3A_127 = arith.constant 0 : i32
        %dma_wait3A_128 = tpu.memref_slice %arg9[%dma_wait3A_126, %dma_wait3A_127] : memref<10000x128xf32, #tpu.memory_space<vmem_shared>> -> memref<10000x128xf32, #tpu.memory_space<vmem_shared>>
        tpu.wait_indirect_dma semaphore(%run_scoped3A : memref<!tpu.dma_semaphore, #tpu.memory_space<semaphore_mem>>) src(%arg14 : memref<128x128xf32, #tpu.memory_space<vmem>>) dst(%dma_wait3A_128 : memref<10000x128xf32, #tpu.memory_space<vmem_shared>>)
        tpu.yield
      }) : () -> ()
    } else {
    }
    %barrier3A_111 = arith.constant 0 : index
    tpu.barrier barrier_id(%barrier3A_111)
    %mul3A_112 = arith.constant 624 : i32
    %mul3A_113 = arith.muli %arg1, %mul3A_112 : i32
    "tpu.region"() ({
      %run_scoped3A = tpu.sem_alloc : memref<!tpu.dma_semaphore, #tpu.memory_space<semaphore_mem>>
      %dma_start3A_119 = arith.constant 0 : i32
      %dma_start3A_120 = tpu.memref_slice %arg8[%arg0, %mul3A_113, %dma_start3A_119] : memref<2x10000x128xf32, #tpu.memory_space<hbm>> -> memref<1x624x128xf32, #tpu.memory_space<hbm>>
      %dma_start3A_121 = tpu.memref_squeeze %dma_start3A_120 : memref<1x624x128xf32, #tpu.memory_space<hbm>> -> memref<624x128xf32, #tpu.memory_space<hbm>>
      %dma_start3A_122 = arith.constant 0 : i32
      %dma_start3A_123 = tpu.memref_slice %arg9[%mul3A_113, %dma_start3A_122] : memref<10000x128xf32, #tpu.memory_space<vmem_shared>> -> memref<624x128xf32, #tpu.memory_space<vmem_shared>>
      tpu.enqueue_dma source(%dma_start3A_123 : memref<624x128xf32, #tpu.memory_space<vmem_shared>>) target(%dma_start3A_121 : memref<624x128xf32, #tpu.memory_space<hbm>>) target_semaphore(%run_scoped3A : memref<!tpu.dma_semaphore, #tpu.memory_space<semaphore_mem>>)
      %dma_wait3A_124 = arith.constant 0 : i32
      %dma_wait3A_125 = tpu.memref_slice %arg8[%arg0, %mul3A_113, %dma_wait3A_124] : memref<2x10000x128xf32, #tpu.memory_space<hbm>> -> memref<1x624x128xf32, #tpu.memory_space<hbm>>
      %dma_wait3A_126 = tpu.memref_squeeze %dma_wait3A_125 : memref<1x624x128xf32, #tpu.memory_space<hbm>> -> memref<624x128xf32, #tpu.memory_space<hbm>>
      %dma_wait3A_127 = arith.constant 0 : i32
      %dma_wait3A_128 = tpu.memref_slice %arg9[%mul3A_113, %dma_wait3A_127] : memref<10000x128xf32, #tpu.memory_space<vmem_shared>> -> memref<624x128xf32, #tpu.memory_space<vmem_shared>>
      tpu.wait_dma2 semaphore(%run_scoped3A : memref<!tpu.dma_semaphore, #tpu.memory_space<semaphore_mem>>) src(%dma_wait3A_128 : memref<624x128xf32, #tpu.memory_space<vmem_shared>>) dst(%dma_wait3A_126 : memref<624x128xf32, #tpu.memory_space<hbm>>)
      tpu.yield
    }) : () -> ()
    %eq3A_114 = arith.constant 15 : i32
    %eq3A_115 = arith.cmpi eq, %arg1, %eq3A_114 : i32
    %convert_element_type3A_116 = arith.extui %eq3A_115 : i1 to i32
    %cond3A_117 = arith.constant 0 : i32
    %cond3A_118 = arith.cmpi ne, %convert_element_type3A_116, %cond3A_117 : i32
    scf.if %cond3A_118 {
      "tpu.region"() ({
        %run_scoped3A = tpu.sem_alloc : memref<!tpu.dma_semaphore, #tpu.memory_space<semaphore_mem>>
        %dma_start3A_119 = arith.constant 9984 : i32
        %dma_start3A_120 = arith.constant 0 : i32
        %dma_start3A_121 = tpu.memref_slice %arg8[%arg0, %dma_start3A_119, %dma_start3A_120] : memref<2x10000x128xf32, #tpu.memory_space<hbm>> -> memref<1x16x128xf32, #tpu.memory_space<hbm>>
        %dma_start3A_122 = tpu.memref_squeeze %dma_start3A_121 : memref<1x16x128xf32, #tpu.memory_space<hbm>> -> memref<16x128xf32, #tpu.memory_space<hbm>>
        %dma_start3A_123 = arith.constant 9984 : i32
        %dma_start3A_124 = arith.constant 0 : i32
        %dma_start3A_125 = tpu.memref_slice %arg9[%dma_start3A_123, %dma_start3A_124] : memref<10000x128xf32, #tpu.memory_space<vmem_shared>> -> memref<16x128xf32, #tpu.memory_space<vmem_shared>>
        tpu.enqueue_dma source(%dma_start3A_125 : memref<16x128xf32, #tpu.memory_space<vmem_shared>>) target(%dma_start3A_122 : memref<16x128xf32, #tpu.memory_space<hbm>>) target_semaphore(%run_scoped3A : memref<!tpu.dma_semaphore, #tpu.memory_space<semaphore_mem>>)
        %dma_wait3A_126 = arith.constant 9984 : i32
        %dma_wait3A_127 = arith.constant 0 : i32
        %dma_wait3A_128 = tpu.memref_slice %arg8[%arg0, %dma_wait3A_126, %dma_wait3A_127] : memref<2x10000x128xf32, #tpu.memory_space<hbm>> -> memref<1x16x128xf32, #tpu.memory_space<hbm>>
        %dma_wait3A_129 = tpu.memref_squeeze %dma_wait3A_128 : memref<1x16x128xf32, #tpu.memory_space<hbm>> -> memref<16x128xf32, #tpu.memory_space<hbm>>
        %dma_wait3A_130 = arith.constant 9984 : i32
        %dma_wait3A_131 = arith.constant 0 : i32
        %dma_wait3A_132 = tpu.memref_slice %arg9[%dma_wait3A_130, %dma_wait3A_131] : memref<10000x128xf32, #tpu.memory_space<vmem_shared>> -> memref<16x128xf32, #tpu.memory_space<vmem_shared>>
        tpu.wait_dma2 semaphore(%run_scoped3A : memref<!tpu.dma_semaphore, #tpu.memory_space<semaphore_mem>>) src(%dma_wait3A_132 : memref<16x128xf32, #tpu.memory_space<vmem_shared>>) dst(%dma_wait3A_129 : memref<16x128xf32, #tpu.memory_space<hbm>>)
        tpu.yield
      }) : () -> ()
    } else {
    }
    return
  }
}

module attributes {stable_mosaic.version = 14 : i64} {
  func.func @_tc1_body(%arg0: i32, %arg1: memref<1000x128xf32, #tpu.memory_space<vmem>>, %arg2: memref<2x1000x128xf32, #tpu.memory_space<vmem>>, %arg3: memref<2x1000x128xf32, #tpu.memory_space<vmem>>, %arg4: memref<256x128xf32, #tpu.memory_space<vmem>>, %arg5: memref<1x256xf32, #tpu.memory_space<vmem>>, %arg6: memref<256x128xf32, #tpu.memory_space<vmem>>, %arg7: memref<1x256xf32, #tpu.memory_space<vmem>>, %arg8: memref<1x256xf32, #tpu.memory_space<vmem>>, %arg9: memref<512x256xf32, #tpu.memory_space<vmem>>, %arg10: memref<1x512xf32, #tpu.memory_space<vmem>>, %arg11: memref<256x512xf32, #tpu.memory_space<vmem>>, %arg12: memref<1x256xf32, #tpu.memory_space<vmem>>, %arg13: memref<2x1000x128xf32, #tpu.memory_space<vmem>>) attributes {dimension_semantics = [#tpu.dimension_semantics<arbitrary>], iteration_bounds = array<i64: 10>, scalar_prefetch = 0 : i64, scratch_operands = 0 : i64, tpu.core_type = #tpu.core_type<tc>, window_params = [{transform_indices = @transform_0, window_bounds = array<i64: 1000, 128>}, {transform_indices = @transform_1, window_bounds = array<i64: 2, 1000, 128>}, {transform_indices = @transform_2, window_bounds = array<i64: 2, 1000, 128>}, {pipeline_mode = #tpu.pipeline_mode<synchronous>, transform_indices = @transform_3, window_bounds = array<i64: 256, 128>}, {pipeline_mode = #tpu.pipeline_mode<synchronous>, transform_indices = @transform_4, window_bounds = array<i64: 1, 256>}, {pipeline_mode = #tpu.pipeline_mode<synchronous>, transform_indices = @transform_5, window_bounds = array<i64: 256, 128>}, {pipeline_mode = #tpu.pipeline_mode<synchronous>, transform_indices = @transform_6, window_bounds = array<i64: 1, 256>}, {pipeline_mode = #tpu.pipeline_mode<synchronous>, transform_indices = @transform_7, window_bounds = array<i64: 1, 256>}, {pipeline_mode = #tpu.pipeline_mode<synchronous>, transform_indices = @transform_8, window_bounds = array<i64: 512, 256>}, {pipeline_mode = #tpu.pipeline_mode<synchronous>, transform_indices = @transform_9, window_bounds = array<i64: 1, 512>}, {pipeline_mode = #tpu.pipeline_mode<synchronous>, transform_indices = @transform_10, window_bounds = array<i64: 256, 512>}, {pipeline_mode = #tpu.pipeline_mode<synchronous>, transform_indices = @transform_11, window_bounds = array<i64: 1, 256>}, {transform_indices = @transform_12, window_bounds = array<i64: 2, 1000, 128>}]} {
    %get3A = arith.constant 0 : index
    %get3A_0 = arith.constant 0 : index
    %get3A_1 = arith.constant 0 : index
    %get3A_2 = vector.load %arg3[%get3A, %get3A_0, %get3A_1] : memref<2x1000x128xf32, #tpu.memory_space<vmem>>, vector<1x1000x128xf32>
    %get3A_3 = vector.shape_cast %get3A_2 : vector<1x1000x128xf32> to vector<1000x128xf32>
    %slice3A = vector.extract_strided_slice %get3A_3 {offsets = [0, 0], sizes = [1000, 1], strides = [1, 1]} : vector<1000x128xf32> to vector<1000x1xf32>
    %get3A_4 = arith.constant 1 : index
    %get3A_5 = arith.constant 0 : index
    %get3A_6 = arith.constant 0 : index
    %get3A_7 = vector.load %arg3[%get3A_4, %get3A_5, %get3A_6] : memref<2x1000x128xf32, #tpu.memory_space<vmem>>, vector<1x1000x128xf32>
    %get3A_8 = vector.shape_cast %get3A_7 : vector<1x1000x128xf32> to vector<1000x128xf32>
    %slice3A_9 = vector.extract_strided_slice %get3A_8 {offsets = [0, 0], sizes = [1000, 1], strides = [1, 1]} : vector<1000x128xf32> to vector<1000x1xf32>
    %add3A = arith.addf %slice3A, %slice3A_9 : vector<1000x1xf32>
    %get3A_10 = arith.constant 0 : index
    %get3A_11 = arith.constant 0 : index
    %get3A_12 = arith.constant 0 : index
    %get3A_13 = vector.load %arg2[%get3A_10, %get3A_11, %get3A_12] : memref<2x1000x128xf32, #tpu.memory_space<vmem>>, vector<1x1000x128xf32>
    %get3A_14 = vector.shape_cast %get3A_13 : vector<1x1000x128xf32> to vector<1000x128xf32>
    %get3A_15 = arith.constant 1 : index
    %get3A_16 = arith.constant 0 : index
    %get3A_17 = arith.constant 0 : index
    %get3A_18 = vector.load %arg2[%get3A_15, %get3A_16, %get3A_17] : memref<2x1000x128xf32, #tpu.memory_space<vmem>>, vector<1x1000x128xf32>
    %get3A_19 = vector.shape_cast %get3A_18 : vector<1x1000x128xf32> to vector<1000x128xf32>
    %add3A_20 = arith.addf %get3A_14, %get3A_19 : vector<1000x128xf32>
    %jit3A = arith.constant 1.000000e+00 : f32
    %max3A = vector.broadcast %jit3A : f32 to vector<1000x1xf32>
    %max3A_21 = arith.maximumf %max3A, %add3A : vector<1000x1xf32>
    %div3A = vector.broadcast %max3A_21 : vector<1000x1xf32> to vector<1000x128xf32>
    %div3A_22 = arith.divf %add3A_20, %div3A : vector<1000x128xf32>
    %get3A_23 = arith.constant 0 : index
    %get3A_24 = arith.constant 0 : index
    %get3A_25 = vector.load %arg4[%get3A_23, %get3A_24] : memref<256x128xf32, #tpu.memory_space<vmem>>, vector<256x128xf32>
    %dot_general3A = arith.constant dense<0.000000e+00> : vector<1000x256xf32>
    %dot_general3A_26 = tpu.matmul %div3A_22, %get3A_25, %dot_general3A {dimension_numbers = #tpu.dot_dimension_numbers<[1], [1], [0], [0], [0, 0, 1, 0], [], []>, transpose_lhs_hint = false} : vector<1000x128xf32>, vector<256x128xf32>, vector<1000x256xf32> -> vector<1000x256xf32>
    %get3A_27 = arith.constant 0 : index
    %get3A_28 = arith.constant 0 : index
    %get3A_29 = vector.load %arg5[%get3A_27, %get3A_28] : memref<1x256xf32, #tpu.memory_space<vmem>>, vector<1x256xf32>
    %add3A_30 = vector.broadcast %get3A_29 : vector<1x256xf32> to vector<1000x256xf32>
    %add3A_31 = arith.addf %dot_general3A_26, %add3A_30 : vector<1000x256xf32>
    %get3A_32 = arith.constant 0 : index
    %get3A_33 = arith.constant 0 : index
    %get3A_34 = vector.load %arg1[%get3A_32, %get3A_33] : memref<1000x128xf32, #tpu.memory_space<vmem>>, vector<1000x128xf32>
    %get3A_35 = arith.constant 0 : index
    %get3A_36 = arith.constant 0 : index
    %get3A_37 = vector.load %arg6[%get3A_35, %get3A_36] : memref<256x128xf32, #tpu.memory_space<vmem>>, vector<256x128xf32>
    %dot_general3A_38 = arith.constant dense<0.000000e+00> : vector<1000x256xf32>
    %dot_general3A_39 = tpu.matmul %get3A_34, %get3A_37, %dot_general3A_38 {dimension_numbers = #tpu.dot_dimension_numbers<[1], [1], [0], [0], [0, 0, 1, 0], [], []>, transpose_lhs_hint = false} : vector<1000x128xf32>, vector<256x128xf32>, vector<1000x256xf32> -> vector<1000x256xf32>
    %add3A_40 = arith.addf %add3A_31, %dot_general3A_39 : vector<1000x256xf32>
    %reduce_sum3A = arith.constant dense<0.000000e+00> : vector<1000xf32>
    %reduce_sum3A_41 = vector.multi_reduction <add>, %add3A_40, %reduce_sum3A [1] : vector<1000x256xf32> to vector<1000xf32>
    %broadcast_in_dim3A = vector.shape_cast %reduce_sum3A_41 : vector<1000xf32> to vector<1000x1xf32>
    %div3A_42 = arith.constant 2.560000e+02 : f32
    %div3A_43 = vector.broadcast %div3A_42 : f32 to vector<1000x1xf32>
    %div3A_44 = arith.divf %broadcast_in_dim3A, %div3A_43 : vector<1000x1xf32>
    %sub3A = vector.broadcast %div3A_44 : vector<1000x1xf32> to vector<1000x256xf32>
    %sub3A_45 = arith.subf %add3A_40, %sub3A : vector<1000x256xf32>
    %integer_pow3A = arith.mulf %sub3A_45, %sub3A_45 : vector<1000x256xf32>
    %reduce_sum3A_46 = arith.constant dense<0.000000e+00> : vector<1000xf32>
    %reduce_sum3A_47 = vector.multi_reduction <add>, %integer_pow3A, %reduce_sum3A_46 [1] : vector<1000x256xf32> to vector<1000xf32>
    %broadcast_in_dim3A_48 = vector.shape_cast %reduce_sum3A_47 : vector<1000xf32> to vector<1000x1xf32>
    %div3A_49 = arith.constant 2.560000e+02 : f32
    %div3A_50 = vector.broadcast %div3A_49 : f32 to vector<1000x1xf32>
    %div3A_51 = arith.divf %broadcast_in_dim3A_48, %div3A_50 : vector<1000x1xf32>
    %sub3A_52 = vector.broadcast %div3A_44 : vector<1000x1xf32> to vector<1000x256xf32>
    %sub3A_53 = arith.subf %add3A_40, %sub3A_52 : vector<1000x256xf32>
    %add3A_54 = arith.constant 9.99999974E-6 : f32
    %add3A_55 = vector.broadcast %add3A_54 : f32 to vector<1000x1xf32>
    %add3A_56 = arith.addf %div3A_51, %add3A_55 : vector<1000x1xf32>
    %rsqrt3A = math.rsqrt %add3A_56 : vector<1000x1xf32>
    %mul3A = vector.broadcast %rsqrt3A : vector<1000x1xf32> to vector<1000x256xf32>
    %mul3A_57 = arith.mulf %sub3A_53, %mul3A : vector<1000x256xf32>
    %get3A_58 = arith.constant 0 : index
    %get3A_59 = arith.constant 0 : index
    %get3A_60 = vector.load %arg7[%get3A_58, %get3A_59] : memref<1x256xf32, #tpu.memory_space<vmem>>, vector<1x256xf32>
    %mul3A_61 = vector.broadcast %get3A_60 : vector<1x256xf32> to vector<1000x256xf32>
    %mul3A_62 = arith.mulf %mul3A_57, %mul3A_61 : vector<1000x256xf32>
    %get3A_63 = arith.constant 0 : index
    %get3A_64 = arith.constant 0 : index
    %get3A_65 = vector.load %arg8[%get3A_63, %get3A_64] : memref<1x256xf32, #tpu.memory_space<vmem>>, vector<1x256xf32>
    %add3A_66 = vector.broadcast %get3A_65 : vector<1x256xf32> to vector<1000x256xf32>
    %add3A_67 = arith.addf %mul3A_62, %add3A_66 : vector<1000x256xf32>
    %max3A_68 = arith.constant 0.000000e+00 : f32
    %max3A_69 = vector.broadcast %max3A_68 : f32 to vector<1000x256xf32>
    %max3A_70 = arith.maximumf %add3A_67, %max3A_69 : vector<1000x256xf32>
    %get3A_71 = arith.constant 0 : index
    %get3A_72 = arith.constant 0 : index
    %get3A_73 = vector.load %arg9[%get3A_71, %get3A_72] : memref<512x256xf32, #tpu.memory_space<vmem>>, vector<512x256xf32>
    %dot_general3A_74 = arith.constant dense<0.000000e+00> : vector<1000x512xf32>
    %dot_general3A_75 = tpu.matmul %max3A_70, %get3A_73, %dot_general3A_74 {dimension_numbers = #tpu.dot_dimension_numbers<[1], [1], [0], [0], [0, 0, 1, 0], [], []>, transpose_lhs_hint = false} : vector<1000x256xf32>, vector<512x256xf32>, vector<1000x512xf32> -> vector<1000x512xf32>
    %get3A_76 = arith.constant 0 : index
    %get3A_77 = arith.constant 0 : index
    %get3A_78 = vector.load %arg10[%get3A_76, %get3A_77] : memref<1x512xf32, #tpu.memory_space<vmem>>, vector<1x512xf32>
    %add3A_79 = vector.broadcast %get3A_78 : vector<1x512xf32> to vector<1000x512xf32>
    %add3A_80 = arith.addf %dot_general3A_75, %add3A_79 : vector<1000x512xf32>
    %max3A_81 = arith.constant 0.000000e+00 : f32
    %max3A_82 = vector.broadcast %max3A_81 : f32 to vector<1000x512xf32>
    %max3A_83 = arith.maximumf %add3A_80, %max3A_82 : vector<1000x512xf32>
    %get3A_84 = arith.constant 0 : index
    %get3A_85 = arith.constant 0 : index
    %get3A_86 = vector.load %arg11[%get3A_84, %get3A_85] : memref<256x512xf32, #tpu.memory_space<vmem>>, vector<256x512xf32>
    %dot_general3A_87 = arith.constant dense<0.000000e+00> : vector<1000x256xf32>
    %dot_general3A_88 = tpu.matmul %max3A_83, %get3A_86, %dot_general3A_87 {dimension_numbers = #tpu.dot_dimension_numbers<[1], [1], [0], [0], [0, 0, 1, 0], [], []>, transpose_lhs_hint = false} : vector<1000x512xf32>, vector<256x512xf32>, vector<1000x256xf32> -> vector<1000x256xf32>
    %get3A_89 = arith.constant 0 : index
    %get3A_90 = arith.constant 0 : index
    %get3A_91 = vector.load %arg12[%get3A_89, %get3A_90] : memref<1x256xf32, #tpu.memory_space<vmem>>, vector<1x256xf32>
    %add3A_92 = vector.broadcast %get3A_91 : vector<1x256xf32> to vector<1000x256xf32>
    %add3A_93 = arith.addf %dot_general3A_88, %add3A_92 : vector<1000x256xf32>
    %max3A_94 = arith.constant 0.000000e+00 : f32
    %max3A_95 = vector.broadcast %max3A_94 : f32 to vector<1000x256xf32>
    %max3A_96 = arith.maximumf %add3A_93, %max3A_95 : vector<1000x256xf32>
    %slice3A_97 = vector.extract_strided_slice %max3A_96 {offsets = [0, 0], sizes = [1000, 128], strides = [1, 1]} : vector<1000x256xf32> to vector<1000x128xf32>
    %swap3A = arith.constant 0 : index
    %swap3A_98 = arith.constant 0 : index
    %swap3A_99 = arith.constant 0 : index
    %swap3A_100 = vector.load %arg13[%swap3A, %swap3A_98, %swap3A_99] : memref<2x1000x128xf32, #tpu.memory_space<vmem>>, vector<1x1000x128xf32>
    %swap3A_101 = vector.shape_cast %swap3A_100 : vector<1x1000x128xf32> to vector<1000x128xf32>
    %swap3A_102 = vector.shape_cast %slice3A_97 : vector<1000x128xf32> to vector<1x1000x128xf32>
    tpu.vector_store %arg13[%swap3A, %swap3A_98, %swap3A_99], %swap3A_102 {strides = array<i32>} : memref<2x1000x128xf32, #tpu.memory_space<vmem>>, vector<1x1000x128xf32>,
    %slice3A_103 = vector.extract_strided_slice %max3A_96 {offsets = [0, 128], sizes = [1000, 128], strides = [1, 1]} : vector<1000x256xf32> to vector<1000x128xf32>
    %swap3A_104 = arith.constant 1 : index
    %swap3A_105 = arith.constant 0 : index
    %swap3A_106 = arith.constant 0 : index
    %swap3A_107 = vector.load %arg13[%swap3A_104, %swap3A_105, %swap3A_106] : memref<2x1000x128xf32, #tpu.memory_space<vmem>>, vector<1x1000x128xf32>
    %swap3A_108 = vector.shape_cast %swap3A_107 : vector<1x1000x128xf32> to vector<1000x128xf32>
    %swap3A_109 = vector.shape_cast %slice3A_103 : vector<1000x128xf32> to vector<1x1000x128xf32>
    tpu.vector_store %arg13[%swap3A_104, %swap3A_105, %swap3A_106], %swap3A_109 {strides = array<i32>} : memref<2x1000x128xf32, #tpu.memory_space<vmem>>, vector<1x1000x128xf32>,
    return
  }
  func.func @transform_0(%arg0: i32) -> (i32, i32) {
    %c0_i32 = arith.constant 0 : i32
    %c0_i32_0 = arith.constant 0 : i32
    return %arg0, %c0_i32 : i32, i32
  }
  func.func @transform_1(%arg0: i32) -> (i32, i32, i32) {
    %c0_i32 = arith.constant 0 : i32
    %c0_i32_0 = arith.constant 0 : i32
    %c0_i32_1 = arith.constant 0 : i32
    return %c0_i32, %arg0, %c0_i32_0 : i32, i32, i32
  }
  func.func @transform_2(%arg0: i32) -> (i32, i32, i32) {
    %c0_i32 = arith.constant 0 : i32
    %c0_i32_0 = arith.constant 0 : i32
    %c0_i32_1 = arith.constant 0 : i32
    return %c0_i32, %arg0, %c0_i32_0 : i32, i32, i32
  }
  func.func @transform_3(%arg0: i32) -> (i32, i32) {
    %c0_i32 = arith.constant 0 : i32
    %c0_i32_0 = arith.constant 0 : i32
    %c0_i32_1 = arith.constant 0 : i32
    return %c0_i32, %c0_i32_0 : i32, i32
  }
  func.func @transform_4(%arg0: i32) -> (i32, i32) {
    %c0_i32 = arith.constant 0 : i32
    %c0_i32_0 = arith.constant 0 : i32
    %c0_i32_1 = arith.constant 0 : i32
    return %c0_i32, %c0_i32_0 : i32, i32
  }
  func.func @transform_5(%arg0: i32) -> (i32, i32) {
    %c0_i32 = arith.constant 0 : i32
    %c0_i32_0 = arith.constant 0 : i32
    %c0_i32_1 = arith.constant 0 : i32
    return %c0_i32, %c0_i32_0 : i32, i32
  }
  func.func @transform_6(%arg0: i32) -> (i32, i32) {
    %c0_i32 = arith.constant 0 : i32
    %c0_i32_0 = arith.constant 0 : i32
    %c0_i32_1 = arith.constant 0 : i32
    return %c0_i32, %c0_i32_0 : i32, i32
  }
  func.func @transform_7(%arg0: i32) -> (i32, i32) {
    %c0_i32 = arith.constant 0 : i32
    %c0_i32_0 = arith.constant 0 : i32
    %c0_i32_1 = arith.constant 0 : i32
    return %c0_i32, %c0_i32_0 : i32, i32
  }
  func.func @transform_8(%arg0: i32) -> (i32, i32) {
    %c0_i32 = arith.constant 0 : i32
    %c0_i32_0 = arith.constant 0 : i32
    %c0_i32_1 = arith.constant 0 : i32
    return %c0_i32, %c0_i32_0 : i32, i32
  }
  func.func @transform_9(%arg0: i32) -> (i32, i32) {
    %c0_i32 = arith.constant 0 : i32
    %c0_i32_0 = arith.constant 0 : i32
    %c0_i32_1 = arith.constant 0 : i32
    return %c0_i32, %c0_i32_0 : i32, i32
  }
  func.func @transform_10(%arg0: i32) -> (i32, i32) {
    %c0_i32 = arith.constant 0 : i32
    %c0_i32_0 = arith.constant 0 : i32
    %c0_i32_1 = arith.constant 0 : i32
    return %c0_i32, %c0_i32_0 : i32, i32
  }
  func.func @transform_11(%arg0: i32) -> (i32, i32) {
    %c0_i32 = arith.constant 0 : i32
    %c0_i32_0 = arith.constant 0 : i32
    %c0_i32_1 = arith.constant 0 : i32
    return %c0_i32, %c0_i32_0 : i32, i32
  }
  func.func @transform_12(%arg0: i32) -> (i32, i32, i32) {
    %c0_i32 = arith.constant 0 : i32
    %c0_i32_0 = arith.constant 0 : i32
    %c0_i32_1 = arith.constant 0 : i32
    return %c0_i32, %arg0, %c0_i32_0 : i32, i32, i32
  }
}

module attributes {stable_mosaic.version = 14 : i64} {
  func.func @_tc2_body(%arg0: i32, %arg1: memref<2x1000x128xf32, #tpu.memory_space<vmem>>, %arg2: memref<2x1000x128xf32, #tpu.memory_space<vmem>>, %arg3: memref<2x1000x128xf32, #tpu.memory_space<vmem>>, %arg4: memref<128x256xf32, #tpu.memory_space<vmem>>, %arg5: memref<1x128xf32, #tpu.memory_space<vmem>>, %arg6: memref<128x256xf32, #tpu.memory_space<vmem>>, %arg7: memref<1x128xf32, #tpu.memory_space<vmem>>, %arg8: memref<1x128xf32, #tpu.memory_space<vmem>>, %arg9: memref<256x128xf32, #tpu.memory_space<vmem>>, %arg10: memref<1x256xf32, #tpu.memory_space<vmem>>, %arg11: memref<128x256xf32, #tpu.memory_space<vmem>>, %arg12: memref<1x128xf32, #tpu.memory_space<vmem>>, %arg13: memref<1000x128xf32, #tpu.memory_space<vmem>>) attributes {dimension_semantics = [#tpu.dimension_semantics<arbitrary>], iteration_bounds = array<i64: 10>, scalar_prefetch = 0 : i64, scratch_operands = 0 : i64, tpu.core_type = #tpu.core_type<tc>, window_params = [{transform_indices = @transform_0, window_bounds = array<i64: 2, 1000, 128>}, {transform_indices = @transform_1, window_bounds = array<i64: 2, 1000, 128>}, {transform_indices = @transform_2, window_bounds = array<i64: 2, 1000, 128>}, {pipeline_mode = #tpu.pipeline_mode<synchronous>, transform_indices = @transform_3, window_bounds = array<i64: 128, 256>}, {pipeline_mode = #tpu.pipeline_mode<synchronous>, transform_indices = @transform_4, window_bounds = array<i64: 1, 128>}, {pipeline_mode = #tpu.pipeline_mode<synchronous>, transform_indices = @transform_5, window_bounds = array<i64: 128, 256>}, {pipeline_mode = #tpu.pipeline_mode<synchronous>, transform_indices = @transform_6, window_bounds = array<i64: 1, 128>}, {pipeline_mode = #tpu.pipeline_mode<synchronous>, transform_indices = @transform_7, window_bounds = array<i64: 1, 128>}, {pipeline_mode = #tpu.pipeline_mode<synchronous>, transform_indices = @transform_8, window_bounds = array<i64: 256, 128>}, {pipeline_mode = #tpu.pipeline_mode<synchronous>, transform_indices = @transform_9, window_bounds = array<i64: 1, 256>}, {pipeline_mode = #tpu.pipeline_mode<synchronous>, transform_indices = @transform_10, window_bounds = array<i64: 128, 256>}, {pipeline_mode = #tpu.pipeline_mode<synchronous>, transform_indices = @transform_11, window_bounds = array<i64: 1, 128>}, {transform_indices = @transform_12, window_bounds = array<i64: 1000, 128>}]} {
    %get3A = arith.constant 0 : index
    %get3A_0 = arith.constant 0 : index
    %get3A_1 = arith.constant 0 : index
    %get3A_2 = vector.load %arg3[%get3A, %get3A_0, %get3A_1] : memref<2x1000x128xf32, #tpu.memory_space<vmem>>, vector<1x1000x128xf32>
    %get3A_3 = vector.shape_cast %get3A_2 : vector<1x1000x128xf32> to vector<1000x128xf32>
    %slice3A = vector.extract_strided_slice %get3A_3 {offsets = [0, 0], sizes = [1000, 1], strides = [1, 1]} : vector<1000x128xf32> to vector<1000x1xf32>
    %get3A_4 = arith.constant 1 : index
    %get3A_5 = arith.constant 0 : index
    %get3A_6 = arith.constant 0 : index
    %get3A_7 = vector.load %arg3[%get3A_4, %get3A_5, %get3A_6] : memref<2x1000x128xf32, #tpu.memory_space<vmem>>, vector<1x1000x128xf32>
    %get3A_8 = vector.shape_cast %get3A_7 : vector<1x1000x128xf32> to vector<1000x128xf32>
    %slice3A_9 = vector.extract_strided_slice %get3A_8 {offsets = [0, 0], sizes = [1000, 1], strides = [1, 1]} : vector<1000x128xf32> to vector<1000x1xf32>
    %add3A = arith.addf %slice3A, %slice3A_9 : vector<1000x1xf32>
    %jit3A = arith.constant 1.000000e+00 : f32
    %max3A = vector.broadcast %jit3A : f32 to vector<1000x1xf32>
    %max3A_10 = arith.maximumf %max3A, %add3A : vector<1000x1xf32>
    %div3A = arith.constant 1.000000e+00 : f32
    %div3A_11 = vector.broadcast %div3A : f32 to vector<1000x1xf32>
    %div3A_12 = arith.divf %div3A_11, %max3A_10 : vector<1000x1xf32>
    %get3A_13 = arith.constant 0 : index
    %get3A_14 = arith.constant 0 : index
    %get3A_15 = arith.constant 0 : index
    %get3A_16 = vector.load %arg2[%get3A_13, %get3A_14, %get3A_15] : memref<2x1000x128xf32, #tpu.memory_space<vmem>>, vector<1x1000x128xf32>
    %get3A_17 = vector.shape_cast %get3A_16 : vector<1x1000x128xf32> to vector<1000x128xf32>
    %get3A_18 = arith.constant 1 : index
    %get3A_19 = arith.constant 0 : index
    %get3A_20 = arith.constant 0 : index
    %get3A_21 = vector.load %arg2[%get3A_18, %get3A_19, %get3A_20] : memref<2x1000x128xf32, #tpu.memory_space<vmem>>, vector<1x1000x128xf32>
    %get3A_22 = vector.shape_cast %get3A_21 : vector<1x1000x128xf32> to vector<1000x128xf32>
    %concatenate3A = tpu.concatenate %get3A_17, %get3A_22 in 1 : vector<1000x128xf32>, vector<1000x128xf32> -> vector<1000x256xf32>
    %mul3A = vector.broadcast %div3A_12 : vector<1000x1xf32> to vector<1000x256xf32>
    %mul3A_23 = arith.mulf %concatenate3A, %mul3A : vector<1000x256xf32>
    %get3A_24 = arith.constant 0 : index
    %get3A_25 = arith.constant 0 : index
    %get3A_26 = arith.constant 0 : index
    %get3A_27 = vector.load %arg1[%get3A_24, %get3A_25, %get3A_26] : memref<2x1000x128xf32, #tpu.memory_space<vmem>>, vector<1x1000x128xf32>
    %get3A_28 = vector.shape_cast %get3A_27 : vector<1x1000x128xf32> to vector<1000x128xf32>
    %get3A_29 = arith.constant 1 : index
    %get3A_30 = arith.constant 0 : index
    %get3A_31 = arith.constant 0 : index
    %get3A_32 = vector.load %arg1[%get3A_29, %get3A_30, %get3A_31] : memref<2x1000x128xf32, #tpu.memory_space<vmem>>, vector<1x1000x128xf32>
    %get3A_33 = vector.shape_cast %get3A_32 : vector<1x1000x128xf32> to vector<1000x128xf32>
    %concatenate3A_34 = tpu.concatenate %get3A_28, %get3A_33 in 1 : vector<1000x128xf32>, vector<1000x128xf32> -> vector<1000x256xf32>
    %get3A_35 = arith.constant 0 : index
    %get3A_36 = arith.constant 0 : index
    %get3A_37 = vector.load %arg4[%get3A_35, %get3A_36] : memref<128x256xf32, #tpu.memory_space<vmem>>, vector<128x256xf32>
    %dot_general3A = arith.constant dense<0.000000e+00> : vector<1000x128xf32>
    %dot_general3A_38 = tpu.matmul %mul3A_23, %get3A_37, %dot_general3A {dimension_numbers = #tpu.dot_dimension_numbers<[1], [1], [0], [0], [0, 0, 1, 0], [], []>, transpose_lhs_hint = false} : vector<1000x256xf32>, vector<128x256xf32>, vector<1000x128xf32> -> vector<1000x128xf32>
    %get3A_39 = arith.constant 0 : index
    %get3A_40 = arith.constant 0 : index
    %get3A_41 = vector.load %arg5[%get3A_39, %get3A_40] : memref<1x128xf32, #tpu.memory_space<vmem>>, vector<1x128xf32>
    %add3A_42 = vector.broadcast %get3A_41 : vector<1x128xf32> to vector<1000x128xf32>
    %add3A_43 = arith.addf %dot_general3A_38, %add3A_42 : vector<1000x128xf32>
    %get3A_44 = arith.constant 0 : index
    %get3A_45 = arith.constant 0 : index
    %get3A_46 = vector.load %arg6[%get3A_44, %get3A_45] : memref<128x256xf32, #tpu.memory_space<vmem>>, vector<128x256xf32>
    %dot_general3A_47 = arith.constant dense<0.000000e+00> : vector<1000x128xf32>
    %dot_general3A_48 = tpu.matmul %concatenate3A_34, %get3A_46, %dot_general3A_47 {dimension_numbers = #tpu.dot_dimension_numbers<[1], [1], [0], [0], [0, 0, 1, 0], [], []>, transpose_lhs_hint = false} : vector<1000x256xf32>, vector<128x256xf32>, vector<1000x128xf32> -> vector<1000x128xf32>
    %add3A_49 = arith.addf %add3A_43, %dot_general3A_48 : vector<1000x128xf32>
    %reduce_sum3A = arith.constant dense<0.000000e+00> : vector<1000xf32>
    %reduce_sum3A_50 = vector.multi_reduction <add>, %add3A_49, %reduce_sum3A [1] : vector<1000x128xf32> to vector<1000xf32>
    %broadcast_in_dim3A = vector.shape_cast %reduce_sum3A_50 : vector<1000xf32> to vector<1000x1xf32>
    %div3A_51 = arith.constant 1.280000e+02 : f32
    %div3A_52 = vector.broadcast %div3A_51 : f32 to vector<1000x1xf32>
    %div3A_53 = arith.divf %broadcast_in_dim3A, %div3A_52 : vector<1000x1xf32>
    %sub3A = vector.broadcast %div3A_53 : vector<1000x1xf32> to vector<1000x128xf32>
    %sub3A_54 = arith.subf %add3A_49, %sub3A : vector<1000x128xf32>
    %integer_pow3A = arith.mulf %sub3A_54, %sub3A_54 : vector<1000x128xf32>
    %reduce_sum3A_55 = arith.constant dense<0.000000e+00> : vector<1000xf32>
    %reduce_sum3A_56 = vector.multi_reduction <add>, %integer_pow3A, %reduce_sum3A_55 [1] : vector<1000x128xf32> to vector<1000xf32>
    %broadcast_in_dim3A_57 = vector.shape_cast %reduce_sum3A_56 : vector<1000xf32> to vector<1000x1xf32>
    %div3A_58 = arith.constant 1.280000e+02 : f32
    %div3A_59 = vector.broadcast %div3A_58 : f32 to vector<1000x1xf32>
    %div3A_60 = arith.divf %broadcast_in_dim3A_57, %div3A_59 : vector<1000x1xf32>
    %sub3A_61 = vector.broadcast %div3A_53 : vector<1000x1xf32> to vector<1000x128xf32>
    %sub3A_62 = arith.subf %add3A_49, %sub3A_61 : vector<1000x128xf32>
    %add3A_63 = arith.constant 9.99999974E-6 : f32
    %add3A_64 = vector.broadcast %add3A_63 : f32 to vector<1000x1xf32>
    %add3A_65 = arith.addf %div3A_60, %add3A_64 : vector<1000x1xf32>
    %rsqrt3A = math.rsqrt %add3A_65 : vector<1000x1xf32>
    %mul3A_66 = vector.broadcast %rsqrt3A : vector<1000x1xf32> to vector<1000x128xf32>
    %mul3A_67 = arith.mulf %sub3A_62, %mul3A_66 : vector<1000x128xf32>
    %get3A_68 = arith.constant 0 : index
    %get3A_69 = arith.constant 0 : index
    %get3A_70 = vector.load %arg7[%get3A_68, %get3A_69] : memref<1x128xf32, #tpu.memory_space<vmem>>, vector<1x128xf32>
    %mul3A_71 = vector.broadcast %get3A_70 : vector<1x128xf32> to vector<1000x128xf32>
    %mul3A_72 = arith.mulf %mul3A_67, %mul3A_71 : vector<1000x128xf32>
    %get3A_73 = arith.constant 0 : index
    %get3A_74 = arith.constant 0 : index
    %get3A_75 = vector.load %arg8[%get3A_73, %get3A_74] : memref<1x128xf32, #tpu.memory_space<vmem>>, vector<1x128xf32>
    %add3A_76 = vector.broadcast %get3A_75 : vector<1x128xf32> to vector<1000x128xf32>
    %add3A_77 = arith.addf %mul3A_72, %add3A_76 : vector<1000x128xf32>
    %max3A_78 = arith.constant 0.000000e+00 : f32
    %max3A_79 = vector.broadcast %max3A_78 : f32 to vector<1000x128xf32>
    %max3A_80 = arith.maximumf %add3A_77, %max3A_79 : vector<1000x128xf32>
    %get3A_81 = arith.constant 0 : index
    %get3A_82 = arith.constant 0 : index
    %get3A_83 = vector.load %arg9[%get3A_81, %get3A_82] : memref<256x128xf32, #tpu.memory_space<vmem>>, vector<256x128xf32>
    %dot_general3A_84 = arith.constant dense<0.000000e+00> : vector<1000x256xf32>
    %dot_general3A_85 = tpu.matmul %max3A_80, %get3A_83, %dot_general3A_84 {dimension_numbers = #tpu.dot_dimension_numbers<[1], [1], [0], [0], [0, 0, 1, 0], [], []>, transpose_lhs_hint = false} : vector<1000x128xf32>, vector<256x128xf32>, vector<1000x256xf32> -> vector<1000x256xf32>
    %get3A_86 = arith.constant 0 : index
    %get3A_87 = arith.constant 0 : index
    %get3A_88 = vector.load %arg10[%get3A_86, %get3A_87] : memref<1x256xf32, #tpu.memory_space<vmem>>, vector<1x256xf32>
    %add3A_89 = vector.broadcast %get3A_88 : vector<1x256xf32> to vector<1000x256xf32>
    %add3A_90 = arith.addf %dot_general3A_85, %add3A_89 : vector<1000x256xf32>
    %max3A_91 = arith.constant 0.000000e+00 : f32
    %max3A_92 = vector.broadcast %max3A_91 : f32 to vector<1000x256xf32>
    %max3A_93 = arith.maximumf %add3A_90, %max3A_92 : vector<1000x256xf32>
    %get3A_94 = arith.constant 0 : index
    %get3A_95 = arith.constant 0 : index
    %get3A_96 = vector.load %arg11[%get3A_94, %get3A_95] : memref<128x256xf32, #tpu.memory_space<vmem>>, vector<128x256xf32>
    %dot_general3A_97 = arith.constant dense<0.000000e+00> : vector<1000x128xf32>
    %dot_general3A_98 = tpu.matmul %max3A_93, %get3A_96, %dot_general3A_97 {dimension_numbers = #tpu.dot_dimension_numbers<[1], [1], [0], [0], [0, 0, 1, 0], [], []>, transpose_lhs_hint = false} : vector<1000x256xf32>, vector<128x256xf32>, vector<1000x128xf32> -> vector<1000x128xf32>
    %get3A_99 = arith.constant 0 : index
    %get3A_100 = arith.constant 0 : index
    %get3A_101 = vector.load %arg12[%get3A_99, %get3A_100] : memref<1x128xf32, #tpu.memory_space<vmem>>, vector<1x128xf32>
    %add3A_102 = vector.broadcast %get3A_101 : vector<1x128xf32> to vector<1000x128xf32>
    %add3A_103 = arith.addf %dot_general3A_98, %add3A_102 : vector<1000x128xf32>
    %swap3A = arith.constant 0 : index
    %swap3A_104 = arith.constant 0 : index
    %swap3A_105 = vector.load %arg13[%swap3A, %swap3A_104] : memref<1000x128xf32, #tpu.memory_space<vmem>>, vector<1000x128xf32>
    tpu.vector_store %arg13[%swap3A, %swap3A_104], %add3A_103 {strides = array<i32>} : memref<1000x128xf32, #tpu.memory_space<vmem>>, vector<1000x128xf32>,
    return
  }
  func.func @transform_0(%arg0: i32) -> (i32, i32, i32) {
    %c0_i32 = arith.constant 0 : i32
    %c0_i32_0 = arith.constant 0 : i32
    %c0_i32_1 = arith.constant 0 : i32
    return %c0_i32, %arg0, %c0_i32_0 : i32, i32, i32
  }
  func.func @transform_1(%arg0: i32) -> (i32, i32, i32) {
    %c0_i32 = arith.constant 0 : i32
    %c0_i32_0 = arith.constant 0 : i32
    %c0_i32_1 = arith.constant 0 : i32
    return %c0_i32, %arg0, %c0_i32_0 : i32, i32, i32
  }
  func.func @transform_2(%arg0: i32) -> (i32, i32, i32) {
    %c0_i32 = arith.constant 0 : i32
    %c0_i32_0 = arith.constant 0 : i32
    %c0_i32_1 = arith.constant 0 : i32
    return %c0_i32, %arg0, %c0_i32_0 : i32, i32, i32
  }
  func.func @transform_3(%arg0: i32) -> (i32, i32) {
    %c0_i32 = arith.constant 0 : i32
    %c0_i32_0 = arith.constant 0 : i32
    %c0_i32_1 = arith.constant 0 : i32
    return %c0_i32, %c0_i32_0 : i32, i32
  }
  func.func @transform_4(%arg0: i32) -> (i32, i32) {
    %c0_i32 = arith.constant 0 : i32
    %c0_i32_0 = arith.constant 0 : i32
    %c0_i32_1 = arith.constant 0 : i32
    return %c0_i32, %c0_i32_0 : i32, i32
  }
  func.func @transform_5(%arg0: i32) -> (i32, i32) {
    %c0_i32 = arith.constant 0 : i32
    %c0_i32_0 = arith.constant 0 : i32
    %c0_i32_1 = arith.constant 0 : i32
    return %c0_i32, %c0_i32_0 : i32, i32
  }
  func.func @transform_6(%arg0: i32) -> (i32, i32) {
    %c0_i32 = arith.constant 0 : i32
    %c0_i32_0 = arith.constant 0 : i32
    %c0_i32_1 = arith.constant 0 : i32
    return %c0_i32, %c0_i32_0 : i32, i32
  }
  func.func @transform_7(%arg0: i32) -> (i32, i32) {
    %c0_i32 = arith.constant 0 : i32
    %c0_i32_0 = arith.constant 0 : i32
    %c0_i32_1 = arith.constant 0 : i32
    return %c0_i32, %c0_i32_0 : i32, i32
  }
  func.func @transform_8(%arg0: i32) -> (i32, i32) {
    %c0_i32 = arith.constant 0 : i32
    %c0_i32_0 = arith.constant 0 : i32
    %c0_i32_1 = arith.constant 0 : i32
    return %c0_i32, %c0_i32_0 : i32, i32
  }
  func.func @transform_9(%arg0: i32) -> (i32, i32) {
    %c0_i32 = arith.constant 0 : i32
    %c0_i32_0 = arith.constant 0 : i32
    %c0_i32_1 = arith.constant 0 : i32
    return %c0_i32, %c0_i32_0 : i32, i32
  }
  func.func @transform_10(%arg0: i32) -> (i32, i32) {
    %c0_i32 = arith.constant 0 : i32
    %c0_i32_0 = arith.constant 0 : i32
    %c0_i32_1 = arith.constant 0 : i32
    return %c0_i32, %c0_i32_0 : i32, i32
  }
  func.func @transform_11(%arg0: i32) -> (i32, i32) {
    %c0_i32 = arith.constant 0 : i32
    %c0_i32_0 = arith.constant 0 : i32
    %c0_i32_1 = arith.constant 0 : i32
    return %c0_i32, %c0_i32_0 : i32, i32
  }
  func.func @transform_12(%arg0: i32) -> (i32, i32) {
    %c0_i32 = arith.constant 0 : i32
    %c0_i32_0 = arith.constant 0 : i32
    return %arg0, %c0_i32 : i32, i32
  }
}

</mosaic_0001>

<sc_bundles>
// kernel: kernel.6.cloned.1.call-start
scs
__scs_entry_jumppad:
0x0: {  	(pc) =	sbr.rel $0x88, $3  }
0x1: {  	(tag) =	ssettag $0x0;
	lr =	simm.s32 $0x1  }
0x2: {  	[smem:$0x3F8D] =	sst lr;
	_ =	strace $0xD0000000  }
0x3: {  	_ = 	snop  }
0x4: {  	_ = 	snop  }
0x5: {  	_ = 	snop  }
0x6: {  	_ = 	snop  }
0x7: {  	_ = 	snop  }
__scs_overlays_trampoline_lowered:
0x8: {  	[smem:$0x3F9C] =	sst s0  }
0x9: {  	[smem:$0x3F9D] =	sst s1  }
0xa: {  	[smem:$0x3F9E] =	sst s2  }
0xb: {  	[smem:$0x3F9F] =	sst s3  }
0xc: {  	[smem:$0x3FA0] =	sst s4  }
0xd: {  	[smem:$0x3FA1] =	sst s5  }
0xe: {  	[smem:$0x3FA2] =	sst s6  }
0xf: {  	[smem:$0x3FA3] =	sst s7  }
0x10: {  	[smem:$0x3FA4] =	sst s8  }
0x11: {  	[smem:$0x3FA5] =	sst s9;
	s0 =	simm.s32 @!p0 $0x0  }
0x12: {  	s1 =	sld [smem:$0x3F8B];
	s0 =	simm.s32 @p0 $0x1  }
0x13: {  	[smem:$0x3FA6] =	sst s0;
	s0 =	simm.s32 @!p1 $0x0  }
0x14: {  	s2 =	sld [smem:$0x3F8A];
	s0 =	simm.s32 @p1 $0x1  }
0x15: {  	[smem:$0x3FA7] =	sst s0;
	s0 =	simm.s32 @!p2 $0x0  }
0x16: {  	s3 =	sld [smem:$0x3FDB];
	s0 =	simm.s32 @p2 $0x1  }
0x17: {  	s4 =	simm.s32 $0x1BF5;
	[smem:$0x3FA9] =	sst s0  }
0x18: {  	s0 =	sld [smem:$0x3F8C];
	_ =	swait.ge [sflag:s4], $0x0  }
0x19: {  	s7 =	sld [smem:$0x3F8D]  }
0x1a: {  	s8 =	sadd.s32 $0xFFFFE003, lr  }
0x1b: {  	s9 =	sadd.s32 $0xFFFFFEF7, lr;
	s5 =	simm.s32 $0xFFFFFFFF;
	p2 =	slt.u32 s8, $0xFFFFF086  }
0x1c: {  	p1 =	slt.u32 s9, $0xF7A;
	s5 =	simm.s32 @!p2 $0x0  }
0x1d: {  	s5 =	simm.s32 @p1 $0x1;
	p0 =	seq.s32 s7, s2  }
0x1e: {  	s7 =	smul.u32 @!p0 $0xF7A, s2;
	p2 =	seq.s32 @!p0 s5, $0x0  }
0x1f: {  	s9 =	smul.u32 $0xF7A, s1;
	s8 =	simm.s32 @!p0 $0x1BF5;
	p2 =	por !p2, p0  }
0x20: {  	[sflag:s8] =	ssyncset.s32 @!p0 $0xFFFFF086;
	s6 =	sadd.s32 @!p0 s3, s7;
	s7 =	simm.s32 @!p0 $0x108  }
0x21: {  	s3 =	sadd.s32 s3, s9;
	s6 =	sadd.s32 @!p0 $0x88, s6;
	s7 =	simm.s32 @p2 $0x1082  }
0x22: {  	[simem:s7], [sflag:s8] =	dma.local @!p0 [hbm:s6], $0xF7A  }
0x23: {  	s9 =	sor.u32 $0xD0000000, s2;
	s6 =	simm.s32 $0x108;
	_ =	swait.ge @!p0 [sflag:s8], $0x0  }
0x24: {  	s3 =	sadd.s32 $0x88, s3;
	s6 =	simm.s32 @!p1 $0x1082;
	[sflag:s4] =	ssyncset.s32 $0xFFFFF086  }
0x25: {  	[simem:s6], [sflag:s4] =	dma.local [hbm:s3], $0xF7A  }
0x26: {  	[smem:$0x3F8D] =	sst s1;
	(tag) =	ssettag s2;
	_ =	strace s9  }
0x27: {  	s1 =	sld [smem:$0x3F9D]  }
0x28: {  	s2 =	sld [smem:$0x3F9E]  }
0x29: {  	s4 =	sld [smem:$0x3FA0]  }
0x2a: {  	p0 =	seq.s32 s5, $0x0;
	s5 =	sld [smem:$0x3FA1]  }
0x2b: {  	s6 =	sld [smem:$0x3FA2]  }
0x2c: {  	s7 =	sld [smem:$0x3FA3]  }
0x2d: {  	s3 =	simm.s32 $0x108;
	s8 =	sld [smem:$0x3FA4]  }
0x2e: {  	s3 =	simm.s32 @!p0 $0x1082;
	s9 =	sld [smem:$0x3FA5]  }
0x2f: {  	lr =	sadd.s32 s0, s3;
	s0 =	sld [smem:$0x3F9C]  }
0x30: {  	s3 =	sld [smem:$0x3F9F]  }
0x31: {  	[smem:$0x3FA8] =	sst s10  }
0x32: {  	s10 =	sld [smem:$0x3FA6];
	_ =	sdelay $0x3  }
0x33: {  	p0 =	seq.s32 s10, $0x1;
	s10 =	sld [smem:$0x3FA8];
	_ =	sdelay $0x3  }
0x34: {  	[smem:$0x3FA8] =	sst s10  }
0x35: {  	s10 =	sld [smem:$0x3FA7];
	_ =	sdelay $0x3  }
0x36: {  	p1 =	seq.s32 s10, $0x1;
	s10 =	sld [smem:$0x3FA8];
	_ =	sdelay $0x3  }
0x37: {  	[smem:$0x3FA8] =	sst s10  }
0x38: {  	s10 =	sld [smem:$0x3FA9]  }
0x39: {  	_ = 	snop;
	(pc) =	sbr.ind lr, $3  }
0x3a: {  	_ = 	snop  }
0x3b: {  	_ = 	snop  }
0x3c: {  	p2 =	seq.s32 s10, $0x1;
	s10 =	sld [smem:$0x3FA8]  }
0x3d: {  	_ =	shalt  }
0x3e: {  	_ =	shalt  }
0x3f: {  	_ =	shalt  }
0x40: {  	_ =	shalt  }
0x41: {  	_ =	shalt  }
0x42: {  	_ =	shalt  }
0x43: {  	_ =	shalt  }
0x44: {  	_ =	shalt  }
0x45: {  	_ =	shalt  }
0x46: {  	_ =	shalt  }
0x47: {  	_ =	shalt  }
0x48: {  	_ =	shalt  }
0x49: {  	_ =	shalt  }
0x4a: {  	_ =	shalt  }
0x4b: {  	_ =	shalt  }
0x4c: {  	_ =	shalt  }
0x4d: {  	_ =	shalt  }
0x4e: {  	_ =	shalt  }
0x4f: {  	_ =	shalt  }
0x50: {  	_ =	shalt  }
0x51: {  	_ =	shalt  }
0x52: {  	_ =	shalt  }
0x53: {  	_ =	shalt  }
0x54: {  	_ =	shalt  }
0x55: {  	_ =	shalt  }
0x56: {  	_ =	shalt  }
0x57: {  	_ =	shalt  }
0x58: {  	_ =	shalt  }
0x59: {  	_ =	shalt  }
0x5a: {  	_ =	shalt  }
0x5b: {  	_ =	shalt  }
0x5c: {  	_ =	shalt  }
0x5d: {  	_ =	shalt  }
0x5e: {  	_ =	shalt  }
0x5f: {  	_ =	shalt  }
0x60: {  	_ =	shalt  }
0x61: {  	_ =	shalt  }
0x62: {  	_ =	shalt  }
0x63: {  	_ =	shalt  }
0x64: {  	_ =	shalt  }
0x65: {  	_ =	shalt  }
0x66: {  	_ =	shalt  }
0x67: {  	_ =	shalt  }
0x68: {  	_ =	shalt  }
0x69: {  	_ =	shalt  }
0x6a: {  	_ =	shalt  }
0x6b: {  	_ =	shalt  }
0x6c: {  	_ =	shalt  }
0x6d: {  	_ =	shalt  }
0x6e: {  	_ =	shalt  }
0x6f: {  	_ =	shalt  }
0x70: {  	_ =	shalt  }
0x71: {  	_ =	shalt  }
0x72: {  	_ =	shalt  }
0x73: {  	_ =	shalt  }
0x74: {  	_ =	shalt  }
0x75: {  	_ =	shalt  }
0x76: {  	_ =	shalt  }
0x77: {  	_ =	shalt  }
0x78: {  	_ =	shalt  }
0x79: {  	_ =	shalt  }
0x7a: {  	_ =	shalt  }
0x7b: {  	_ =	shalt  }
0x7c: {  	_ =	shalt  }
0x7d: {  	_ =	shalt  }
0x7e: {  	_ =	shalt  }
0x7f: {  	_ =	shalt  }
0x80: {  	_ =	shalt  }
0x81: {  	_ =	shalt  }
0x82: {  	_ =	shalt  }
0x83: {  	_ =	shalt  }
0x84: {  	_ =	shalt  }
0x85: {  	_ =	shalt  }
0x86: {  	_ =	shalt  }
0x87: {  	_ =	shalt  }
.Lfunc_end0:
.L_simem_size_0:
called_computation_lowered:
.L_overlay_start_0:
0x88: {  	s2 =	sld [smem:$0x3FD9]  }
0x89: {  	s3 =	sld [smem:$0x3FFE];
	_ =	sdelay $0x1  }
0x8a: {  	s1 =	srdreg.scid  }
0x8b: {  	s0 =	sand.u32 $0x1, s1  }
0x8c: {  	s17 =	sshll.u32 s0, $0xA;
	s2 =	sadd.s32 s3, s2  }
0x8d: {  	s2 =	sadd.s32 s2, s17  }
0x8e: {  	[smem:$0x3FB4] =	sst s2  }
0x8f: {  	_ = 	snop  }
0x90: {  	s2 =	sld [smem:$0x3FC9]  }
0x91: {  	s18 =	sld [smem:$0x3FD0];
	(tm) =	ssettm $0x1  }
0x92: {  	s4 =	sld [smem:$0x3FFB];
	_ =	sdelay $0x3  }
0x93: {  	_ =	strace s4  }
0x94: {  	s4 =	sld [smem:$0x3FFC];
	_ =	sdelay $0x3  }
0x95: {  	_ =	strace s4  }
0x96: {  	s4 =	sld [smem:$0x3FFD];
	_ =	sdelay $0x3  }
0x97: {  	_ =	strace s4  }
0x98: {  	_ =	strace $0x8FFFFFFF  }
0x99: {  	s19 =	sld [smem:$0x3FDB];
	_ =	sdelay $0x1  }
0x9a: {  	s5 =	simm.s32 $_scs_section_size  }
0x9b: {  	s6 =	simm.s32 $_size__tile_overlayer_lowered;
	s7 =	simm.s32 $_tile_overlayer_lowered  }
0x9c: {  	s22 =	simm.s32 $0x1BFF;
	s21 =	sshll.u32 s7, $0x1;
	s4 =	sadd.s32 s5, s19  }
0x9d: {  	s8 =	simm.s32 $0x0;
	s20 =	sshll.u32 s6, $0x1;
	s6 =	sadd.s32 s21, s4  }
0x9e: {  	[timem:s8], [sflag:s22] =	dma.local [hbm:s6], s20  }
0x9f: {  	_ =	swait.ge [sflag:s22], s20  }
0xa0: {  	s5 =	ssub.s32 $0x0, s20;
	[sflag:s22] =	ssyncset.done $0x0  }
0xa1: {  	[sflag:s22] =	ssyncadd.s32 s5;
	_ =	sdelay $0x1  }
0xa2: {  	s23 =	simm.s32 $0x1B8B  }
0xa3: {  	_ =	swait.ge [sflag:s23], $0x1  }
0xa4: {  	[sflag:s23] =	ssyncset.done $0x0  }
0xa5: {  	s25 =	simm.s32 $0x1B8E;
	s24 =	sld [smem:$0x3FFE];
	[sflag:s23] =	ssyncadd.s32 $0xFFFFFFFF  }
0xa6: {  	s26 =	simm.s32 $execute0_lowered;
	[smem:$0x3FD2] =	sst s25  }
0xa7: {  	s6 =	sshll.u32 s26, $0x1;
	_ =	strace $0x80000046;
	[dreg:$0x1] =	wrdreg $0xFFFFFFFF  }
0xa8: {  	s28 =	simm.s32 $_size_execute0_lowered;
	s4 =	sadd.s32 s4, s6;
	[dreg:$0x0] =	wrdreg $0x0  }
0xa9: {  	s6 =	sshll.u32 s28, $0x1;
	[dreg:$0x2] =	wrdreg s4  }
0xaa: {  	[dreg:$0x3] =	wrdreg s6  }
0xab: {  	[dreg:$0x4] =	wrdreg $0xC0  }
0xac: {  	_ =	task [dreg:s8], $0x5FFFF  }
0xad: {  	[dreg:$0x1] =	wrdreg $0xFFFFFFFF  }
0xae: {  	[dreg:$0x0] =	wrdreg $0x60  }
0xaf: {  	[dreg:$0x2] =	wrdreg s2  }
0xb0: {  	[dreg:$0x3] =	wrdreg s24  }
0xb1: {  	[dreg:$0x4] =	wrdreg s18  }
0xb2: {  	[dreg:$0x5] =	wrdreg $0x0  }
0xb3: {  	[dreg:$0x6] =	wrdreg $0x9  }
0xb4: {  	_ =	task.clear_ibuf [dreg:s8], $0x7FFFF;
	_ =	strace $0x90000046  }
0xb5: {  	s29 =	simm.s32 $0x9;
	_ =	strace $0x80000048  }
0xb6: {  	_ =	swait.ge [sflag:s29], $0x1  }
0xb7: {  	[sflag:s29] =	ssyncadd.s32 $0xFFFFFFFF  }
0xb8: {  	_ =	strace $0x90000048  }
0xb9: {  	_ =	sfence  }
0xba: {  	s30 =	sld [smem:$0x0];
	_ =	sdelay $0x2  }
0xbb: {  	s31 =	sshll.u32 s1, $0xD;
	s1 =	sshrl.u32 s1, $0x2  }
0xbc: {  	s3 =	sand.u32 $0x4000, s31;
	s1 =	sadd.s32 s1, s30  }
0xbd: {  	s0 =	sor.u32 s3, s0;
	s1 =	sshll.u32 s1, $0x11  }
0xbe: {  	s0 =	sor.u32 s1, s0  }
0xbf: {  	s0 =	sadd.s32 $0x8F2B, s0  }
0xc0: {  	[sflag:s0] =	ssyncadd.remote.s32 $0x1  }
0xc1: {  	_ =	sfence.sel $0xFFFF  }
0xc2: {  	[dreg:$0x0] =	wrdreg $0xFFFFFFFF;
	(pc) =	sbr.abs _section_cstart, $3  }
0xc3: {  	[dreg:$0x1] =	wrdreg $0xFFFFFFFF  }
0xc4: {  	_ =	task.clear_ibuf [dreg:s8], $0x2FFFF;
	_ =	strace $0x9FFFFFFF  }
0xc5: {  	(tm) =	ssettm $0x7FFFFFFF  }
tec
execute0_lowered:
.L_overlay_start_1:
0x0: {  	(tag) =	ssettag $0x1  }
0x1: {  	s1 =	rddreg [dreg:$0x0]  }
0x2: {  	s0 =	rddreg [dreg:$0x1]  }
0x3: {  	s4 =	rddreg [dreg:$0x2]  }
0x4: {  	s2 =	rddreg [dreg:$0x3];
	s3 =	simm.s32 $0x0  }
0x5: {  	s7 =	srdreg.scid;
	s20 =	stileid.u32;
	s28 =	simm.s32 $0x13880  }
0x6: {  	s29 =	simm.s32 $0x13980;
	s30 =	simm.s32 $0x3;
	s31 =	simm.s32 $0x80  }
0x7: {  	[smem:$0x7FF] =	sst s3;
	s6 =	sadd.s32 $0x4000, s0;
	s5 =	sadd.s32 $0xE600, s0  }
0x8: {  	s8 =	sadd.s32 $0xDE00, s0;
	s9 =	sand.u32 $0x1, s7;
	s10 =	sadd.s32 $0x10E00, s0  }
0x9: {  	s18 =	smul.u32 $0x4E000, s20;
	s0 =	sadd.s32 $0x5F000, s0;
	s21 =	sshll.u32 s20, $0x6  }
0xa: {  	s13 =	sadd.s32 $0x138000, s2;
	s16 =	smul.u32 $0x13800, s20;
	s17 =	sshll.u32 s20, $0x4  }
0xb: {  	p1 =	sne.s32 s20, $0xF;
	_ =	strace $0x80000047;
	[dreg:$0x5] =	wrdreg s8  }
0xc: {  	s7 =	ssub.s32 $0x2, s9;
	s12 =	sshll.u32 s9, $0x4;
	s15 =	smul.u32 $0x138800, s9  }
0xd: {  	s8 =	sor.u32 $0x1C05, s21;
	s9 =	smul.u32 $0x4E0, s9;
	s11 =	sshrl.u32 s7, $0x1  }
0xe: {  	s12 =	sor.u32 s20, s12;
	s19 =	sshrl.u32 s18, $0x2;
	s18 =	smul.u32 $0x4E, s20  }
0xf: {  	[dreg:$0x6] =	wrdreg s13;
	s14 =	ssub.s32 s7, s11;
	s22 =	smul.u32 $0x4E0, s12  }
0x10: {  	s7 =	sadd.s32 s19, s2;
	s19 =	sor.u32 $0x9C00, s17;
	s16 =	sadd.s32 s16, s15  }
0x11: {  	s15 =	sshrl.u32 s15, $0x3;
	s16 =	sshrl.u32 s16, $0x3;
	s23 =	sadd.s32 s6, s22  }
0x12: {  	s15 =	sadd.s32 $0x27000, s15;
	s13 =	sadd.s32 s10, s16;
	[dreg:$0x7] =	wrdreg s23  }
0x13: {  	p0 =	sgt.u32 s12, $0x3;
	s10 =	sadd.s32 s10, s15;
	[dreg:$0xa] =	wrdreg s13  }
0x14: {  	s9 =	sadd.s32 s18, s9;
	s18 =	sadd.s32 s0, s16;
	[dreg:$0xb] =	wrdreg s10  }
0x15: {  	s24 =	sor.u32 $0x10, s22;
	s0 =	sadd.s32 s0, s15;
	[dreg:$0xc] =	wrdreg s18  }
0x16: {  	s21 =	sadd.s32 s4, s22;
	s22 =	sadd.s32 s6, s19;
	[dreg:$0xd] =	wrdreg s0  }
0x17: {  	s12 =	simm.s32 $0x1;
	s25 =	sadd.s32 s6, s24;
	[dreg:$0xe] =	wrdreg s22  }
0x18: {  	s15 =	simm.s32 $0x0;
	s26 =	sadd.s32 s4, s24;
	[dreg:$0x8] =	wrdreg s25  }
0x19: {  	s23 =	sshll.u32 s9, $0x4;
	s24 =	sadd.s32 s4, s19;
	[dreg:$0x9] =	wrdreg s26  }
0x1a: {  	s10 =	simm.s32 $0x17A80;
	[dreg:$0xf] =	wrdreg s24;
	s25 =	sadd.s32 s17, s4  }
0x1b: {  	s0 =	sadd.s32 $0x20, s23;
	s26 =	smax.u32 s14, $0x1;
	s14 =	simm.s32 $0x2  }
0x1c: {  	s9 =	sadd.s32 $0x9C00, s25;
	[dreg:$0x11] =	wrdreg s26;
	s22 =	sadd.s32 s0, s6  }
0x1d: {  	s23 =	sadd.s32 s0, s4;
	s26 =	simm.s32 $0x5;
	s0 =	simm.s32 $0x13A80  }
0x1e: {  	s4 =	simm.s32 $0x13900;
	s6 =	simm.s32 $0x13A00;
	[dreg:$0x10] =	wrdreg s9  }
0x1f: {  	s24 =	sadd.s32 $0x10, s22;
	s25 =	sadd.s32 $0x10, s23;
	s9 =	simm.s32 $0x4  }
.LBB2_1:
0x20: {  	s16 =	sshrl.u32 s7, $0x3  }
0x21: {  	[spmem:s16], [sflag:s8] =	dma.local [hbm:s5], $0x2700  }
0x22: {  	_ =	swait.ge [sflag:s26], $0x2700  }
0x23: {  	[sflag:s26] =	ssyncset.done $0x0;
	s11 =	rddreg [dreg:$0x6]  }
0x24: {  	s18 =	simm.s32 @!p1 $0x5;
	[sflag:s26] =	ssyncadd.s32 $0xFFFFD900;
	s17 =	sshrl.u32 @!p1 s11, $0x3  }
0x25: {  	[spmem:s17], [sflag:s8] =	dma.local @!p1 [hbm:s5], $0x100  }
0x26: {  	_ =	swait.ge @!p1 [sflag:s18], $0x100  }
0x27: {  	[sflag:s18] =	ssyncset.done @!p1 $0x0  }
0x28: {  	[sflag:s18] =	ssyncadd.s32 @!p1 $0xFFFFFF00  }
0x29: {  	[bflag:$0x0] =	sbarrier.arrive $0xFFFF  }
0x2a: {  	s20 =	rddreg [dreg:$0x7]  }
0x2b: {  	[tilespmem:s28], [sflag:$0x3] =	stream.linear.gather [hbm4b:s20+s3], $0x80, $0x38;
	[tilespmem:$0x1BA80] =	vst v63  }
0x2c: {  	_ = 	snop  }
0x2d: {  	[tilespmem:s29], [sflag:$0x3] =	stream.linear.gather [hbm4b:s21+s3], $0x80, $0x38;
	[tilespmem:$0x1BA80] =	vst v63  }
0x2e: {  	_ =	swait.ge [sflag:s30], $0x80  }
0x2f: {  	[sflag:s30] =	ssyncset.done $0x0  }
0x30: {  	[sflag:s30] =	ssyncadd.s32 $0xFFFFFF80  }
0x31: {  	_ =	swait.ge [sflag:s30], $0x80  }
0x32: {  	[sflag:s30] =	ssyncset.done $0x0  }
0x33: {  	[sflag:s30] =	ssyncadd.s32 $0xFFFFFF80  }
0x34: {  	[tilespmem:s0], [sflag:$0x1] =	stream.indirect.gather [hbm4b:s1+s31], $0x80, s28, s31, $0xb8;
	[tilespmem:$0x1BA80] =	vst v63  }
0x35: {  	s13 =	smov.u32 s21;
	s21 =	rddreg [dreg:$0x8]  }
0x36: {  	[tilespmem:s4], [sflag:$0x4] =	stream.linear.gather [hbm4b:s21+s3], $0x80, $0x38;
	[tilespmem:$0x1BA80] =	vst v63  }
0x37: {  	s18 =	rddreg [dreg:$0x9]  }
0x38: {  	[tilespmem:s6], [sflag:$0x4] =	stream.linear.gather [hbm4b:s18+s3], $0x80, $0x38;
	[tilespmem:$0x1BA80] =	vst v63  }
0x39: {  	_ =	swait.ge [sflag:s9], $0x80  }
0x3a: {  	[sflag:s9] =	ssyncset.done $0x0  }
0x3b: {  	[sflag:s9] =	ssyncadd.s32 $0xFFFFFF80  }
0x3c: {  	_ =	swait.ge [sflag:s9], $0x80  }
0x3d: {  	[sflag:s9] =	ssyncset.done $0x0  }
0x3e: {  	[sflag:s9] =	ssyncadd.s32 $0xFFFFFF80  }
0x3f: {  	[tilespmem:s10], [sflag:$0x2] =	stream.indirect.gather [hbm4b:s1+s31], $0x80, s4, s31, $0xb8;
	[tilespmem:$0x1BA80] =	vst v63  }
0x40: {  	_ =	swait.ge [sflag:s12], $0x4000  }
0x41: {  	[sflag:s12] =	ssyncset.done $0x0  }
0x42: {  	[sflag:s12] =	ssyncadd.s32 $0xFFFFC000  }
0x43: {  	[spmem:s2] =	stream.indirect.scatter.add.f32 [tilespmem:s0], [sflag:$0x5], $0x80, s29, s31, $0xb8;
	[tilespmem:$0x1BA80] =	vst v63  }
0x44: {  	_ =	swait.ge [sflag:s26], $0x4000  }
0x45: {  	[sflag:s26] =	ssyncset.done $0x0  }
0x46: {  	s19 =	sadd.s32 $0x0, s22;
	[sflag:s26] =	ssyncadd.s32 $0xFFFFC000  }
0x47: {  	[tilespmem:s28], [sflag:$0x3] =	stream.linear.gather [hbm4b:s19+s3], $0x80, $0x38;
	[tilespmem:$0x1BA80] =	vst v63  }
0x48: {  	s20 =	sadd.s32 $0x0, s23  }
0x49: {  	[tilespmem:s29], [sflag:$0x3] =	stream.linear.gather [hbm4b:s20+s3], $0x80, $0x38;
	[tilespmem:$0x1BA80] =	vst v63  }
0x4a: {  	_ =	swait.ge [sflag:s30], $0x80  }
0x4b: {  	[sflag:s30] =	ssyncset.done $0x0  }
0x4c: {  	[sflag:s30] =	ssyncadd.s32 $0xFFFFFF80  }
0x4d: {  	_ =	swait.ge [sflag:s30], $0x80  }
0x4e: {  	[sflag:s30] =	ssyncset.done $0x0  }
0x4f: {  	[sflag:s30] =	ssyncadd.s32 $0xFFFFFF80  }
0x50: {  	[tilespmem:s0], [sflag:$0x1] =	stream.indirect.gather [hbm4b:s1+s31], $0x80, s28, s31, $0xb8;
	[tilespmem:$0x1BA80] =	vst v63  }
0x51: {  	_ =	swait.ge [sflag:s14], $0x4000  }
0x52: {  	[sflag:s14] =	ssyncset.done $0x0  }
0x53: {  	[sflag:s14] =	ssyncadd.s32 $0xFFFFC000  }
0x54: {  	[spmem:s2] =	stream.indirect.scatter.add.f32 [tilespmem:s10], [sflag:$0x5], $0x80, s6, s31, $0xb8;
	[tilespmem:$0x1BA80] =	vst v63  }
0x55: {  	_ =	swait.ge [sflag:s26], $0x4000  }
0x56: {  	s21 =	sadd.s32 $0x0, s24;
	[sflag:s26] =	ssyncset.done $0x0  }
0x57: {  	s18 =	simm.s32 $0x20;
	s19 =	sadd.s32 $0x0, s25;
	[sflag:s26] =	ssyncadd.s32 $0xFFFFC000  }
0x58: {  	[tilespmem:s4], [sflag:$0x4] =	stream.linear.gather [hbm4b:s21+s3], $0x80, $0x38;
	[tilespmem:$0x1BA80] =	vst v63  }
.LBB2_2:
0x59: {  	[tilespmem:s6], [sflag:$0x4] =	stream.linear.gather [hbm4b:s19+s3], $0x80, $0x38;
	[tilespmem:$0x1BA80] =	vst v63  }
0x5a: {  	s19 =	smov.u32 s18  }
0x5b: {  	p2 =	sne.s32 s18, $0x4A0;
	s18 =	sadd.s32 $0x20, s18;
	_ =	swait.ge [sflag:s9], $0x80  }
0x5c: {  	[sflag:s9] =	ssyncset.done $0x0  }
0x5d: {  	[sflag:s9] =	ssyncadd.s32 $0xFFFFFF80  }
0x5e: {  	_ =	swait.ge [sflag:s9], $0x80  }
0x5f: {  	[sflag:s9] =	ssyncset.done $0x0  }
0x60: {  	[sflag:s9] =	ssyncadd.s32 $0xFFFFFF80  }
0x61: {  	[tilespmem:s10], [sflag:$0x2] =	stream.indirect.gather [hbm4b:s1+s31], $0x80, s4, s31, $0xb8;
	[tilespmem:$0x1BA80] =	vst v63  }
0x62: {  	_ =	swait.ge [sflag:s12], $0x4000  }
0x63: {  	[sflag:s12] =	ssyncset.done $0x0  }
0x64: {  	[sflag:s12] =	ssyncadd.s32 $0xFFFFC000  }
0x65: {  	[spmem:s2] =	stream.indirect.scatter.add.f32 [tilespmem:s0], [sflag:$0x5], $0x80, s29, s31, $0xb8;
	[tilespmem:$0x1BA80] =	vst v63  }
0x66: {  	_ =	swait.ge [sflag:s26], $0x4000  }
0x67: {  	[sflag:s26] =	ssyncset.done $0x0  }
0x68: {  	s20 =	sadd.s32 s19, s22;
	[sflag:s26] =	ssyncadd.s32 $0xFFFFC000  }
0x69: {  	[tilespmem:s28], [sflag:$0x3] =	stream.linear.gather [hbm4b:s20+s3], $0x80, $0x38;
	[tilespmem:$0x1BA80] =	vst v63  }
0x6a: {  	s20 =	sadd.s32 s19, s23  }
0x6b: {  	[tilespmem:s29], [sflag:$0x3] =	stream.linear.gather [hbm4b:s20+s3], $0x80, $0x38;
	[tilespmem:$0x1BA80] =	vst v63  }
0x6c: {  	_ =	swait.ge [sflag:s30], $0x80  }
0x6d: {  	[sflag:s30] =	ssyncset.done $0x0  }
0x6e: {  	[sflag:s30] =	ssyncadd.s32 $0xFFFFFF80  }
0x6f: {  	_ =	swait.ge [sflag:s30], $0x80  }
0x70: {  	[sflag:s30] =	ssyncset.done $0x0  }
0x71: {  	[sflag:s30] =	ssyncadd.s32 $0xFFFFFF80  }
0x72: {  	[tilespmem:s0], [sflag:$0x1] =	stream.indirect.gather [hbm4b:s1+s31], $0x80, s28, s31, $0xb8;
	[tilespmem:$0x1BA80] =	vst v63  }
0x73: {  	_ =	swait.ge [sflag:s14], $0x4000  }
0x74: {  	[sflag:s14] =	ssyncset.done $0x0  }
0x75: {  	[sflag:s14] =	ssyncadd.s32 $0xFFFFC000  }
0x76: {  	[spmem:s2] =	stream.indirect.scatter.add.f32 [tilespmem:s10], [sflag:$0x5], $0x80, s6, s31, $0xb8;
	[tilespmem:$0x1BA80] =	vst v63  }
.Ltmp0:
0x77: {  	_ =	swait.ge [sflag:s26], $0x4000;
	(pc) =	sbr.rel @p2 .LBB2_2-.Ltmp0, $4  }
0x78: {  	[sflag:s26] =	ssyncset.done $0x0  }
0x79: {  	s20 =	sadd.s32 s19, s24;
	[sflag:s26] =	ssyncadd.s32 $0xFFFFC000  }
0x7a: {  	[tilespmem:s4], [sflag:$0x4] =	stream.linear.gather [hbm4b:s20+s3], $0x80, $0x38;
	[tilespmem:$0x1BA80] =	vst v63  }
0x7b: {  	s19 =	sadd.s32 s19, s25  }
0x7c: {  	[tilespmem:s6], [sflag:$0x4] =	stream.linear.gather [hbm4b:s19+s3], $0x80, $0x38;
	[tilespmem:$0x1BA80] =	vst v63  }
0x7d: {  	_ =	swait.ge [sflag:s9], $0x80  }
0x7e: {  	[sflag:s9] =	ssyncset.done $0x0  }
0x7f: {  	[sflag:s9] =	ssyncadd.s32 $0xFFFFFF80  }
0x80: {  	_ =	swait.ge [sflag:s9], $0x80  }
0x81: {  	[sflag:s9] =	ssyncset.done $0x0  }
0x82: {  	[sflag:s9] =	ssyncadd.s32 $0xFFFFFF80  }
0x83: {  	[tilespmem:s10], [sflag:$0x2] =	stream.indirect.gather [hbm4b:s1+s31], $0x80, s4, s31, $0xb8;
	[tilespmem:$0x1BA80] =	vst v63  }
0x84: {  	_ =	swait.ge [sflag:s12], $0x4000  }
0x85: {  	[sflag:s12] =	ssyncset.done $0x0  }
0x86: {  	[sflag:s12] =	ssyncadd.s32 $0xFFFFC000  }
0x87: {  	[spmem:s2] =	stream.indirect.scatter.add.f32 [tilespmem:s0], [sflag:$0x5], $0x80, s29, s31, $0xb8;
	[tilespmem:$0x1BA80] =	vst v63  }
0x88: {  	_ =	swait.ge [sflag:s26], $0x4000  }
0x89: {  	[sflag:s26] =	ssyncset.done $0x0  }
0x8a: {  	[sflag:s26] =	ssyncadd.s32 $0xFFFFC000  }
0x8b: {  	_ =	swait.ge [sflag:s14], $0x4000  }
0x8c: {  	[sflag:s14] =	ssyncset.done $0x0  }
0x8d: {  	[sflag:s14] =	ssyncadd.s32 $0xFFFFC000  }
0x8e: {  	[spmem:s2] =	stream.indirect.scatter.add.f32 [tilespmem:s10], [sflag:$0x5], $0x80, s6, s31, $0xb8;
	[tilespmem:$0x1BA80] =	vst v63  }
0x8f: {  	_ =	swait.ge [sflag:s26], $0x4000  }
0x90: {  	s18 =	simm.s32 @!p0 $0x0;
	s19 =	simm.s32 @!p0 $0x13880;
	[sflag:s26] =	ssyncset.done $0x0  }
0x91: {  	s20 =	simm.s32 @!p0 $0x5;
	s11 =	rddreg [dreg:$0xe];
	[sflag:s26] =	ssyncadd.s32 $0xFFFFC000  }
0x92: {  	[tilespmem:s19], [sflag:$0x5] =	stream.linear.gather @!p0 [hbm4b:s11+s18], $0x80, $0x38;
	[tilespmem:$0x1BA80] =	vst v63  }
0x93: {  	_ =	swait.ge @!p0 [sflag:s20], $0x80  }
0x94: {  	[sflag:s20] =	ssyncset.done @!p0 $0x0  }
0x95: {  	s21 =	simm.s32 @!p0 $0x13980;
	s11 =	rddreg [dreg:$0xf];
	[sflag:s20] =	ssyncadd.s32 @!p0 $0xFFFFFF80  }
0x96: {  	[tilespmem:s21], [sflag:$0x5] =	stream.linear.gather @!p0 [hbm4b:s11+s18], $0x80, $0x38;
	[tilespmem:$0x1BA80] =	vst v63  }
0x97: {  	_ =	swait.ge @!p0 [sflag:s20], $0x80  }
0x98: {  	[sflag:s20] =	ssyncset.done @!p0 $0x0  }
0x99: {  	s18 =	simm.s32 @!p0 $0x80;
	s11 =	simm.s32 @!p0 $0x13A80;
	[sflag:s20] =	ssyncadd.s32 @!p0 $0xFFFFFF80  }
0x9a: {  	[tilespmem:s11], [sflag:$0x1] =	stream.indirect.gather @!p0 [hbm4b:s1+s18], $0x80, s19, s18, $0xb8;
	[tilespmem:$0x1BA80] =	vst v63  }
0x9b: {  	s19 =	simm.s32 @!p0 $0x1  }
0x9c: {  	_ =	swait.ge @!p0 [sflag:s19], $0x4000  }
0x9d: {  	[sflag:s19] =	ssyncset.done @!p0 $0x0  }
0x9e: {  	[sflag:s19] =	ssyncadd.s32 @!p0 $0xFFFFC000  }
0x9f: {  	[spmem:s2] =	stream.indirect.scatter.add.f32 @!p0 [tilespmem:s11], [sflag:$0x5], $0x80, s21, s18, $0xb8;
	[tilespmem:$0x1BA80] =	vst v63  }
0xa0: {  	_ =	swait.ge @!p0 [sflag:s20], $0x4000  }
0xa1: {  	[sflag:s20] =	ssyncset.done @!p0 $0x0  }
0xa2: {  	[sflag:s20] =	ssyncadd.s32 @!p0 $0xFFFFC000  }
0xa3: {  	[bflag:$0x0] =	sbarrier.arrive $0xFFFF  }
0xa4: {  	s19 =	rddreg [dreg:$0xa]  }
0xa5: {  	[hbm:s19], [sflag:s8] =	dma.local [spmem:s16], $0x2700  }
0xa6: {  	_ =	swait.ge [sflag:s26], $0x2700  }
0xa7: {  	[sflag:s26] =	ssyncset.done $0x0  }
0xa8: {  	s11 =	sshrl.u32 @p1 s7, $0x3;
	[sflag:s26] =	ssyncadd.s32 $0xFFFFD900  }
0xa9: {  	[spmem:s11], [sflag:s8] =	dma.local @p1 [hbm:s5], $0x2700  }
0xaa: {  	s11 =	simm.s32 @p1 $0x5  }
0xab: {  	_ =	swait.ge @p1 [sflag:s11], $0x2700  }
0xac: {  	[sflag:s11] =	ssyncset.done @p1 $0x0  }
0xad: {  	[sflag:s11] =	ssyncadd.s32 @p1 $0xFFFFD900;
	s11 =	rddreg [dreg:$0xb]  }
0xae: {  	[hbm:s11], [sflag:s8] =	dma.local @!p1 [spmem:s17], $0x100  }
0xaf: {  	s11 =	simm.s32 @!p1 $0x5  }
0xb0: {  	_ =	swait.ge @!p1 [sflag:s11], $0x100  }
0xb1: {  	[sflag:s11] =	ssyncset.done @!p1 $0x0  }
0xb2: {  	s18 =	sshrl.u32 @!p1 s7, $0x3;
	[sflag:s11] =	ssyncadd.s32 @!p1 $0xFFFFFF00  }
0xb3: {  	[spmem:s18], [sflag:s8] =	dma.local @!p1 [hbm:s5], $0x2700  }
0xb4: {  	_ =	swait.ge @!p1 [sflag:s11], $0x2700  }
0xb5: {  	[sflag:s11] =	ssyncset.done @!p1 $0x0  }
0xb6: {  	[sflag:s11] =	ssyncadd.s32 @!p1 $0xFFFFD900  }
0xb7: {  	[spmem:s17], [sflag:s8] =	dma.local @!p1 [hbm:s5], $0x100  }
0xb8: {  	_ =	swait.ge @!p1 [sflag:s11], $0x100  }
0xb9: {  	[sflag:s11] =	ssyncset.done @!p1 $0x0  }
0xba: {  	s20 =	simm.s32 $0x0;
	s21 =	rddreg [dreg:$0x5];
	[sflag:s11] =	ssyncadd.s32 @!p1 $0xFFFFFF00  }
0xbb: {  	[tilespmem:s0], [sflag:$0x5] =	stream.linear.gather [hbm4b:s21+s20], $0x4000, $0x38;
	[tilespmem:$0x1BA80] =	vst v63  }
0xbc: {  	_ =	swait.ge [sflag:s26], $0x4000  }
0xbd: {  	[sflag:s26] =	ssyncset.done $0x0  }
0xbe: {  	[sflag:s26] =	ssyncadd.s32 $0xFFFFC000  }
0xbf: {  	[bflag:$0x0] =	sbarrier.arrive $0xFFFF  }
0xc0: {  	[tilespmem:s29], [sflag:$0x3] =	stream.linear.gather [hbm4b:s13+s20], $0x80, $0x38;
	[tilespmem:$0x1BA80] =	vst v63  }
0xc1: {  	s19 =	rddreg [dreg:$0x9]  }
0xc2: {  	[tilespmem:s6], [sflag:$0x4] =	stream.linear.gather [hbm4b:s19+s20], $0x80, $0x38;
	[tilespmem:$0x1BA80] =	vst v63  }
0xc3: {  	_ =	swait.ge [sflag:s30], $0x80  }
0xc4: {  	[sflag:s30] =	ssyncset.done $0x0  }
0xc5: {  	[sflag:s30] =	ssyncadd.s32 $0xFFFFFF80  }
0xc6: {  	[spmem:s2] =	stream.indirect.scatter.add.f32 [tilespmem:s0], [sflag:$0x5], $0x80, s29, s31, $0xb8;
	[tilespmem:$0x1BA80] =	vst v63  }
0xc7: {  	_ =	swait.ge [sflag:s26], $0x4000  }
0xc8: {  	[sflag:s26] =	ssyncset.done $0x0  }
0xc9: {  	s20 =	sadd.s32 $0x0, s23;
	[sflag:s26] =	ssyncadd.s32 $0xFFFFC000  }
0xca: {  	[tilespmem:s29], [sflag:$0x3] =	stream.linear.gather [hbm4b:s20+s3], $0x80, $0x38;
	[tilespmem:$0x1BA80] =	vst v63  }
0xcb: {  	_ =	swait.ge [sflag:s9], $0x80  }
0xcc: {  	[sflag:s9] =	ssyncset.done $0x0  }
0xcd: {  	[sflag:s9] =	ssyncadd.s32 $0xFFFFFF80  }
0xce: {  	[spmem:s2] =	stream.indirect.scatter.add.f32 [tilespmem:s0], [sflag:$0x5], $0x80, s6, s31, $0xb8;
	[tilespmem:$0x1BA80] =	vst v63  }
0xcf: {  	_ =	swait.ge [sflag:s26], $0x4000  }
0xd0: {  	s18 =	simm.s32 $0x20;
	[sflag:s26] =	ssyncset.done $0x0  }
0xd1: {  	s21 =	smov.u32 s13;
	s19 =	sadd.s32 $0x0, s25;
	[sflag:s26] =	ssyncadd.s32 $0xFFFFC000  }
.LBB2_4:
0xd2: {  	[tilespmem:s6], [sflag:$0x4] =	stream.linear.gather [hbm4b:s19+s3], $0x80, $0x38;
	[tilespmem:$0x1BA80] =	vst v63  }
0xd3: {  	s11 =	smov.u32 s18  }
0xd4: {  	p2 =	sne.s32 s18, $0x4A0;
	s18 =	sadd.s32 $0x20, s18;
	_ =	swait.ge [sflag:s30], $0x80  }
0xd5: {  	[sflag:s30] =	ssyncset.done $0x0  }
0xd6: {  	[sflag:s30] =	ssyncadd.s32 $0xFFFFFF80  }
0xd7: {  	[spmem:s2] =	stream.indirect.scatter.add.f32 [tilespmem:s0], [sflag:$0x5], $0x80, s29, s31, $0xb8;
	[tilespmem:$0x1BA80] =	vst v63  }
0xd8: {  	_ =	swait.ge [sflag:s26], $0x4000  }
0xd9: {  	[sflag:s26] =	ssyncset.done $0x0  }
0xda: {  	s19 =	sadd.s32 s11, s23;
	[sflag:s26] =	ssyncadd.s32 $0xFFFFC000  }
0xdb: {  	[tilespmem:s29], [sflag:$0x3] =	stream.linear.gather [hbm4b:s19+s3], $0x80, $0x38;
	[tilespmem:$0x1BA80] =	vst v63  }
0xdc: {  	_ =	swait.ge [sflag:s9], $0x80  }
0xdd: {  	[sflag:s9] =	ssyncset.done $0x0  }
.Ltmp1:
0xde: {  	[sflag:s9] =	ssyncadd.s32 $0xFFFFFF80;
	(pc) =	sbr.rel @p2 .LBB2_4-.Ltmp1, $4  }
0xdf: {  	[spmem:s2] =	stream.indirect.scatter.add.f32 [tilespmem:s0], [sflag:$0x5], $0x80, s6, s31, $0xb8;
	[tilespmem:$0x1BA80] =	vst v63  }
0xe0: {  	_ =	swait.ge [sflag:s26], $0x4000  }
0xe1: {  	[sflag:s26] =	ssyncset.done $0x0  }
0xe2: {  	s19 =	sadd.s32 s11, s25;
	[sflag:s26] =	ssyncadd.s32 $0xFFFFC000  }
0xe3: {  	[tilespmem:s6], [sflag:$0x4] =	stream.linear.gather [hbm4b:s19+s3], $0x80, $0x38;
	[tilespmem:$0x1BA80] =	vst v63  }
0xe4: {  	_ =	swait.ge [sflag:s30], $0x80  }
0xe5: {  	[sflag:s30] =	ssyncset.done $0x0  }
0xe6: {  	[sflag:s30] =	ssyncadd.s32 $0xFFFFFF80  }
0xe7: {  	[spmem:s2] =	stream.indirect.scatter.add.f32 [tilespmem:s0], [sflag:$0x5], $0x80, s29, s31, $0xb8;
	[tilespmem:$0x1BA80] =	vst v63  }
0xe8: {  	_ =	swait.ge [sflag:s26], $0x4000  }
0xe9: {  	[sflag:s26] =	ssyncset.done $0x0  }
0xea: {  	[sflag:s26] =	ssyncadd.s32 $0xFFFFC000  }
0xeb: {  	_ =	swait.ge [sflag:s9], $0x80  }
0xec: {  	[sflag:s9] =	ssyncset.done $0x0  }
0xed: {  	[sflag:s9] =	ssyncadd.s32 $0xFFFFFF80  }
0xee: {  	[spmem:s2] =	stream.indirect.scatter.add.f32 [tilespmem:s0], [sflag:$0x5], $0x80, s6, s31, $0xb8;
	[tilespmem:$0x1BA80] =	vst v63  }
0xef: {  	_ =	swait.ge [sflag:s26], $0x4000  }
0xf0: {  	s11 =	simm.s32 @!p0 $0x0;
	[sflag:s26] =	ssyncset.done $0x0  }
0xf1: {  	s18 =	simm.s32 @!p0 $0x13980;
	s13 =	rddreg [dreg:$0x10];
	[sflag:s26] =	ssyncadd.s32 $0xFFFFC000  }
0xf2: {  	[tilespmem:s18], [sflag:$0x5] =	stream.linear.gather @!p0 [hbm4b:s13+s11], $0x80, $0x38;
	[tilespmem:$0x1BA80] =	vst v63  }
0xf3: {  	s11 =	simm.s32 @!p0 $0x5  }
0xf4: {  	_ =	swait.ge @!p0 [sflag:s11], $0x80  }
0xf5: {  	[sflag:s11] =	ssyncset.done @!p0 $0x0  }
0xf6: {  	s19 =	simm.s32 @!p0 $0x80;
	s20 =	simm.s32 @!p0 $0x13A80;
	[sflag:s11] =	ssyncadd.s32 @!p0 $0xFFFFFF80  }
0xf7: {  	[spmem:s2] =	stream.indirect.scatter.add.f32 @!p0 [tilespmem:s20], [sflag:$0x5], $0x80, s18, s19, $0xb8;
	[tilespmem:$0x1BA80] =	vst v63  }
0xf8: {  	_ =	swait.ge @!p0 [sflag:s11], $0x4000  }
0xf9: {  	[sflag:s11] =	ssyncset.done @!p0 $0x0  }
0xfa: {  	[sflag:s11] =	ssyncadd.s32 @!p0 $0xFFFFC000  }
0xfb: {  	[bflag:$0x0] =	sbarrier.arrive $0xFFFF  }
0xfc: {  	s19 =	rddreg [dreg:$0xc]  }
0xfd: {  	[hbm:s19], [sflag:s8] =	dma.local [spmem:s16], $0x2700  }
0xfe: {  	_ =	swait.ge [sflag:s26], $0x2700  }
0xff: {  	[sflag:s26] =	ssyncset.done $0x0  }
0x100: {  	s11 =	rddreg [dreg:$0xd];
	[sflag:s26] =	ssyncadd.s32 $0xFFFFD900  }
0x101: {  	[hbm:s11], [sflag:s8] =	dma.local @!p1 [spmem:s17], $0x100  }
0x102: {  	s11 =	simm.s32 @!p1 $0x5  }
0x103: {  	_ =	swait.ge @!p1 [sflag:s11], $0x100  }
0x104: {  	s15 =	sadd.s32 $0x1, s15;
	s20 =	rddreg [dreg:$0x11]  }
0x105: {  	p2 =	sne.s32 s15, s20  }
.Ltmp2:
0x106: {  	_ = 	snop;
	(pc) =	sbr.rel @p2 .LBB2_1-.Ltmp2, $3  }
0x107: {  	_ =	sdelay $0x1  }
0x108: {  	[sflag:s11] =	ssyncset.done @!p1 $0x0  }
0x109: {  	[sflag:s11] =	ssyncadd.s32 @!p1 $0xFFFFFF00  }
0x10a: {  	_ =	sfence.sel $0x180000  }
0x10b: {  	[bflag:$0x0] =	sbarrier.arrive $0xFFFF  }
0x10c: {  	_ =	strace $0x90000047  }
0x10d: {  	s0 =	stileid.u32;
	[bflag:$0x2] =	sbarrier.arrive $0xFFFF  }
0x10e: {  	p0 =	sne.s32 s0, $0x0;
	s0 =	rddreg [dreg:$0x4]  }
0x10f: {  	s0 =	sadd.s32 @!p0 $0x100000, s0  }
0x110: {  	[sflag:s0] =	ssyncadd.tile.s32 @!p0 $0x1;
	_ =	shalt  }
.Lfunc_end2:
_tile_overlayer_lowered:
.L_overlay_start_2:
0x111: {  	(tag) =	ssettag $0x2  }
0x112: {  	s0 =	rddreg [dreg:$0x0];
	s2 =	stileid.u32  }
0x113: {  	s1 =	rddreg [dreg:$0x1];
	p0 =	sne.s32 s2, $0x0  }
0x114: {  	s3 =	rddreg [dreg:$0x2];
	[bflag:$0x3] =	sbarrier.arrive $0xFFFF;
	s2 =	simm.s32 @!p0 $0x1C05  }
0x115: {  	[timem:s3], [sflag:s2] =	dma.local @!p0 [hbm:s0], s1  }
0x116: {  	s0 =	simm.s32 @!p0 $0x5  }
0x117: {  	_ =	swait.ge @!p0 [sflag:s0], s1  }
0x118: {  	s1 =	ssub.s32 @!p0 $0x0, s1;
	[sflag:s0] =	ssyncset.done @!p0 $0x0  }
0x119: {  	[sflag:s0] =	ssyncadd.s32 @!p0 s1  }
0x11a: {  	[bflag:$0x3] =	sbarrier.arrive $0xFFFF  }
0x11b: {  	_ =	shalt  }

// kernel: kernel.9.cloned.1.call-start
scs
__scs_entry_jumppad:
0x0: {  	(pc) =	sbr.rel $0x88, $3  }
0x1: {  	(tag) =	ssettag $0x0;
	lr =	simm.s32 $0x1  }
0x2: {  	[smem:$0x3F8D] =	sst lr;
	_ =	strace $0xD0000000  }
0x3: {  	_ = 	snop  }
0x4: {  	_ = 	snop  }
0x5: {  	_ = 	snop  }
0x6: {  	_ = 	snop  }
0x7: {  	_ = 	snop  }
__scs_overlays_trampoline_lowered:
0x8: {  	[smem:$0x3F9C] =	sst s0  }
0x9: {  	[smem:$0x3F9D] =	sst s1  }
0xa: {  	[smem:$0x3F9E] =	sst s2  }
0xb: {  	[smem:$0x3F9F] =	sst s3  }
0xc: {  	[smem:$0x3FA0] =	sst s4  }
0xd: {  	[smem:$0x3FA1] =	sst s5  }
0xe: {  	[smem:$0x3FA2] =	sst s6  }
0xf: {  	[smem:$0x3FA3] =	sst s7  }
0x10: {  	[smem:$0x3FA4] =	sst s8  }
0x11: {  	[smem:$0x3FA5] =	sst s9;
	s0 =	simm.s32 @!p0 $0x0  }
0x12: {  	s1 =	sld [smem:$0x3F8B];
	s0 =	simm.s32 @p0 $0x1  }
0x13: {  	[smem:$0x3FA6] =	sst s0;
	s0 =	simm.s32 @!p1 $0x0  }
0x14: {  	s2 =	sld [smem:$0x3F8A];
	s0 =	simm.s32 @p1 $0x1  }
0x15: {  	[smem:$0x3FA7] =	sst s0;
	s0 =	simm.s32 @!p2 $0x0  }
0x16: {  	s3 =	sld [smem:$0x3FDB];
	s0 =	simm.s32 @p2 $0x1  }
0x17: {  	s4 =	simm.s32 $0x1BF5;
	[smem:$0x3FA9] =	sst s0  }
0x18: {  	s0 =	sld [smem:$0x3F8C];
	_ =	swait.ge [sflag:s4], $0x0  }
0x19: {  	s7 =	sld [smem:$0x3F8D]  }
0x1a: {  	s8 =	sadd.s32 $0xFFFFE003, lr  }
0x1b: {  	s9 =	sadd.s32 $0xFFFFFEF7, lr;
	s5 =	simm.s32 $0xFFFFFFFF;
	p2 =	slt.u32 s8, $0xFFFFF086  }
0x1c: {  	p1 =	slt.u32 s9, $0xF7A;
	s5 =	simm.s32 @!p2 $0x0  }
0x1d: {  	s5 =	simm.s32 @p1 $0x1;
	p0 =	seq.s32 s7, s2  }
0x1e: {  	s7 =	smul.u32 @!p0 $0xF7A, s2;
	p2 =	seq.s32 @!p0 s5, $0x0  }
0x1f: {  	s9 =	smul.u32 $0xF7A, s1;
	s8 =	simm.s32 @!p0 $0x1BF5;
	p2 =	por !p2, p0  }
0x20: {  	[sflag:s8] =	ssyncset.s32 @!p0 $0xFFFFF086;
	s6 =	sadd.s32 @!p0 s3, s7;
	s7 =	simm.s32 @!p0 $0x108  }
0x21: {  	s3 =	sadd.s32 s3, s9;
	s6 =	sadd.s32 @!p0 $0x88, s6;
	s7 =	simm.s32 @p2 $0x1082  }
0x22: {  	[simem:s7], [sflag:s8] =	dma.local @!p0 [hbm:s6], $0xF7A  }
0x23: {  	s9 =	sor.u32 $0xD0000000, s2;
	s6 =	simm.s32 $0x108;
	_ =	swait.ge @!p0 [sflag:s8], $0x0  }
0x24: {  	s3 =	sadd.s32 $0x88, s3;
	s6 =	simm.s32 @!p1 $0x1082;
	[sflag:s4] =	ssyncset.s32 $0xFFFFF086  }
0x25: {  	[simem:s6], [sflag:s4] =	dma.local [hbm:s3], $0xF7A  }
0x26: {  	[smem:$0x3F8D] =	sst s1;
	(tag) =	ssettag s2;
	_ =	strace s9  }
0x27: {  	s1 =	sld [smem:$0x3F9D]  }
0x28: {  	s2 =	sld [smem:$0x3F9E]  }
0x29: {  	s4 =	sld [smem:$0x3FA0]  }
0x2a: {  	p0 =	seq.s32 s5, $0x0;
	s5 =	sld [smem:$0x3FA1]  }
0x2b: {  	s6 =	sld [smem:$0x3FA2]  }
0x2c: {  	s7 =	sld [smem:$0x3FA3]  }
0x2d: {  	s3 =	simm.s32 $0x108;
	s8 =	sld [smem:$0x3FA4]  }
0x2e: {  	s3 =	simm.s32 @!p0 $0x1082;
	s9 =	sld [smem:$0x3FA5]  }
0x2f: {  	lr =	sadd.s32 s0, s3;
	s0 =	sld [smem:$0x3F9C]  }
0x30: {  	s3 =	sld [smem:$0x3F9F]  }
0x31: {  	[smem:$0x3FA8] =	sst s10  }
0x32: {  	s10 =	sld [smem:$0x3FA6];
	_ =	sdelay $0x3  }
0x33: {  	p0 =	seq.s32 s10, $0x1;
	s10 =	sld [smem:$0x3FA8];
	_ =	sdelay $0x3  }
0x34: {  	[smem:$0x3FA8] =	sst s10  }
0x35: {  	s10 =	sld [smem:$0x3FA7];
	_ =	sdelay $0x3  }
0x36: {  	p1 =	seq.s32 s10, $0x1;
	s10 =	sld [smem:$0x3FA8];
	_ =	sdelay $0x3  }
0x37: {  	[smem:$0x3FA8] =	sst s10  }
0x38: {  	s10 =	sld [smem:$0x3FA9]  }
0x39: {  	_ = 	snop;
	(pc) =	sbr.ind lr, $3  }
0x3a: {  	_ = 	snop  }
0x3b: {  	_ = 	snop  }
0x3c: {  	p2 =	seq.s32 s10, $0x1;
	s10 =	sld [smem:$0x3FA8]  }
0x3d: {  	_ =	shalt  }
0x3e: {  	_ =	shalt  }
0x3f: {  	_ =	shalt  }
0x40: {  	_ =	shalt  }
0x41: {  	_ =	shalt  }
0x42: {  	_ =	shalt  }
0x43: {  	_ =	shalt  }
0x44: {  	_ =	shalt  }
0x45: {  	_ =	shalt  }
0x46: {  	_ =	shalt  }
0x47: {  	_ =	shalt  }
0x48: {  	_ =	shalt  }
0x49: {  	_ =	shalt  }
0x4a: {  	_ =	shalt  }
0x4b: {  	_ =	shalt  }
0x4c: {  	_ =	shalt  }
0x4d: {  	_ =	shalt  }
0x4e: {  	_ =	shalt  }
0x4f: {  	_ =	shalt  }
0x50: {  	_ =	shalt  }
0x51: {  	_ =	shalt  }
0x52: {  	_ =	shalt  }
0x53: {  	_ =	shalt  }
0x54: {  	_ =	shalt  }
0x55: {  	_ =	shalt  }
0x56: {  	_ =	shalt  }
0x57: {  	_ =	shalt  }
0x58: {  	_ =	shalt  }
0x59: {  	_ =	shalt  }
0x5a: {  	_ =	shalt  }
0x5b: {  	_ =	shalt  }
0x5c: {  	_ =	shalt  }
0x5d: {  	_ =	shalt  }
0x5e: {  	_ =	shalt  }
0x5f: {  	_ =	shalt  }
0x60: {  	_ =	shalt  }
0x61: {  	_ =	shalt  }
0x62: {  	_ =	shalt  }
0x63: {  	_ =	shalt  }
0x64: {  	_ =	shalt  }
0x65: {  	_ =	shalt  }
0x66: {  	_ =	shalt  }
0x67: {  	_ =	shalt  }
0x68: {  	_ =	shalt  }
0x69: {  	_ =	shalt  }
0x6a: {  	_ =	shalt  }
0x6b: {  	_ =	shalt  }
0x6c: {  	_ =	shalt  }
0x6d: {  	_ =	shalt  }
0x6e: {  	_ =	shalt  }
0x6f: {  	_ =	shalt  }
0x70: {  	_ =	shalt  }
0x71: {  	_ =	shalt  }
0x72: {  	_ =	shalt  }
0x73: {  	_ =	shalt  }
0x74: {  	_ =	shalt  }
0x75: {  	_ =	shalt  }
0x76: {  	_ =	shalt  }
0x77: {  	_ =	shalt  }
0x78: {  	_ =	shalt  }
0x79: {  	_ =	shalt  }
0x7a: {  	_ =	shalt  }
0x7b: {  	_ =	shalt  }
0x7c: {  	_ =	shalt  }
0x7d: {  	_ =	shalt  }
0x7e: {  	_ =	shalt  }
0x7f: {  	_ =	shalt  }
0x80: {  	_ =	shalt  }
0x81: {  	_ =	shalt  }
0x82: {  	_ =	shalt  }
0x83: {  	_ =	shalt  }
0x84: {  	_ =	shalt  }
0x85: {  	_ =	shalt  }
0x86: {  	_ =	shalt  }
0x87: {  	_ =	shalt  }
.Lfunc_end0:
.L_simem_size_0:
called_computation.1_lowered:
.L_overlay_start_0:
0x88: {  	s2 =	sld [smem:$0x3FD9]  }
0x89: {  	s3 =	sld [smem:$0x3FFE];
	_ =	sdelay $0x1  }
0x8a: {  	s1 =	srdreg.scid  }
0x8b: {  	s0 =	sand.u32 $0x1, s1  }
0x8c: {  	s17 =	sshll.u32 s0, $0xA;
	s2 =	sadd.s32 s3, s2  }
0x8d: {  	s2 =	sadd.s32 s2, s17  }
0x8e: {  	[smem:$0x3FB4] =	sst s2  }
0x8f: {  	_ = 	snop  }
0x90: {  	s2 =	sld [smem:$0x3FD0];
	(tm) =	ssettm $0x1  }
0x91: {  	s18 =	sld [smem:$0x3FFB];
	_ =	sdelay $0x3  }
0x92: {  	_ =	strace s18  }
0x93: {  	s3 =	sld [smem:$0x3FFC];
	_ =	sdelay $0x3  }
0x94: {  	_ =	strace s3  }
0x95: {  	s3 =	sld [smem:$0x3FFD];
	_ =	sdelay $0x3  }
0x96: {  	_ =	strace s3  }
0x97: {  	_ =	strace $0x8FFFFFFF  }
0x98: {  	s19 =	sld [smem:$0x3FDB];
	_ =	sdelay $0x1  }
0x99: {  	s4 =	simm.s32 $_scs_section_size  }
0x9a: {  	s5 =	simm.s32 $_size__tile_overlayer_lowered;
	s6 =	simm.s32 $_tile_overlayer_lowered  }
0x9b: {  	s22 =	simm.s32 $0x1BFF;
	s21 =	sshll.u32 s6, $0x1;
	s3 =	sadd.s32 s4, s19  }
0x9c: {  	s7 =	simm.s32 $0x0;
	s20 =	sshll.u32 s5, $0x1;
	s5 =	sadd.s32 s21, s3  }
0x9d: {  	[timem:s7], [sflag:s22] =	dma.local [hbm:s5], s20  }
0x9e: {  	_ =	swait.ge [sflag:s22], s20  }
0x9f: {  	s4 =	ssub.s32 $0x0, s20;
	[sflag:s22] =	ssyncset.done $0x0  }
0xa0: {  	[sflag:s22] =	ssyncadd.s32 s4;
	_ =	sdelay $0x1  }
0xa1: {  	s23 =	simm.s32 $0x1B8B  }
0xa2: {  	_ =	swait.ge [sflag:s23], $0x1  }
0xa3: {  	[sflag:s23] =	ssyncset.done $0x0  }
0xa4: {  	s25 =	simm.s32 $0x1B8E;
	s24 =	sld [smem:$0x3FFE];
	[sflag:s23] =	ssyncadd.s32 $0xFFFFFFFF  }
0xa5: {  	s26 =	simm.s32 $execute0_lowered;
	[smem:$0x3FD2] =	sst s25  }
0xa6: {  	s5 =	sshll.u32 s26, $0x1;
	_ =	strace $0x80000049;
	[dreg:$0x1] =	wrdreg $0xFFFFFFFF  }
0xa7: {  	s28 =	simm.s32 $_size_execute0_lowered;
	s3 =	sadd.s32 s3, s5;
	[dreg:$0x0] =	wrdreg $0x0  }
0xa8: {  	s5 =	sshll.u32 s28, $0x1;
	[dreg:$0x2] =	wrdreg s3  }
0xa9: {  	[dreg:$0x3] =	wrdreg s5  }
0xaa: {  	[dreg:$0x4] =	wrdreg $0xC0  }
0xab: {  	_ =	task [dreg:s7], $0x5FFFF  }
0xac: {  	[dreg:$0x1] =	wrdreg $0xFFFFFFFF  }
0xad: {  	[dreg:$0x0] =	wrdreg $0x60  }
0xae: {  	[dreg:$0x2] =	wrdreg s24  }
0xaf: {  	[dreg:$0x3] =	wrdreg s2  }
0xb0: {  	[dreg:$0x4] =	wrdreg $0x0  }
0xb1: {  	[dreg:$0x5] =	wrdreg $0x9  }
0xb2: {  	_ =	task.clear_ibuf [dreg:s7], $0x6FFFF;
	_ =	strace $0x90000049  }
0xb3: {  	s29 =	simm.s32 $0x9;
	_ =	strace $0x8000004B  }
0xb4: {  	_ =	swait.ge [sflag:s29], $0x1  }
0xb5: {  	[sflag:s29] =	ssyncadd.s32 $0xFFFFFFFF  }
0xb6: {  	_ =	strace $0x9000004B  }
0xb7: {  	_ =	sfence  }
0xb8: {  	s30 =	sld [smem:$0x0];
	_ =	sdelay $0x2  }
0xb9: {  	s31 =	sshll.u32 s1, $0xD;
	s1 =	sshrl.u32 s1, $0x2  }
0xba: {  	s3 =	sand.u32 $0x4000, s31;
	s1 =	sadd.s32 s1, s30  }
0xbb: {  	s0 =	sor.u32 s3, s0;
	s1 =	sshll.u32 s1, $0x11  }
0xbc: {  	s0 =	sor.u32 s1, s0  }
0xbd: {  	s0 =	sadd.s32 $0x8F2B, s0  }
0xbe: {  	[sflag:s0] =	ssyncadd.remote.s32 $0x1  }
0xbf: {  	_ =	sfence.sel $0xFFFF  }
0xc0: {  	[dreg:$0x0] =	wrdreg $0xFFFFFFFF;
	(pc) =	sbr.abs _section_cstart, $3  }
0xc1: {  	[dreg:$0x1] =	wrdreg $0xFFFFFFFF  }
0xc2: {  	_ =	task.clear_ibuf [dreg:s7], $0x2FFFF;
	_ =	strace $0x9FFFFFFF  }
0xc3: {  	(tm) =	ssettm $0x7FFFFFFF  }
tec
execute0_lowered:
.L_overlay_start_1:
0x0: {  	(tag) =	ssettag $0x1  }
0x1: {  	s0 =	rddreg [dreg:$0x0]  }
0x2: {  	s3 =	rddreg [dreg:$0x1]  }
0x3: {  	s1 =	rddreg [dreg:$0x2]  }
0x4: {  	s2 =	simm.s32 $0x0;
	s4 =	srdreg.scid;
	s25 =	stileid.u32  }
0x5: {  	s17 =	simm.s32 $0x5;
	s19 =	simm.s32 $0x13880;
	s28 =	simm.s32 $0x17A80  }
0x6: {  	s30 =	simm.s32 $0x2;
	s31 =	simm.s32 $0x0;
	[smem:$0x7FF] =	sst s2  }
0x7: {  	s8 =	sand.u32 $0x1, s4;
	s4 =	sadd.s32 $0x10E00, s0;
	s9 =	sadd.s32 $0x4000, s0  }
0x8: {  	s10 =	smul.u32 $0x4E000, s25;
	s5 =	sadd.s32 $0xE600, s0;
	s0 =	sadd.s32 $0xAD200, s0  }
0x9: {  	s21 =	sshll.u32 s25, $0x6;
	s22 =	smul.u32 $0x9C0, s25;
	s18 =	sadd.s32 $0x138000, s1  }
0xa: {  	s12 =	smul.u32 $0x13800, s25;
	s23 =	sshll.u32 s25, $0x4;
	p0 =	sne.s32 s25, $0xF  }
0xb: {  	p1 =	sgt.u32 s25, $0x3;
	s25 =	simm.s32 $0x13A00;
	s29 =	smul.u32 $0x2710, s8  }
0xc: {  	_ =	strace $0x8000004A;
	s6 =	ssub.s32 $0x2, s8;
	s11 =	smul.u32 $0x138800, s8  }
0xd: {  	s18 =	sshrl.u32 @!p0 s18, $0x3;
	s7 =	sshrl.u32 s6, $0x1;
	s20 =	sshrl.u32 s10, $0x2  }
0xe: {  	s8 =	sadd.s32 s3, s22;
	s10 =	sor.u32 $0x10, s22;
	s15 =	ssub.s32 s6, s7  }
0xf: {  	s16 =	sadd.s32 s20, s1;
	s6 =	sor.u32 $0x1C05, s21;
	s7 =	sadd.s32 s9, s22  }
0x10: {  	s13 =	sadd.s32 s9, s10;
	s10 =	sadd.s32 s3, s10;
	s12 =	sadd.s32 s12, s11  }
0x11: {  	s24 =	sshrl.u32 s11, $0x3;
	s20 =	simm.s32 $0x13980;
	s21 =	simm.s32 $0x3  }
0x12: {  	s22 =	simm.s32 $0x80;
	v0 =	vmov s29;
	s29 =	simm.s32 $0x1;
	[dreg:$0x4] =	wrdreg s13  }
0x13: {  	[dreg:$0x5] =	wrdreg s10;
	s10 =	sor.u32 $0x9C00, s23;
	s26 =	sshrl.u32 s12, $0x3  }
0x14: {  	s14 =	sadd.s32 s0, s24;
	s15 =	smax.u32 s15, $0x1;
	s16 =	sshrl.u32 s16, $0x3  }
0x15: {  	s23 =	simm.s32 $0x13A80;
	s24 =	simm.s32 $0x13900;
	s9 =	sadd.s32 s9, s10  }
0x16: {  	s3 =	sadd.s32 s3, s10;
	s13 =	sadd.s32 s0, s26;
	[dreg:$0x6] =	wrdreg s9  }
0x17: {  	s14 =	sadd.s32 $0x27000, s14;
	s26 =	simm.s32 $0x4;
	[dreg:$0x7] =	wrdreg s3  }
.LBB2_1:
0x18: {  	[spmem:s16], [sflag:s6] =	dma.local [hbm:s5], $0x2700  }
0x19: {  	_ =	swait.ge [sflag:s17], $0x2700  }
0x1a: {  	[sflag:s17] =	ssyncset.done $0x0  }
0x1b: {  	s0 =	simm.s32 @!p0 $0x5;
	[sflag:s17] =	ssyncadd.s32 $0xFFFFD900  }
0x1c: {  	[spmem:s18], [sflag:s6] =	dma.local @!p0 [hbm:s5], $0x100  }
0x1d: {  	_ =	swait.ge @!p0 [sflag:s0], $0x100  }
0x1e: {  	[sflag:s0] =	ssyncset.done @!p0 $0x0  }
0x1f: {  	[sflag:s0] =	ssyncadd.s32 @!p0 $0xFFFFFF00  }
0x20: {  	[bflag:$0x0] =	sbarrier.arrive $0xFFFF  }
0x21: {  	[tilespmem:s19], [sflag:$0x3] =	stream.linear.gather [hbm4b:s7+s2], $0x80, $0x38;
	[tilespmem:$0x1BA80] =	vst v63  }
0x22: {  	_ = 	snop  }
0x23: {  	[tilespmem:s20], [sflag:$0x3] =	stream.linear.gather [hbm4b:s8+s2], $0x80, $0x38;
	[tilespmem:$0x1BA80] =	vst v63  }
0x24: {  	_ =	swait.ge [sflag:s21], $0x80  }
0x25: {  	[sflag:s21] =	ssyncset.done $0x0  }
0x26: {  	[sflag:s21] =	ssyncadd.s32 $0xFFFFFF80  }
0x27: {  	_ =	swait.ge [sflag:s21], $0x80  }
0x28: {  	[sflag:s21] =	ssyncset.done $0x0  }
0x29: {  	[sflag:s21] =	ssyncadd.s32 $0xFFFFFF80  }
0x2a: {  	v1 =	vld [tilespmem:$0x13880]  }
0x2b: {  	v2 =	vld [tilespmem:$0x13890]  }
0x2c: {  	v3 =	vld [tilespmem:$0x138A0]  }
0x2d: {  	v4 =	vld [tilespmem:$0x138B0]  }
0x2e: {  	v5 =	vld [tilespmem:$0x138C0]  }
0x2f: {  	v6 =	vld [tilespmem:$0x138D0];
	v1 =	vadd.s32 v0, v1  }
0x30: {  	[tilespmem:$0x13880] =	vst v1;
	v1 =	vadd.s32 v0, v2;
	v2 =	vld [tilespmem:$0x138E0]  }
0x31: {  	[tilespmem:$0x13890] =	vst v1;
	v1 =	vadd.s32 v0, v3;
	v3 =	vld [tilespmem:$0x138F0]  }
0x32: {  	[tilespmem:$0x138A0] =	vst v1;
	v1 =	vadd.s32 v0, v4  }
0x33: {  	[tilespmem:$0x138B0] =	vst v1;
	v1 =	vadd.s32 v0, v5  }
0x34: {  	[tilespmem:$0x138C0] =	vst v1;
	v1 =	vadd.s32 v0, v6  }
0x35: {  	[tilespmem:$0x138D0] =	vst v1;
	v1 =	vadd.s32 v0, v2  }
0x36: {  	[tilespmem:$0x138E0] =	vst v1;
	v1 =	vadd.s32 v0, v3  }
0x37: {  	[tilespmem:$0x138F0] =	vst v1  }
0x38: {  	[tilespmem:s23], [sflag:$0x1] =	stream.indirect.gather [hbm4b:s4+s22], $0x80, s19, s22, $0xb8;
	[tilespmem:$0x1BA80] =	vst v63  }
0x39: {  	s11 =	rddreg [dreg:$0x4]  }
0x3a: {  	[tilespmem:s24], [sflag:$0x4] =	stream.linear.gather [hbm4b:s11+s2], $0x80, $0x38;
	[tilespmem:$0x1BA80] =	vst v63  }
0x3b: {  	s12 =	rddreg [dreg:$0x5]  }
0x3c: {  	[tilespmem:s25], [sflag:$0x4] =	stream.linear.gather [hbm4b:s12+s2], $0x80, $0x38;
	[tilespmem:$0x1BA80] =	vst v63  }
0x3d: {  	_ =	swait.ge [sflag:s26], $0x80  }
0x3e: {  	[sflag:s26] =	ssyncset.done $0x0  }
0x3f: {  	[sflag:s26] =	ssyncadd.s32 $0xFFFFFF80  }
0x40: {  	_ =	swait.ge [sflag:s26], $0x80  }
0x41: {  	[sflag:s26] =	ssyncset.done $0x0  }
0x42: {  	[sflag:s26] =	ssyncadd.s32 $0xFFFFFF80  }
0x43: {  	v3 =	vld [tilespmem:$0x13950]  }
0x44: {  	v6 =	vld [tilespmem:$0x13940]  }
0x45: {  	v4 =	vld [tilespmem:$0x13930]  }
0x46: {  	v1 =	vld [tilespmem:$0x13960]  }
0x47: {  	v5 =	vld [tilespmem:$0x13920]  }
0x48: {  	v2 =	vld [tilespmem:$0x13900];
	v7 =	vadd.s32 v0, v3  }
0x49: {  	s3 =	simm.s32 $0xFFFFF680;
	s0 =	simm.s32 $0xFFFFF660;
	v3 =	vld [tilespmem:$0x13910];
	v6 =	vadd.s32 v0, v6;
	[tilespmem:$0x13950] =	vst v7  }
.LBB2_2:
0x4a: {  	p2 =	sne.s32 s3, $0xFFFFFFE0;
	v7 =	vld [tilespmem:$0x13970];
	s11 =	smov.u32 s3;
	s3 =	sadd.s32 $0x20, s3  }
0x4b: {  	v4 =	vadd.s32 v0, v4;
	[tilespmem:$0x13940] =	vst v6;
	v1 =	vadd.s32 v0, v1  }
0x4c: {  	v5 =	vadd.s32 v0, v5;
	[tilespmem:$0x13930] =	vst v4  }
0x4d: {  	v2 =	vadd.s32 v0, v2;
	[tilespmem:$0x13920] =	vst v5  }
0x4e: {  	[tilespmem:$0x13900] =	vst v2;
	v2 =	vadd.s32 v0, v3  }
0x4f: {  	[tilespmem:$0x13910] =	vst v2;
	v2 =	vadd.s32 v0, v7  }
0x50: {  	[tilespmem:$0x13970] =	vst v2  }
0x51: {  	[tilespmem:$0x13960] =	vst v1  }
0x52: {  	[tilespmem:s28], [sflag:$0x2] =	stream.indirect.gather [hbm4b:s4+s22], $0x80, s24, s22, $0xb8;
	[tilespmem:$0x1BA80] =	vst v63  }
0x53: {  	_ =	swait.ge [sflag:s29], $0x4000  }
0x54: {  	[sflag:s29] =	ssyncset.done $0x0  }
0x55: {  	[sflag:s29] =	ssyncadd.s32 $0xFFFFC000  }
0x56: {  	[spmem:s1] =	stream.indirect.scatter.add.f32 [tilespmem:s23], [sflag:$0x5], $0x80, s20, s22, $0xb8;
	[tilespmem:$0x1BA80] =	vst v63  }
0x57: {  	_ =	swait.ge [sflag:s17], $0x4000  }
0x58: {  	s9 =	sadd.s32 s0, s7;
	[sflag:s17] =	ssyncset.done $0x0  }
0x59: {  	s10 =	sadd.s32 s0, s8;
	s12 =	sadd.s32 $0x9C0, s9;
	[sflag:s17] =	ssyncadd.s32 $0xFFFFC000  }
0x5a: {  	[tilespmem:s19], [sflag:$0x3] =	stream.linear.gather [hbm4b:s12+s2], $0x80, $0x38;
	[tilespmem:$0x1BA80] =	vst v63  }
0x5b: {  	s0 =	smov.u32 s11;
	s12 =	sadd.s32 $0x9C0, s10  }
0x5c: {  	[tilespmem:s20], [sflag:$0x3] =	stream.linear.gather [hbm4b:s12+s2], $0x80, $0x38;
	[tilespmem:$0x1BA80] =	vst v63  }
0x5d: {  	_ =	swait.ge [sflag:s21], $0x80  }
0x5e: {  	[sflag:s21] =	ssyncset.done $0x0  }
0x5f: {  	[sflag:s21] =	ssyncadd.s32 $0xFFFFFF80  }
0x60: {  	_ =	swait.ge [sflag:s21], $0x80  }
0x61: {  	[sflag:s21] =	ssyncset.done $0x0  }
0x62: {  	[sflag:s21] =	ssyncadd.s32 $0xFFFFFF80  }
0x63: {  	v1 =	vld [tilespmem:$0x13880]  }
0x64: {  	v2 =	vld [tilespmem:$0x13890]  }
0x65: {  	v3 =	vld [tilespmem:$0x138A0]  }
0x66: {  	v4 =	vld [tilespmem:$0x138B0]  }
0x67: {  	v5 =	vld [tilespmem:$0x138D0]  }
0x68: {  	v1 =	vadd.s32 v0, v1;
	v6 =	vld [tilespmem:$0x138E0]  }
0x69: {  	[tilespmem:$0x13880] =	vst v1;
	v1 =	vadd.s32 v0, v2;
	v2 =	vld [tilespmem:$0x138F0]  }
0x6a: {  	[tilespmem:$0x13890] =	vst v1;
	v1 =	vadd.s32 v0, v3;
	v3 =	vld [tilespmem:$0x138C0]  }
0x6b: {  	[tilespmem:$0x138A0] =	vst v1;
	v1 =	vadd.s32 v0, v4  }
0x6c: {  	[tilespmem:$0x138B0] =	vst v1;
	v1 =	vadd.s32 v0, v5  }
0x6d: {  	[tilespmem:$0x138D0] =	vst v1;
	v1 =	vadd.s32 v0, v6  }
0x6e: {  	[tilespmem:$0x138E0] =	vst v1;
	v1 =	vadd.s32 v0, v2  }
0x6f: {  	v2 =	vadd.s32 v0, v3;
	[tilespmem:$0x138F0] =	vst v1  }
0x70: {  	[tilespmem:$0x138C0] =	vst v2  }
0x71: {  	[tilespmem:s23], [sflag:$0x1] =	stream.indirect.gather [hbm4b:s4+s22], $0x80, s19, s22, $0xb8;
	[tilespmem:$0x1BA80] =	vst v63  }
0x72: {  	_ =	swait.ge [sflag:s30], $0x4000  }
0x73: {  	[sflag:s30] =	ssyncset.done $0x0  }
0x74: {  	[sflag:s30] =	ssyncadd.s32 $0xFFFFC000  }
0x75: {  	[spmem:s1] =	stream.indirect.scatter.add.f32 [tilespmem:s28], [sflag:$0x5], $0x80, s25, s22, $0xb8;
	[tilespmem:$0x1BA80] =	vst v63  }
0x76: {  	_ =	swait.ge [sflag:s17], $0x4000  }
0x77: {  	[sflag:s17] =	ssyncset.done $0x0  }
0x78: {  	s9 =	sadd.s32 $0x9D0, s9;
	[sflag:s17] =	ssyncadd.s32 $0xFFFFC000  }
0x79: {  	[tilespmem:s24], [sflag:$0x4] =	stream.linear.gather [hbm4b:s9+s2], $0x80, $0x38;
	[tilespmem:$0x1BA80] =	vst v63  }
0x7a: {  	s9 =	sadd.s32 $0x9D0, s10  }
0x7b: {  	[tilespmem:s25], [sflag:$0x4] =	stream.linear.gather [hbm4b:s9+s2], $0x80, $0x38;
	[tilespmem:$0x1BA80] =	vst v63  }
0x7c: {  	_ =	swait.ge [sflag:s26], $0x80  }
0x7d: {  	[sflag:s26] =	ssyncset.done $0x0  }
0x7e: {  	[sflag:s26] =	ssyncadd.s32 $0xFFFFFF80  }
0x7f: {  	_ =	swait.ge [sflag:s26], $0x80  }
0x80: {  	[sflag:s26] =	ssyncset.done $0x0  }
0x81: {  	[sflag:s26] =	ssyncadd.s32 $0xFFFFFF80  }
0x82: {  	v3 =	vld [tilespmem:$0x13950]  }
0x83: {  	v6 =	vld [tilespmem:$0x13940]  }
.Ltmp0:
0x84: {  	v4 =	vld [tilespmem:$0x13930];
	(pc) =	sbr.rel @p2 .LBB2_2-.Ltmp0, $4  }
0x85: {  	v1 =	vld [tilespmem:$0x13960]  }
0x86: {  	v5 =	vld [tilespmem:$0x13920]  }
0x87: {  	v2 =	vld [tilespmem:$0x13900];
	v7 =	vadd.s32 v0, v3  }
0x88: {  	v3 =	vld [tilespmem:$0x13910];
	v6 =	vadd.s32 v0, v6;
	[tilespmem:$0x13950] =	vst v7  }
0x89: {  	v7 =	vld [tilespmem:$0x13970];
	v4 =	vadd.s32 v0, v4;
	[tilespmem:$0x13940] =	vst v6  }
0x8a: {  	[tilespmem:$0x13930] =	vst v4;
	v1 =	vadd.s32 v0, v1  }
0x8b: {  	v5 =	vadd.s32 v0, v5;
	[tilespmem:$0x13960] =	vst v1  }
0x8c: {  	v2 =	vadd.s32 v0, v2;
	[tilespmem:$0x13920] =	vst v5  }
0x8d: {  	[tilespmem:$0x13900] =	vst v2;
	v2 =	vadd.s32 v0, v3  }
0x8e: {  	[tilespmem:$0x13910] =	vst v2;
	v2 =	vadd.s32 v0, v7  }
0x8f: {  	[tilespmem:$0x13970] =	vst v2  }
0x90: {  	[tilespmem:s28], [sflag:$0x2] =	stream.indirect.gather [hbm4b:s4+s22], $0x80, s24, s22, $0xb8;
	[tilespmem:$0x1BA80] =	vst v63  }
0x91: {  	_ =	swait.ge [sflag:s29], $0x4000  }
0x92: {  	[sflag:s29] =	ssyncset.done $0x0  }
0x93: {  	[sflag:s29] =	ssyncadd.s32 $0xFFFFC000  }
0x94: {  	[spmem:s1] =	stream.indirect.scatter.add.f32 [tilespmem:s23], [sflag:$0x5], $0x80, s20, s22, $0xb8;
	[tilespmem:$0x1BA80] =	vst v63  }
0x95: {  	_ =	swait.ge [sflag:s17], $0x4000  }
0x96: {  	s3 =	sadd.s32 s0, s7;
	[sflag:s17] =	ssyncset.done $0x0  }
0x97: {  	s11 =	sadd.s32 s0, s8;
	s9 =	sadd.s32 $0x9C0, s3;
	[sflag:s17] =	ssyncadd.s32 $0xFFFFC000  }
0x98: {  	[tilespmem:s19], [sflag:$0x3] =	stream.linear.gather [hbm4b:s9+s2], $0x80, $0x38;
	[tilespmem:$0x1BA80] =	vst v63  }
0x99: {  	s12 =	sadd.s32 $0x9C0, s11  }
0x9a: {  	[tilespmem:s20], [sflag:$0x3] =	stream.linear.gather [hbm4b:s12+s2], $0x80, $0x38;
	[tilespmem:$0x1BA80] =	vst v63  }
0x9b: {  	_ =	swait.ge [sflag:s21], $0x80  }
0x9c: {  	[sflag:s21] =	ssyncset.done $0x0  }
0x9d: {  	[sflag:s21] =	ssyncadd.s32 $0xFFFFFF80  }
0x9e: {  	_ =	swait.ge [sflag:s21], $0x80  }
0x9f: {  	[sflag:s21] =	ssyncset.done $0x0  }
0xa0: {  	[sflag:s21] =	ssyncadd.s32 $0xFFFFFF80  }
0xa1: {  	v1 =	vld [tilespmem:$0x13880]  }
0xa2: {  	v2 =	vld [tilespmem:$0x13890]  }
0xa3: {  	v3 =	vld [tilespmem:$0x138A0]  }
0xa4: {  	v58 =	vld [tilespmem:$0x138B0]  }
0xa5: {  	v59 =	vld [tilespmem:$0x138D0]  }
0xa6: {  	v60 =	vld [tilespmem:$0x138E0];
	v1 =	vadd.s32 v0, v1  }
0xa7: {  	[tilespmem:$0x13880] =	vst v1;
	v1 =	vadd.s32 v0, v2;
	v2 =	vld [tilespmem:$0x138F0]  }
0xa8: {  	[tilespmem:$0x13890] =	vst v1;
	v1 =	vadd.s32 v0, v3;
	v3 =	vld [tilespmem:$0x138C0]  }
0xa9: {  	[tilespmem:$0x138A0] =	vst v1;
	v1 =	vadd.s32 v0, v58  }
0xaa: {  	[tilespmem:$0x138B0] =	vst v1;
	v1 =	vadd.s32 v0, v59  }
0xab: {  	[tilespmem:$0x138D0] =	vst v1;
	v1 =	vadd.s32 v0, v60  }
0xac: {  	[tilespmem:$0x138E0] =	vst v1;
	v1 =	vadd.s32 v0, v2  }
0xad: {  	v2 =	vadd.s32 v0, v3;
	[tilespmem:$0x138F0] =	vst v1  }
0xae: {  	[tilespmem:$0x138C0] =	vst v2  }
0xaf: {  	[tilespmem:s23], [sflag:$0x1] =	stream.indirect.gather [hbm4b:s4+s22], $0x80, s19, s22, $0xb8;
	[tilespmem:$0x1BA80] =	vst v63  }
0xb0: {  	_ =	swait.ge [sflag:s30], $0x4000  }
0xb1: {  	[sflag:s30] =	ssyncset.done $0x0  }
0xb2: {  	[sflag:s30] =	ssyncadd.s32 $0xFFFFC000  }
0xb3: {  	[spmem:s1] =	stream.indirect.scatter.add.f32 [tilespmem:s28], [sflag:$0x5], $0x80, s25, s22, $0xb8;
	[tilespmem:$0x1BA80] =	vst v63  }
0xb4: {  	_ =	swait.ge [sflag:s17], $0x4000  }
0xb5: {  	[sflag:s17] =	ssyncset.done $0x0  }
0xb6: {  	s3 =	sadd.s32 $0x9D0, s3;
	[sflag:s17] =	ssyncadd.s32 $0xFFFFC000  }
0xb7: {  	[tilespmem:s24], [sflag:$0x4] =	stream.linear.gather [hbm4b:s3+s2], $0x80, $0x38;
	[tilespmem:$0x1BA80] =	vst v63  }
0xb8: {  	s0 =	sadd.s32 $0x9D0, s11  }
0xb9: {  	[tilespmem:s25], [sflag:$0x4] =	stream.linear.gather [hbm4b:s0+s2], $0x80, $0x38;
	[tilespmem:$0x1BA80] =	vst v63  }
0xba: {  	_ =	swait.ge [sflag:s26], $0x80  }
0xbb: {  	[sflag:s26] =	ssyncset.done $0x0  }
0xbc: {  	[sflag:s26] =	ssyncadd.s32 $0xFFFFFF80  }
0xbd: {  	_ =	swait.ge [sflag:s26], $0x80  }
0xbe: {  	[sflag:s26] =	ssyncset.done $0x0  }
0xbf: {  	[sflag:s26] =	ssyncadd.s32 $0xFFFFFF80  }
0xc0: {  	v1 =	vld [tilespmem:$0x13900]  }
0xc1: {  	v2 =	vld [tilespmem:$0x13910]  }
0xc2: {  	v3 =	vld [tilespmem:$0x13920]  }
0xc3: {  	v61 =	vld [tilespmem:$0x13930]  }
0xc4: {  	v62 =	vld [tilespmem:$0x13940]  }
0xc5: {  	v63 =	vld [tilespmem:$0x13950];
	v1 =	vadd.s32 v0, v1  }
0xc6: {  	[tilespmem:$0x13900] =	vst v1;
	v1 =	vadd.s32 v0, v2;
	v2 =	vld [tilespmem:$0x13960]  }
0xc7: {  	[tilespmem:$0x13910] =	vst v1;
	v1 =	vadd.s32 v0, v3;
	v3 =	vld [tilespmem:$0x13970]  }
0xc8: {  	[tilespmem:$0x13920] =	vst v1;
	v1 =	vadd.s32 v0, v61  }
0xc9: {  	[tilespmem:$0x13930] =	vst v1;
	v1 =	vadd.s32 v0, v62  }
0xca: {  	[tilespmem:$0x13940] =	vst v1;
	v1 =	vadd.s32 v0, v63  }
0xcb: {  	[tilespmem:$0x13950] =	vst v1;
	v1 =	vadd.s32 v0, v2  }
0xcc: {  	[tilespmem:$0x13960] =	vst v1;
	v1 =	vadd.s32 v0, v3  }
0xcd: {  	[tilespmem:$0x13970] =	vst v1  }
0xce: {  	[tilespmem:s28], [sflag:$0x2] =	stream.indirect.gather [hbm4b:s4+s22], $0x80, s24, s22, $0xb8;
	[tilespmem:$0x1BA80] =	vst v63  }
0xcf: {  	_ =	swait.ge [sflag:s29], $0x4000  }
0xd0: {  	[sflag:s29] =	ssyncset.done $0x0  }
0xd1: {  	[sflag:s29] =	ssyncadd.s32 $0xFFFFC000  }
0xd2: {  	[spmem:s1] =	stream.indirect.scatter.add.f32 [tilespmem:s23], [sflag:$0x5], $0x80, s20, s22, $0xb8;
	[tilespmem:$0x1BA80] =	vst v63  }
0xd3: {  	_ =	swait.ge [sflag:s17], $0x4000  }
0xd4: {  	[sflag:s17] =	ssyncset.done $0x0  }
0xd5: {  	[sflag:s17] =	ssyncadd.s32 $0xFFFFC000  }
0xd6: {  	_ =	swait.ge [sflag:s30], $0x4000  }
0xd7: {  	[sflag:s30] =	ssyncset.done $0x0  }
0xd8: {  	[sflag:s30] =	ssyncadd.s32 $0xFFFFC000  }
0xd9: {  	[spmem:s1] =	stream.indirect.scatter.add.f32 [tilespmem:s28], [sflag:$0x5], $0x80, s25, s22, $0xb8;
	[tilespmem:$0x1BA80] =	vst v63  }
0xda: {  	_ =	swait.ge [sflag:s17], $0x4000  }
0xdb: {  	s3 =	simm.s32 @!p1 $0x13880;
	[sflag:s17] =	ssyncset.done $0x0  }
0xdc: {  	s0 =	simm.s32 @!p1 $0x0;
	s9 =	rddreg [dreg:$0x6];
	[sflag:s17] =	ssyncadd.s32 $0xFFFFC000  }
0xdd: {  	[tilespmem:s3], [sflag:$0x5] =	stream.linear.gather @!p1 [hbm4b:s9+s0], $0x80, $0x38;
	[tilespmem:$0x1BA80] =	vst v63  }
0xde: {  	s9 =	simm.s32 @!p1 $0x5  }
0xdf: {  	_ =	swait.ge @!p1 [sflag:s9], $0x80  }
0xe0: {  	[sflag:s9] =	ssyncset.done @!p1 $0x0  }
0xe1: {  	s10 =	simm.s32 @!p1 $0x13980;
	s11 =	rddreg [dreg:$0x7];
	[sflag:s9] =	ssyncadd.s32 @!p1 $0xFFFFFF80  }
0xe2: {  	[tilespmem:s10], [sflag:$0x5] =	stream.linear.gather @!p1 [hbm4b:s11+s0], $0x80, $0x38;
	[tilespmem:$0x1BA80] =	vst v63  }
0xe3: {  	_ =	swait.ge @!p1 [sflag:s9], $0x80  }
0xe4: {  	[sflag:s9] =	ssyncset.done @!p1 $0x0  }
0xe5: {  	[sflag:s9] =	ssyncadd.s32 @!p1 $0xFFFFFF80  }
0xe6: {  	v1 =	vld @!p1 [tilespmem:$0x13880]  }
0xe7: {  	v2 =	vld @!p1 [tilespmem:$0x13890]  }
0xe8: {  	v3 =	vld @!p1 [tilespmem:$0x138A0]  }
0xe9: {  	v4 =	vld @!p1 [tilespmem:$0x138B0]  }
0xea: {  	v5 =	vld @!p1 [tilespmem:$0x138C0]  }
0xeb: {  	v6 =	vld @!p1 [tilespmem:$0x138D0];
	v1 =	vadd.s32 @!p1 v0, v1  }
0xec: {  	[tilespmem:$0x13880] =	vst @!p1 v1;
	v1 =	vadd.s32 @!p1 v0, v2;
	v2 =	vld @!p1 [tilespmem:$0x138E0]  }
0xed: {  	[tilespmem:$0x13890] =	vst @!p1 v1;
	v1 =	vadd.s32 @!p1 v0, v3;
	v3 =	vld @!p1 [tilespmem:$0x138F0]  }
0xee: {  	[tilespmem:$0x138A0] =	vst @!p1 v1;
	v1 =	vadd.s32 @!p1 v0, v4  }
0xef: {  	[tilespmem:$0x138B0] =	vst @!p1 v1;
	v1 =	vadd.s32 @!p1 v0, v5  }
0xf0: {  	[tilespmem:$0x138C0] =	vst @!p1 v1;
	v1 =	vadd.s32 @!p1 v0, v6  }
0xf1: {  	[tilespmem:$0x138D0] =	vst @!p1 v1;
	v1 =	vadd.s32 @!p1 v0, v2  }
0xf2: {  	[tilespmem:$0x138E0] =	vst @!p1 v1;
	v1 =	vadd.s32 @!p1 v0, v3  }
0xf3: {  	s0 =	simm.s32 @!p1 $0x80;
	s11 =	simm.s32 @!p1 $0x13A80;
	[tilespmem:$0x138F0] =	vst @!p1 v1  }
0xf4: {  	[tilespmem:s11], [sflag:$0x1] =	stream.indirect.gather @!p1 [hbm4b:s4+s0], $0x80, s3, s0, $0xb8;
	[tilespmem:$0x1BA80] =	vst v63  }
0xf5: {  	s3 =	simm.s32 @!p1 $0x1  }
0xf6: {  	_ =	swait.ge @!p1 [sflag:s3], $0x4000  }
0xf7: {  	[sflag:s3] =	ssyncset.done @!p1 $0x0  }
0xf8: {  	[sflag:s3] =	ssyncadd.s32 @!p1 $0xFFFFC000  }
0xf9: {  	[spmem:s1] =	stream.indirect.scatter.add.f32 @!p1 [tilespmem:s11], [sflag:$0x5], $0x80, s10, s0, $0xb8;
	[tilespmem:$0x1BA80] =	vst v63  }
0xfa: {  	_ =	swait.ge @!p1 [sflag:s9], $0x4000  }
0xfb: {  	[sflag:s9] =	ssyncset.done @!p1 $0x0  }
0xfc: {  	[sflag:s9] =	ssyncadd.s32 @!p1 $0xFFFFC000  }
0xfd: {  	[bflag:$0x0] =	sbarrier.arrive $0xFFFF  }
0xfe: {  	[hbm:s13], [sflag:s6] =	dma.local [spmem:s16], $0x2700  }
0xff: {  	s31 =	sadd.s32 $0x1, s31;
	_ =	swait.ge [sflag:s17], $0x2700  }
0x100: {  	p2 =	sne.s32 s31, s15;
	[sflag:s17] =	ssyncset.done $0x0  }
.Ltmp1:
0x101: {  	s0 =	simm.s32 @!p0 $0x5;
	[sflag:s17] =	ssyncadd.s32 $0xFFFFD900;
	(pc) =	sbr.rel @p2 .LBB2_1-.Ltmp1, $4  }
0x102: {  	[hbm:s14], [sflag:s6] =	dma.local @!p0 [spmem:s18], $0x100  }
0x103: {  	_ =	swait.ge @!p0 [sflag:s0], $0x100  }
0x104: {  	[sflag:s0] =	ssyncset.done @!p0 $0x0  }
0x105: {  	[sflag:s0] =	ssyncadd.s32 @!p0 $0xFFFFFF00  }
0x106: {  	_ =	sfence.sel $0x180000  }
0x107: {  	[bflag:$0x0] =	sbarrier.arrive $0xFFFF  }
0x108: {  	_ =	strace $0x9000004A  }
0x109: {  	s0 =	stileid.u32;
	[bflag:$0x2] =	sbarrier.arrive $0xFFFF  }
0x10a: {  	p0 =	sne.s32 s0, $0x0;
	s0 =	rddreg [dreg:$0x3]  }
0x10b: {  	s0 =	sadd.s32 @!p0 $0x100000, s0  }
0x10c: {  	[sflag:s0] =	ssyncadd.tile.s32 @!p0 $0x1;
	_ =	shalt  }
.Lfunc_end2:
_tile_overlayer_lowered:
.L_overlay_start_2:
0x10d: {  	(tag) =	ssettag $0x2  }
0x10e: {  	s0 =	rddreg [dreg:$0x0];
	s2 =	stileid.u32  }
0x10f: {  	s1 =	rddreg [dreg:$0x1];
	p0 =	sne.s32 s2, $0x0  }
0x110: {  	s3 =	rddreg [dreg:$0x2];
	[bflag:$0x3] =	sbarrier.arrive $0xFFFF;
	s2 =	simm.s32 @!p0 $0x1C05  }
0x111: {  	[timem:s3], [sflag:s2] =	dma.local @!p0 [hbm:s0], s1  }
0x112: {  	s0 =	simm.s32 @!p0 $0x5  }
0x113: {  	_ =	swait.ge @!p0 [sflag:s0], s1  }
0x114: {  	s1 =	ssub.s32 @!p0 $0x0, s1;
	[sflag:s0] =	ssyncset.done @!p0 $0x0  }
0x115: {  	[sflag:s0] =	ssyncadd.s32 @!p0 s1  }
0x116: {  	[bflag:$0x3] =	sbarrier.arrive $0xFFFF  }
0x117: {  	_ =	shalt  }

</sc_bundles>
